<compile_context>
chip_gen: v7x
topology: tpu7x:2x2x1
jax: 0.10.2.dev20260603
libtpu: 0.0.44.dev20260713+nightly
codegen_flags: <defaults>
</compile_context>

<pallas_src>
import functools

import jax
import jax.numpy as jnp
from jax import lax
from jax.experimental import pallas as pl
from jax.experimental.pallas import tpu as pltpu
from jax.experimental.pallas import tpu_sc as plsc


def _sc_gather3(u, i, j, gamma_u, gamma_i):
    B = u.shape[0]
    K = gamma_u.shape[1]
    info = plsc.get_sparse_core_info()
    nw = info.num_cores * info.num_subcores
    bpw = B // nw
    mesh = plsc.VectorSubcoreMesh(core_axis_name="c", subcore_axis_name="s")

    depth = 32

    @functools.partial(
        pl.kernel,
        out_type=(jax.ShapeDtypeStruct((B, K), jnp.float32),) * 3,
        mesh=mesh,
        scratch_types=[
            pltpu.VMEM((bpw, K), jnp.float32),
            pltpu.VMEM((bpw, K), jnp.float32),
            pltpu.VMEM((bpw, K), jnp.float32),
            pltpu.VMEM((bpw,), jnp.int32),
            pltpu.VMEM((bpw,), jnp.int32),
            pltpu.VMEM((bpw,), jnp.int32),
            pltpu.SemaphoreType.DMA,
        ],
    )
    def body(u_hbm, i_hbm, j_hbm, gu_hbm, gi_hbm, out_u, out_i, out_j,
             rows_u, rows_i, rows_j, su, si, sj, sem):
        wid = lax.axis_index("s") * info.num_cores + lax.axis_index("c")
        base = wid * bpw
        pltpu.sync_copy(u_hbm.at[pl.ds(base, bpw)], su)
        pltpu.sync_copy(i_hbm.at[pl.ds(base, bpw)], si)
        pltpu.sync_copy(j_hbm.at[pl.ds(base, bpw)], sj)

        def _wait3():
            for dst in (rows_u, rows_i, rows_j):
                pltpu.make_async_copy(gu_hbm.at[pl.ds(0, 1)],
                                      dst.at[pl.ds(0, 1)], sem).wait()

        nlane = info.num_lanes

        def issue(g, c):
            vu = su[pl.ds(g * nlane, nlane)]
            vi = si[pl.ds(g * nlane, nlane)]
            vj = sj[pl.ds(g * nlane, nlane)]
            for l in range(nlane):
                r = g * nlane + l
                pltpu.async_copy(gu_hbm.at[pl.ds(vu[l], 1)], rows_u.at[pl.ds(r, 1)], sem)
                pltpu.async_copy(gi_hbm.at[pl.ds(vi[l], 1)], rows_i.at[pl.ds(r, 1)], sem)
                pltpu.async_copy(gi_hbm.at[pl.ds(vj[l], 1)], rows_j.at[pl.ds(r, 1)], sem)

            @pl.when(g >= depth // nlane)
            def _():
                for _ in range(nlane):
                    _wait3()

            return c

        lax.fori_loop(0, bpw // nlane, issue, 0)

        def drain(g, c):
            for _ in range(nlane):
                _wait3()
            return c

        lax.fori_loop(0, min(depth, bpw) // nlane, drain, 0)
        pltpu.sync_copy(rows_u, out_u.at[pl.ds(base, bpw)])
        pltpu.sync_copy(rows_i, out_i.at[pl.ds(base, bpw)])
        pltpu.sync_copy(rows_j, out_j.at[pl.ds(base, bpw)])

    return body(u, i, j, gamma_u, gamma_i)


def _tc_fused(ukT, tkT, gu, gi, gj,
              W0T, b0, W1T, b1, W2T, b2,
              pW0T, pb0, pW1T, pb1, block_n=1024):
    NKP, B = ukT.shape
    K = gu.shape[1]
    nb = B // block_n
    f32 = jnp.float32

    def body(ukT_r, tkT_r, gu_r, gi_r, gj_r, W0T_r, b0_r, W1T_r, b1_r,
             W2T_r, b2_r, pW0T_r, pb0_r, pW1T_r, pb1_r,
             xui_r, xuj_r, kpsT_r, bpr_r, kp_r):
        hT = jnp.dot(W0T_r[...], ukT_r[...], preferred_element_type=f32) + b0_r[...]
        hT = jnp.maximum(jnp.dot(W1T_r[...], hT, preferred_element_type=f32) + b1_r[...], 0.0)
        hT = jnp.maximum(jnp.dot(W2T_r[...], hT, preferred_element_type=f32) + b2_r[...], 0.0)
        guT = gu_r[...].T
        giT = gi_r[...].T
        gjT = gj_r[...].T
        luT = hT + guT
        xui = jnp.sum(luT * giT, axis=0, keepdims=True)
        xuj = jnp.sum(luT * gjT, axis=0, keepdims=True)
        xui_r[...] = xui
        xuj_r[...] = xuj
        phT = jnp.maximum(
            jnp.dot(pW0T_r[...], luT + giT, preferred_element_type=f32) + pb0_r[...], 0.0)
        logitsT = jnp.dot(pW1T_r[...], phT, preferred_element_type=f32) + pb1_r[...]
        kpsT_r[...] = logitsT
        t = tkT_r[...]
        bce = (jnp.maximum(logitsT, 0.0) - logitsT * t
               + jnp.log1p(jnp.exp(-jnp.abs(logitsT))))
        z = xui - xuj
        logsig = jnp.minimum(z, 0.0) - jnp.log1p(jnp.exp(-jnp.abs(z)))

        @pl.when(pl.program_id(0) == 0)
        def _init():
            bpr_r[...] = jnp.zeros((1, 1), f32)
            kp_r[...] = jnp.zeros((1, 1), f32)

        bpr_r[...] += -jnp.sum(logsig)
        kp_r[...] += jnp.sum(bce)

        @pl.when(pl.program_id(0) == nb - 1)
        def _finish():
            bpr_r[...] = bpr_r[...] * (1.0 / B)
            kp_r[...] = kp_r[...] * (1.0 / (B * NKP))

    col = lambda b: (0, b)
    row = lambda b: (b, 0)
    rep = lambda b: (0, 0)
    in_specs = [
        pl.BlockSpec((NKP, block_n), col),
        pl.BlockSpec((NKP, block_n), col),
        pl.BlockSpec((block_n, K), row),
        pl.BlockSpec((block_n, K), row),
        pl.BlockSpec((block_n, K), row),
        pl.BlockSpec((K, NKP), rep),
        pl.BlockSpec((K, 1), rep),
        pl.BlockSpec((K, K), rep),
        pl.BlockSpec((K, 1), rep),
        pl.BlockSpec((K, K), rep),
        pl.BlockSpec((K, 1), rep),
        pl.BlockSpec((K, K), rep),
        pl.BlockSpec((K, 1), rep),
        pl.BlockSpec((NKP, K), rep),
        pl.BlockSpec((NKP, 1), rep),
    ]
    out_specs = [
        pl.BlockSpec((1, block_n), col),
        pl.BlockSpec((1, block_n), col),
        pl.BlockSpec((NKP, block_n), col),
        pl.BlockSpec((1, 1), rep),
        pl.BlockSpec((1, 1), rep),
    ]
    out_shape = [
        jax.ShapeDtypeStruct((1, B), f32),
        jax.ShapeDtypeStruct((1, B), f32),
        jax.ShapeDtypeStruct((NKP, B), f32),
        jax.ShapeDtypeStruct((1, 1), f32),
        jax.ShapeDtypeStruct((1, 1), f32),
    ]
    return pl.pallas_call(
        body,
        grid=(nb,),
        in_specs=in_specs,
        out_specs=out_specs,
        out_shape=out_shape,
    )(ukT, tkT, gu, gi, gj,
      W0T, b0, W1T, b1, W2T, b2, pW0T, pb0, pW1T, pb1)


def kernel(u, i, j, target_kps, user_kps, gamma_i, gamma_u,
           enc_W0, enc_b0, enc_W1, enc_b1, enc_W2, enc_b2,
           proj_W0, proj_b0, proj_W1, proj_b1):
    K = gamma_u.shape[1]
    NKP = user_kps.shape[1]
    gu, gi, gj = _sc_gather3(u.astype(jnp.int32), i.astype(jnp.int32),
                             j.astype(jnp.int32), gamma_u, gamma_i)
    xui, xuj, kpsT, bpr, kp = _tc_fused(
        user_kps.T, target_kps.T, gu, gi, gj,
        enc_W0.T, enc_b0.reshape(K, 1), enc_W1.T, enc_b1.reshape(K, 1),
        enc_W2.T, enc_b2.reshape(K, 1), proj_W0.T, proj_b0.reshape(K, 1),
        proj_W1.T, proj_b1.reshape(NKP, 1))
    return (xui[0], xuj[0], kpsT.T, bpr[0, 0], kp[0, 0])

# --- scband reference (transcript-rebuilt; emitter-appended) ---
"""Pipeline reference for scband-bpruser-kp-12369505813194 (READ-ONLY COPY).

The authoritative reference and input builder live on the scoring server;
editing this copy changes nothing except your own understanding.
"""

import jax, jax.numpy as jnp
import numpy as np

K = 64
N_ITEMS = 100000
N_USERS = 100000
N_KP = 1000
B = 4096


def setup_inputs(seed: int = 0) -> dict:
    key = jax.random.key(seed)
    ks = jax.random.split(key, 16)
    u = jax.random.randint(ks[0], (B,), 0, N_USERS, dtype=jnp.int64 if jax.config.jax_enable_x64 else jnp.int32)
    i = jax.random.randint(ks[1], (B,), 0, N_ITEMS, dtype=jnp.int64 if jax.config.jax_enable_x64 else jnp.int32)
    j = jax.random.randint(ks[2], (B,), 0, N_ITEMS, dtype=jnp.int64 if jax.config.jax_enable_x64 else jnp.int32)
    target_kps = jax.random.uniform(ks[3], (B, N_KP), dtype=jnp.float32)
    user_kps = jax.random.uniform(ks[4], (B, N_KP), dtype=jnp.float32)
    gamma_i = jax.random.normal(ks[5], (N_ITEMS, K), dtype=jnp.float32) * 0.02
    gamma_u = jax.random.normal(ks[6], (N_USERS, K), dtype=jnp.float32) * 0.02
    # kp_encoder: Linear(n_kp,k) -> [Linear(k,k), ReLU] x enc_layers(=2)
    enc_W0 = jax.random.normal(ks[7], (N_KP, K), dtype=jnp.float32) / np.sqrt(N_KP)
    enc_b0 = jnp.zeros((K,), dtype=jnp.float32)
    enc_W1 = jax.random.normal(ks[8], (K, K), dtype=jnp.float32) / np.sqrt(K)
    enc_b1 = jnp.zeros((K,), dtype=jnp.float32)
    enc_W2 = jax.random.normal(ks[9], (K, K), dtype=jnp.float32) / np.sqrt(K)
    enc_b2 = jnp.zeros((K,), dtype=jnp.float32)
    # kp_proj: [Linear(k,k), ReLU] x proj_layers(=1) -> Linear(k, n_kp)
    proj_W0 = jax.random.normal(ks[10], (K, K), dtype=jnp.float32) / np.sqrt(K)
    proj_b0 = jnp.zeros((K,), dtype=jnp.float32)
    proj_W1 = jax.random.normal(ks[11], (K, N_KP), dtype=jnp.float32) / np.sqrt(K)
    proj_b1 = jnp.zeros((N_KP,), dtype=jnp.float32)
    return {"u": u, "i": i, "j": j, "target_kps": target_kps, "user_kps": user_kps,
            "gamma_i": gamma_i, "gamma_u": gamma_u,
            "enc_W0": enc_W0, "enc_b0": enc_b0, "enc_W1": enc_W1, "enc_b1": enc_b1,
            "enc_W2": enc_W2, "enc_b2": enc_b2,
            "proj_W0": proj_W0, "proj_b0": proj_b0, "proj_W1": proj_W1, "proj_b1": proj_b1}


def _kp_encoder(x, W0, b0, W1, b1, W2, b2):
    h = x @ W0 + b0
    h = jax.nn.relu(h @ W1 + b1)
    h = jax.nn.relu(h @ W2 + b2)
    return h


def _kp_proj(x, W0, b0, W1, b1):
    h = jax.nn.relu(x @ W0 + b0)
    return h @ W1 + b1


def _bce_with_logits(logits, targets):
    # mean-reduced binary cross entropy with logits (stable form)
    return jnp.mean(jnp.clip(logits, 0.0, None) - logits * targets + jnp.log1p(jnp.exp(-jnp.abs(logits))))


def reference(u, i, j, target_kps, user_kps, gamma_i, gamma_u,
              enc_W0, enc_b0, enc_W1, enc_b1, enc_W2, enc_b2,
              proj_W0, proj_b0, proj_W1, proj_b1):
    # encode_user: kp_encoder(user_kps) + gamma_u[u]
    latent_u = _kp_encoder(user_kps, enc_W0, enc_b0, enc_W1, enc_b1, enc_W2, enc_b2)
    latent_u = latent_u + jnp.take(gamma_u, u, axis=0)
    latent_i = jnp.take(gamma_i, i, axis=0)
    latent_j = jnp.take(gamma_i, j, axis=0)
    x_ui = jnp.sum(latent_u * latent_i, axis=-1)
    x_uj = jnp.sum(latent_u * latent_j, axis=-1)
    kps_ui = _kp_proj(latent_u + latent_i, proj_W0, proj_b0, proj_W1, proj_b1)
    kp_loss = _bce_with_logits(kps_ui, target_kps.astype(jnp.float32))
    bpr_loss = -jnp.mean(jax.nn.log_sigmoid(x_ui - x_uj))
    return (x_ui, x_uj, kps_ui, bpr_loss, kp_loss)


if False:  # reference __main__ guard neutralized (emitter)
    out = reference(**setup_inputs())
    print([getattr(o, 'shape', None) for o in out])

if __name__ == "__main__":
    import jax
    _d = setup_inputs()
    print(jax.jit(kernel)(*tuple(_d.values())))

</pallas_src>

<mosaic_0001>
#map = affine_map<(d0, d1) -> (0)>
#map1 = affine_map<(d0, d1) -> (0, 0)>
module attributes {stable_mosaic.version = 14 : i64} {
  func.func @body(%arg0: i32, %arg1: i32, %arg2: memref<4096xi32, #tpu.memory_space<hbm>>, %arg3: memref<4096xi32, #tpu.memory_space<hbm>>, %arg4: memref<4096xi32, #tpu.memory_space<hbm>>, %arg5: memref<100000x64xf32, #tpu.memory_space<hbm>>, %arg6: memref<100000x64xf32, #tpu.memory_space<hbm>>, %arg7: memref<4096x64xf32, #tpu.memory_space<hbm>>, %arg8: memref<4096x64xf32, #tpu.memory_space<hbm>>, %arg9: memref<4096x64xf32, #tpu.memory_space<hbm>>, %arg10: memref<128x64xf32, #tpu.memory_space<vmem>>, %arg11: memref<128x64xf32, #tpu.memory_space<vmem>>, %arg12: memref<128x64xf32, #tpu.memory_space<vmem>>, %arg13: memref<128xi32, #tpu.memory_space<vmem>>, %arg14: memref<128xi32, #tpu.memory_space<vmem>>, %arg15: memref<128xi32, #tpu.memory_space<vmem>>, %arg16: memref<!tpu.dma_semaphore, #tpu.memory_space<semaphore_mem>>) attributes {dimension_semantics = [#tpu.dimension_semantics<core_parallel>, #tpu.dimension_semantics<subcore_parallel>], iteration_bounds = array<i64: 2, 16>, scalar_prefetch = 0 : i64, scratch_operands = 7 : i64, tpu.core_type = #tpu.core_type<sc_vector_subcore>, window_params = [{transform_indices = #map}, {transform_indices = #map}, {transform_indices = #map}, {transform_indices = #map1}, {transform_indices = #map1}, {transform_indices = #map1}, {transform_indices = #map1}, {transform_indices = #map1}]} {
    %mul3A = arith.constant 2 : i32
    %mul3A_0 = arith.muli %arg1, %mul3A : i32
    %add3A = arith.addi %mul3A_0, %arg0 : i32
    %mul3A_1 = arith.constant 128 : i32
    %mul3A_2 = arith.muli %add3A, %mul3A_1 : i32
    "tpu.region"() ({
      %run_scoped3A = tpu.sem_alloc : memref<!tpu.dma_semaphore, #tpu.memory_space<semaphore_mem>>
      %dma_start3A = tpu.memref_slice %arg2[%mul3A_2] : memref<4096xi32, #tpu.memory_space<hbm>> -> memref<128xi32, #tpu.memory_space<hbm>>
      %dma_start3A_14 = tpu.memref_slice %arg2[%mul3A_2] : memref<4096xi32, #tpu.memory_space<hbm>> -> memref<128xi32, #tpu.memory_space<hbm>>
      tpu.enqueue_dma source(%dma_start3A_14 : memref<128xi32, #tpu.memory_space<hbm>>) target(%arg13 : memref<128xi32, #tpu.memory_space<vmem>>) target_semaphore(%run_scoped3A : memref<!tpu.dma_semaphore, #tpu.memory_space<semaphore_mem>>)
      %dma_wait3A = tpu.memref_slice %arg2[%mul3A_2] : memref<4096xi32, #tpu.memory_space<hbm>> -> memref<128xi32, #tpu.memory_space<hbm>>
      %dma_wait3A_15 = tpu.memref_slice %arg2[%mul3A_2] : memref<4096xi32, #tpu.memory_space<hbm>> -> memref<128xi32, #tpu.memory_space<hbm>>
      tpu.wait_dma2 semaphore(%run_scoped3A : memref<!tpu.dma_semaphore, #tpu.memory_space<semaphore_mem>>) src(%dma_wait3A_15 : memref<128xi32, #tpu.memory_space<hbm>>) dst(%arg13 : memref<128xi32, #tpu.memory_space<vmem>>)
      tpu.yield
    }) : () -> ()
    "tpu.region"() ({
      %run_scoped3A = tpu.sem_alloc : memref<!tpu.dma_semaphore, #tpu.memory_space<semaphore_mem>>
      %dma_start3A = tpu.memref_slice %arg3[%mul3A_2] : memref<4096xi32, #tpu.memory_space<hbm>> -> memref<128xi32, #tpu.memory_space<hbm>>
      %dma_start3A_14 = tpu.memref_slice %arg3[%mul3A_2] : memref<4096xi32, #tpu.memory_space<hbm>> -> memref<128xi32, #tpu.memory_space<hbm>>
      tpu.enqueue_dma source(%dma_start3A_14 : memref<128xi32, #tpu.memory_space<hbm>>) target(%arg14 : memref<128xi32, #tpu.memory_space<vmem>>) target_semaphore(%run_scoped3A : memref<!tpu.dma_semaphore, #tpu.memory_space<semaphore_mem>>)
      %dma_wait3A = tpu.memref_slice %arg3[%mul3A_2] : memref<4096xi32, #tpu.memory_space<hbm>> -> memref<128xi32, #tpu.memory_space<hbm>>
      %dma_wait3A_15 = tpu.memref_slice %arg3[%mul3A_2] : memref<4096xi32, #tpu.memory_space<hbm>> -> memref<128xi32, #tpu.memory_space<hbm>>
      tpu.wait_dma2 semaphore(%run_scoped3A : memref<!tpu.dma_semaphore, #tpu.memory_space<semaphore_mem>>) src(%dma_wait3A_15 : memref<128xi32, #tpu.memory_space<hbm>>) dst(%arg14 : memref<128xi32, #tpu.memory_space<vmem>>)
      tpu.yield
    }) : () -> ()
    "tpu.region"() ({
      %run_scoped3A = tpu.sem_alloc : memref<!tpu.dma_semaphore, #tpu.memory_space<semaphore_mem>>
      %dma_start3A = tpu.memref_slice %arg4[%mul3A_2] : memref<4096xi32, #tpu.memory_space<hbm>> -> memref<128xi32, #tpu.memory_space<hbm>>
      %dma_start3A_14 = tpu.memref_slice %arg4[%mul3A_2] : memref<4096xi32, #tpu.memory_space<hbm>> -> memref<128xi32, #tpu.memory_space<hbm>>
      tpu.enqueue_dma source(%dma_start3A_14 : memref<128xi32, #tpu.memory_space<hbm>>) target(%arg15 : memref<128xi32, #tpu.memory_space<vmem>>) target_semaphore(%run_scoped3A : memref<!tpu.dma_semaphore, #tpu.memory_space<semaphore_mem>>)
      %dma_wait3A = tpu.memref_slice %arg4[%mul3A_2] : memref<4096xi32, #tpu.memory_space<hbm>> -> memref<128xi32, #tpu.memory_space<hbm>>
      %dma_wait3A_15 = tpu.memref_slice %arg4[%mul3A_2] : memref<4096xi32, #tpu.memory_space<hbm>> -> memref<128xi32, #tpu.memory_space<hbm>>
      tpu.wait_dma2 semaphore(%run_scoped3A : memref<!tpu.dma_semaphore, #tpu.memory_space<semaphore_mem>>) src(%dma_wait3A_15 : memref<128xi32, #tpu.memory_space<hbm>>) dst(%arg15 : memref<128xi32, #tpu.memory_space<vmem>>)
      tpu.yield
    }) : () -> ()
    %scan3A = arith.constant 0 : i32
    %scan3A_3 = arith.constant 0 : i32
    %scan3A_4 = arith.constant 8 : i32
    %scan3A_5 = arith.addi %scan3A_3, %scan3A_4 : i32
    %scan3A_6 = arith.constant 1 : i32
    scf.for %scan3A_14 = %scan3A_3 to %scan3A_5 step %scan3A_6  : i32 {
      %mul3A_15 = arith.constant 16 : i32
      %mul3A_16 = arith.muli %scan3A_14, %mul3A_15 : i32
      %get3A = arith.index_cast %mul3A_16 : i32 to index
      %get3A_17 = tpu.vector_load %arg13[%get3A] {strides = array<i32>} : memref<128xi32, #tpu.memory_space<vmem>>, vector<16xi32>,
      %get3A_18 = vector.shape_cast %get3A_17 : vector<16xi32> to vector<16xi32>
      %mul3A_19 = arith.constant 16 : i32
      %mul3A_20 = arith.muli %scan3A_14, %mul3A_19 : i32
      %get3A_21 = arith.index_cast %mul3A_20 : i32 to index
      %get3A_22 = tpu.vector_load %arg14[%get3A_21] {strides = array<i32>} : memref<128xi32, #tpu.memory_space<vmem>>, vector<16xi32>,
      %get3A_23 = vector.shape_cast %get3A_22 : vector<16xi32> to vector<16xi32>
      %mul3A_24 = arith.constant 16 : i32
      %mul3A_25 = arith.muli %scan3A_14, %mul3A_24 : i32
      %get3A_26 = arith.index_cast %mul3A_25 : i32 to index
      %get3A_27 = tpu.vector_load %arg15[%get3A_26] {strides = array<i32>} : memref<128xi32, #tpu.memory_space<vmem>>, vector<16xi32>,
      %get3A_28 = vector.shape_cast %get3A_27 : vector<16xi32> to vector<16xi32>
      %mul3A_29 = arith.constant 16 : i32
      %mul3A_30 = arith.muli %scan3A_14, %mul3A_29 : i32
      %add3A_31 = arith.constant 0 : i32
      %add3A_32 = arith.addi %mul3A_30, %add3A_31 : i32
      %slice3A = vector.extract_strided_slice %get3A_18 {offsets = [0], sizes = [1], strides = [1]} : vector<16xi32> to vector<1xi32>
      %squeeze3A = vector.extract %slice3A[0] : i32 from vector<1xi32>
      %dma_start3A = arith.constant 0 : i32
      %dma_start3A_33 = tpu.memref_slice %arg10[%add3A_32, %dma_start3A] : memref<128x64xf32, #tpu.memory_space<vmem>> -> memref<1x64xf32, #tpu.memory_space<vmem>>
      %dma_start3A_34 = arith.constant 0 : i32
      %dma_start3A_35 = tpu.memref_slice %arg5[%squeeze3A, %dma_start3A_34] : memref<100000x64xf32, #tpu.memory_space<hbm>> -> memref<1x64xf32, #tpu.memory_space<hbm>>
      %dma_start3A_36 = arith.constant 0 : i32
      %dma_start3A_37 = tpu.memref_slice %arg10[%add3A_32, %dma_start3A_36] : memref<128x64xf32, #tpu.memory_space<vmem>> -> memref<1x64xf32, #tpu.memory_space<vmem>>
      %dma_start3A_38 = arith.constant 0 : i32
      %dma_start3A_39 = tpu.memref_slice %arg5[%squeeze3A, %dma_start3A_38] : memref<100000x64xf32, #tpu.memory_space<hbm>> -> memref<1x64xf32, #tpu.memory_space<hbm>>
      tpu.enqueue_dma source(%dma_start3A_39 : memref<1x64xf32, #tpu.memory_space<hbm>>) target(%dma_start3A_37 : memref<1x64xf32, #tpu.memory_space<vmem>>) target_semaphore(%arg16 : memref<!tpu.dma_semaphore, #tpu.memory_space<semaphore_mem>>)
      %slice3A_40 = vector.extract_strided_slice %get3A_23 {offsets = [0], sizes = [1], strides = [1]} : vector<16xi32> to vector<1xi32>
      %squeeze3A_41 = vector.extract %slice3A_40[0] : i32 from vector<1xi32>
      %dma_start3A_42 = arith.constant 0 : i32
      %dma_start3A_43 = tpu.memref_slice %arg11[%add3A_32, %dma_start3A_42] : memref<128x64xf32, #tpu.memory_space<vmem>> -> memref<1x64xf32, #tpu.memory_space<vmem>>
      %dma_start3A_44 = arith.constant 0 : i32
      %dma_start3A_45 = tpu.memref_slice %arg6[%squeeze3A_41, %dma_start3A_44] : memref<100000x64xf32, #tpu.memory_space<hbm>> -> memref<1x64xf32, #tpu.memory_space<hbm>>
      %dma_start3A_46 = arith.constant 0 : i32
      %dma_start3A_47 = tpu.memref_slice %arg11[%add3A_32, %dma_start3A_46] : memref<128x64xf32, #tpu.memory_space<vmem>> -> memref<1x64xf32, #tpu.memory_space<vmem>>
      %dma_start3A_48 = arith.constant 0 : i32
      %dma_start3A_49 = tpu.memref_slice %arg6[%squeeze3A_41, %dma_start3A_48] : memref<100000x64xf32, #tpu.memory_space<hbm>> -> memref<1x64xf32, #tpu.memory_space<hbm>>
      tpu.enqueue_dma source(%dma_start3A_49 : memref<1x64xf32, #tpu.memory_space<hbm>>) target(%dma_start3A_47 : memref<1x64xf32, #tpu.memory_space<vmem>>) target_semaphore(%arg16 : memref<!tpu.dma_semaphore, #tpu.memory_space<semaphore_mem>>)
      %slice3A_50 = vector.extract_strided_slice %get3A_28 {offsets = [0], sizes = [1], strides = [1]} : vector<16xi32> to vector<1xi32>
      %squeeze3A_51 = vector.extract %slice3A_50[0] : i32 from vector<1xi32>
      %dma_start3A_52 = arith.constant 0 : i32
      %dma_start3A_53 = tpu.memref_slice %arg12[%add3A_32, %dma_start3A_52] : memref<128x64xf32, #tpu.memory_space<vmem>> -> memref<1x64xf32, #tpu.memory_space<vmem>>
      %dma_start3A_54 = arith.constant 0 : i32
      %dma_start3A_55 = tpu.memref_slice %arg6[%squeeze3A_51, %dma_start3A_54] : memref<100000x64xf32, #tpu.memory_space<hbm>> -> memref<1x64xf32, #tpu.memory_space<hbm>>
      %dma_start3A_56 = arith.constant 0 : i32
      %dma_start3A_57 = tpu.memref_slice %arg12[%add3A_32, %dma_start3A_56] : memref<128x64xf32, #tpu.memory_space<vmem>> -> memref<1x64xf32, #tpu.memory_space<vmem>>
      %dma_start3A_58 = arith.constant 0 : i32
      %dma_start3A_59 = tpu.memref_slice %arg6[%squeeze3A_51, %dma_start3A_58] : memref<100000x64xf32, #tpu.memory_space<hbm>> -> memref<1x64xf32, #tpu.memory_space<hbm>>
      tpu.enqueue_dma source(%dma_start3A_59 : memref<1x64xf32, #tpu.memory_space<hbm>>) target(%dma_start3A_57 : memref<1x64xf32, #tpu.memory_space<vmem>>) target_semaphore(%arg16 : memref<!tpu.dma_semaphore, #tpu.memory_space<semaphore_mem>>)
      %mul3A_60 = arith.constant 16 : i32
      %mul3A_61 = arith.muli %scan3A_14, %mul3A_60 : i32
      %add3A_62 = arith.constant 1 : i32
      %add3A_63 = arith.addi %mul3A_61, %add3A_62 : i32
      %slice3A_64 = vector.extract_strided_slice %get3A_18 {offsets = [1], sizes = [1], strides = [1]} : vector<16xi32> to vector<1xi32>
      %squeeze3A_65 = vector.extract %slice3A_64[0] : i32 from vector<1xi32>
      %dma_start3A_66 = arith.constant 0 : i32
      %dma_start3A_67 = tpu.memref_slice %arg10[%add3A_63, %dma_start3A_66] : memref<128x64xf32, #tpu.memory_space<vmem>> -> memref<1x64xf32, #tpu.memory_space<vmem>>
      %dma_start3A_68 = arith.constant 0 : i32
      %dma_start3A_69 = tpu.memref_slice %arg5[%squeeze3A_65, %dma_start3A_68] : memref<100000x64xf32, #tpu.memory_space<hbm>> -> memref<1x64xf32, #tpu.memory_space<hbm>>
      %dma_start3A_70 = arith.constant 0 : i32
      %dma_start3A_71 = tpu.memref_slice %arg10[%add3A_63, %dma_start3A_70] : memref<128x64xf32, #tpu.memory_space<vmem>> -> memref<1x64xf32, #tpu.memory_space<vmem>>
      %dma_start3A_72 = arith.constant 0 : i32
      %dma_start3A_73 = tpu.memref_slice %arg5[%squeeze3A_65, %dma_start3A_72] : memref<100000x64xf32, #tpu.memory_space<hbm>> -> memref<1x64xf32, #tpu.memory_space<hbm>>
      tpu.enqueue_dma source(%dma_start3A_73 : memref<1x64xf32, #tpu.memory_space<hbm>>) target(%dma_start3A_71 : memref<1x64xf32, #tpu.memory_space<vmem>>) target_semaphore(%arg16 : memref<!tpu.dma_semaphore, #tpu.memory_space<semaphore_mem>>)
      %slice3A_74 = vector.extract_strided_slice %get3A_23 {offsets = [1], sizes = [1], strides = [1]} : vector<16xi32> to vector<1xi32>
      %squeeze3A_75 = vector.extract %slice3A_74[0] : i32 from vector<1xi32>
      %dma_start3A_76 = arith.constant 0 : i32
      %dma_start3A_77 = tpu.memref_slice %arg11[%add3A_63, %dma_start3A_76] : memref<128x64xf32, #tpu.memory_space<vmem>> -> memref<1x64xf32, #tpu.memory_space<vmem>>
      %dma_start3A_78 = arith.constant 0 : i32
      %dma_start3A_79 = tpu.memref_slice %arg6[%squeeze3A_75, %dma_start3A_78] : memref<100000x64xf32, #tpu.memory_space<hbm>> -> memref<1x64xf32, #tpu.memory_space<hbm>>
      %dma_start3A_80 = arith.constant 0 : i32
      %dma_start3A_81 = tpu.memref_slice %arg11[%add3A_63, %dma_start3A_80] : memref<128x64xf32, #tpu.memory_space<vmem>> -> memref<1x64xf32, #tpu.memory_space<vmem>>
      %dma_start3A_82 = arith.constant 0 : i32
      %dma_start3A_83 = tpu.memref_slice %arg6[%squeeze3A_75, %dma_start3A_82] : memref<100000x64xf32, #tpu.memory_space<hbm>> -> memref<1x64xf32, #tpu.memory_space<hbm>>
      tpu.enqueue_dma source(%dma_start3A_83 : memref<1x64xf32, #tpu.memory_space<hbm>>) target(%dma_start3A_81 : memref<1x64xf32, #tpu.memory_space<vmem>>) target_semaphore(%arg16 : memref<!tpu.dma_semaphore, #tpu.memory_space<semaphore_mem>>)
      %slice3A_84 = vector.extract_strided_slice %get3A_28 {offsets = [1], sizes = [1], strides = [1]} : vector<16xi32> to vector<1xi32>
      %squeeze3A_85 = vector.extract %slice3A_84[0] : i32 from vector<1xi32>
      %dma_start3A_86 = arith.constant 0 : i32
      %dma_start3A_87 = tpu.memref_slice %arg12[%add3A_63, %dma_start3A_86] : memref<128x64xf32, #tpu.memory_space<vmem>> -> memref<1x64xf32, #tpu.memory_space<vmem>>
      %dma_start3A_88 = arith.constant 0 : i32
      %dma_start3A_89 = tpu.memref_slice %arg6[%squeeze3A_85, %dma_start3A_88] : memref<100000x64xf32, #tpu.memory_space<hbm>> -> memref<1x64xf32, #tpu.memory_space<hbm>>
      %dma_start3A_90 = arith.constant 0 : i32
      %dma_start3A_91 = tpu.memref_slice %arg12[%add3A_63, %dma_start3A_90] : memref<128x64xf32, #tpu.memory_space<vmem>> -> memref<1x64xf32, #tpu.memory_space<vmem>>
      %dma_start3A_92 = arith.constant 0 : i32
      %dma_start3A_93 = tpu.memref_slice %arg6[%squeeze3A_85, %dma_start3A_92] : memref<100000x64xf32, #tpu.memory_space<hbm>> -> memref<1x64xf32, #tpu.memory_space<hbm>>
      tpu.enqueue_dma source(%dma_start3A_93 : memref<1x64xf32, #tpu.memory_space<hbm>>) target(%dma_start3A_91 : memref<1x64xf32, #tpu.memory_space<vmem>>) target_semaphore(%arg16 : memref<!tpu.dma_semaphore, #tpu.memory_space<semaphore_mem>>)
      %mul3A_94 = arith.constant 16 : i32
      %mul3A_95 = arith.muli %scan3A_14, %mul3A_94 : i32
      %add3A_96 = arith.constant 2 : i32
      %add3A_97 = arith.addi %mul3A_95, %add3A_96 : i32
      %slice3A_98 = vector.extract_strided_slice %get3A_18 {offsets = [2], sizes = [1], strides = [1]} : vector<16xi32> to vector<1xi32>
      %squeeze3A_99 = vector.extract %slice3A_98[0] : i32 from vector<1xi32>
      %dma_start3A_100 = arith.constant 0 : i32
      %dma_start3A_101 = tpu.memref_slice %arg10[%add3A_97, %dma_start3A_100] : memref<128x64xf32, #tpu.memory_space<vmem>> -> memref<1x64xf32, #tpu.memory_space<vmem>>
      %dma_start3A_102 = arith.constant 0 : i32
      %dma_start3A_103 = tpu.memref_slice %arg5[%squeeze3A_99, %dma_start3A_102] : memref<100000x64xf32, #tpu.memory_space<hbm>> -> memref<1x64xf32, #tpu.memory_space<hbm>>
      %dma_start3A_104 = arith.constant 0 : i32
      %dma_start3A_105 = tpu.memref_slice %arg10[%add3A_97, %dma_start3A_104] : memref<128x64xf32, #tpu.memory_space<vmem>> -> memref<1x64xf32, #tpu.memory_space<vmem>>
      %dma_start3A_106 = arith.constant 0 : i32
      %dma_start3A_107 = tpu.memref_slice %arg5[%squeeze3A_99, %dma_start3A_106] : memref<100000x64xf32, #tpu.memory_space<hbm>> -> memref<1x64xf32, #tpu.memory_space<hbm>>
      tpu.enqueue_dma source(%dma_start3A_107 : memref<1x64xf32, #tpu.memory_space<hbm>>) target(%dma_start3A_105 : memref<1x64xf32, #tpu.memory_space<vmem>>) target_semaphore(%arg16 : memref<!tpu.dma_semaphore, #tpu.memory_space<semaphore_mem>>)
      %slice3A_108 = vector.extract_strided_slice %get3A_23 {offsets = [2], sizes = [1], strides = [1]} : vector<16xi32> to vector<1xi32>
      %squeeze3A_109 = vector.extract %slice3A_108[0] : i32 from vector<1xi32>
      %dma_start3A_110 = arith.constant 0 : i32
      %dma_start3A_111 = tpu.memref_slice %arg11[%add3A_97, %dma_start3A_110] : memref<128x64xf32, #tpu.memory_space<vmem>> -> memref<1x64xf32, #tpu.memory_space<vmem>>
      %dma_start3A_112 = arith.constant 0 : i32
      %dma_start3A_113 = tpu.memref_slice %arg6[%squeeze3A_109, %dma_start3A_112] : memref<100000x64xf32, #tpu.memory_space<hbm>> -> memref<1x64xf32, #tpu.memory_space<hbm>>
      %dma_start3A_114 = arith.constant 0 : i32
      %dma_start3A_115 = tpu.memref_slice %arg11[%add3A_97, %dma_start3A_114] : memref<128x64xf32, #tpu.memory_space<vmem>> -> memref<1x64xf32, #tpu.memory_space<vmem>>
      %dma_start3A_116 = arith.constant 0 : i32
      %dma_start3A_117 = tpu.memref_slice %arg6[%squeeze3A_109, %dma_start3A_116] : memref<100000x64xf32, #tpu.memory_space<hbm>> -> memref<1x64xf32, #tpu.memory_space<hbm>>
      tpu.enqueue_dma source(%dma_start3A_117 : memref<1x64xf32, #tpu.memory_space<hbm>>) target(%dma_start3A_115 : memref<1x64xf32, #tpu.memory_space<vmem>>) target_semaphore(%arg16 : memref<!tpu.dma_semaphore, #tpu.memory_space<semaphore_mem>>)
      %slice3A_118 = vector.extract_strided_slice %get3A_28 {offsets = [2], sizes = [1], strides = [1]} : vector<16xi32> to vector<1xi32>
      %squeeze3A_119 = vector.extract %slice3A_118[0] : i32 from vector<1xi32>
      %dma_start3A_120 = arith.constant 0 : i32
      %dma_start3A_121 = tpu.memref_slice %arg12[%add3A_97, %dma_start3A_120] : memref<128x64xf32, #tpu.memory_space<vmem>> -> memref<1x64xf32, #tpu.memory_space<vmem>>
      %dma_start3A_122 = arith.constant 0 : i32
      %dma_start3A_123 = tpu.memref_slice %arg6[%squeeze3A_119, %dma_start3A_122] : memref<100000x64xf32, #tpu.memory_space<hbm>> -> memref<1x64xf32, #tpu.memory_space<hbm>>
      %dma_start3A_124 = arith.constant 0 : i32
      %dma_start3A_125 = tpu.memref_slice %arg12[%add3A_97, %dma_start3A_124] : memref<128x64xf32, #tpu.memory_space<vmem>> -> memref<1x64xf32, #tpu.memory_space<vmem>>
      %dma_start3A_126 = arith.constant 0 : i32
      %dma_start3A_127 = tpu.memref_slice %arg6[%squeeze3A_119, %dma_start3A_126] : memref<100000x64xf32, #tpu.memory_space<hbm>> -> memref<1x64xf32, #tpu.memory_space<hbm>>
      tpu.enqueue_dma source(%dma_start3A_127 : memref<1x64xf32, #tpu.memory_space<hbm>>) target(%dma_start3A_125 : memref<1x64xf32, #tpu.memory_space<vmem>>) target_semaphore(%arg16 : memref<!tpu.dma_semaphore, #tpu.memory_space<semaphore_mem>>)
      %mul3A_128 = arith.constant 16 : i32
      %mul3A_129 = arith.muli %scan3A_14, %mul3A_128 : i32
      %add3A_130 = arith.constant 3 : i32
      %add3A_131 = arith.addi %mul3A_129, %add3A_130 : i32
      %slice3A_132 = vector.extract_strided_slice %get3A_18 {offsets = [3], sizes = [1], strides = [1]} : vector<16xi32> to vector<1xi32>
      %squeeze3A_133 = vector.extract %slice3A_132[0] : i32 from vector<1xi32>
      %dma_start3A_134 = arith.constant 0 : i32
      %dma_start3A_135 = tpu.memref_slice %arg10[%add3A_131, %dma_start3A_134] : memref<128x64xf32, #tpu.memory_space<vmem>> -> memref<1x64xf32, #tpu.memory_space<vmem>>
      %dma_start3A_136 = arith.constant 0 : i32
      %dma_start3A_137 = tpu.memref_slice %arg5[%squeeze3A_133, %dma_start3A_136] : memref<100000x64xf32, #tpu.memory_space<hbm>> -> memref<1x64xf32, #tpu.memory_space<hbm>>
      %dma_start3A_138 = arith.constant 0 : i32
      %dma_start3A_139 = tpu.memref_slice %arg10[%add3A_131, %dma_start3A_138] : memref<128x64xf32, #tpu.memory_space<vmem>> -> memref<1x64xf32, #tpu.memory_space<vmem>>
      %dma_start3A_140 = arith.constant 0 : i32
      %dma_start3A_141 = tpu.memref_slice %arg5[%squeeze3A_133, %dma_start3A_140] : memref<100000x64xf32, #tpu.memory_space<hbm>> -> memref<1x64xf32, #tpu.memory_space<hbm>>
      tpu.enqueue_dma source(%dma_start3A_141 : memref<1x64xf32, #tpu.memory_space<hbm>>) target(%dma_start3A_139 : memref<1x64xf32, #tpu.memory_space<vmem>>) target_semaphore(%arg16 : memref<!tpu.dma_semaphore, #tpu.memory_space<semaphore_mem>>)
      %slice3A_142 = vector.extract_strided_slice %get3A_23 {offsets = [3], sizes = [1], strides = [1]} : vector<16xi32> to vector<1xi32>
      %squeeze3A_143 = vector.extract %slice3A_142[0] : i32 from vector<1xi32>
      %dma_start3A_144 = arith.constant 0 : i32
      %dma_start3A_145 = tpu.memref_slice %arg11[%add3A_131, %dma_start3A_144] : memref<128x64xf32, #tpu.memory_space<vmem>> -> memref<1x64xf32, #tpu.memory_space<vmem>>
      %dma_start3A_146 = arith.constant 0 : i32
      %dma_start3A_147 = tpu.memref_slice %arg6[%squeeze3A_143, %dma_start3A_146] : memref<100000x64xf32, #tpu.memory_space<hbm>> -> memref<1x64xf32, #tpu.memory_space<hbm>>
      %dma_start3A_148 = arith.constant 0 : i32
      %dma_start3A_149 = tpu.memref_slice %arg11[%add3A_131, %dma_start3A_148] : memref<128x64xf32, #tpu.memory_space<vmem>> -> memref<1x64xf32, #tpu.memory_space<vmem>>
      %dma_start3A_150 = arith.constant 0 : i32
      %dma_start3A_151 = tpu.memref_slice %arg6[%squeeze3A_143, %dma_start3A_150] : memref<100000x64xf32, #tpu.memory_space<hbm>> -> memref<1x64xf32, #tpu.memory_space<hbm>>
      tpu.enqueue_dma source(%dma_start3A_151 : memref<1x64xf32, #tpu.memory_space<hbm>>) target(%dma_start3A_149 : memref<1x64xf32, #tpu.memory_space<vmem>>) target_semaphore(%arg16 : memref<!tpu.dma_semaphore, #tpu.memory_space<semaphore_mem>>)
      %slice3A_152 = vector.extract_strided_slice %get3A_28 {offsets = [3], sizes = [1], strides = [1]} : vector<16xi32> to vector<1xi32>
      %squeeze3A_153 = vector.extract %slice3A_152[0] : i32 from vector<1xi32>
      %dma_start3A_154 = arith.constant 0 : i32
      %dma_start3A_155 = tpu.memref_slice %arg12[%add3A_131, %dma_start3A_154] : memref<128x64xf32, #tpu.memory_space<vmem>> -> memref<1x64xf32, #tpu.memory_space<vmem>>
      %dma_start3A_156 = arith.constant 0 : i32
      %dma_start3A_157 = tpu.memref_slice %arg6[%squeeze3A_153, %dma_start3A_156] : memref<100000x64xf32, #tpu.memory_space<hbm>> -> memref<1x64xf32, #tpu.memory_space<hbm>>
      %dma_start3A_158 = arith.constant 0 : i32
      %dma_start3A_159 = tpu.memref_slice %arg12[%add3A_131, %dma_start3A_158] : memref<128x64xf32, #tpu.memory_space<vmem>> -> memref<1x64xf32, #tpu.memory_space<vmem>>
      %dma_start3A_160 = arith.constant 0 : i32
      %dma_start3A_161 = tpu.memref_slice %arg6[%squeeze3A_153, %dma_start3A_160] : memref<100000x64xf32, #tpu.memory_space<hbm>> -> memref<1x64xf32, #tpu.memory_space<hbm>>
      tpu.enqueue_dma source(%dma_start3A_161 : memref<1x64xf32, #tpu.memory_space<hbm>>) target(%dma_start3A_159 : memref<1x64xf32, #tpu.memory_space<vmem>>) target_semaphore(%arg16 : memref<!tpu.dma_semaphore, #tpu.memory_space<semaphore_mem>>)
      %mul3A_162 = arith.constant 16 : i32
      %mul3A_163 = arith.muli %scan3A_14, %mul3A_162 : i32
      %add3A_164 = arith.constant 4 : i32
      %add3A_165 = arith.addi %mul3A_163, %add3A_164 : i32
      %slice3A_166 = vector.extract_strided_slice %get3A_18 {offsets = [4], sizes = [1], strides = [1]} : vector<16xi32> to vector<1xi32>
      %squeeze3A_167 = vector.extract %slice3A_166[0] : i32 from vector<1xi32>
      %dma_start3A_168 = arith.constant 0 : i32
      %dma_start3A_169 = tpu.memref_slice %arg10[%add3A_165, %dma_start3A_168] : memref<128x64xf32, #tpu.memory_space<vmem>> -> memref<1x64xf32, #tpu.memory_space<vmem>>
      %dma_start3A_170 = arith.constant 0 : i32
      %dma_start3A_171 = tpu.memref_slice %arg5[%squeeze3A_167, %dma_start3A_170] : memref<100000x64xf32, #tpu.memory_space<hbm>> -> memref<1x64xf32, #tpu.memory_space<hbm>>
      %dma_start3A_172 = arith.constant 0 : i32
      %dma_start3A_173 = tpu.memref_slice %arg10[%add3A_165, %dma_start3A_172] : memref<128x64xf32, #tpu.memory_space<vmem>> -> memref<1x64xf32, #tpu.memory_space<vmem>>
      %dma_start3A_174 = arith.constant 0 : i32
      %dma_start3A_175 = tpu.memref_slice %arg5[%squeeze3A_167, %dma_start3A_174] : memref<100000x64xf32, #tpu.memory_space<hbm>> -> memref<1x64xf32, #tpu.memory_space<hbm>>
      tpu.enqueue_dma source(%dma_start3A_175 : memref<1x64xf32, #tpu.memory_space<hbm>>) target(%dma_start3A_173 : memref<1x64xf32, #tpu.memory_space<vmem>>) target_semaphore(%arg16 : memref<!tpu.dma_semaphore, #tpu.memory_space<semaphore_mem>>)
      %slice3A_176 = vector.extract_strided_slice %get3A_23 {offsets = [4], sizes = [1], strides = [1]} : vector<16xi32> to vector<1xi32>
      %squeeze3A_177 = vector.extract %slice3A_176[0] : i32 from vector<1xi32>
      %dma_start3A_178 = arith.constant 0 : i32
      %dma_start3A_179 = tpu.memref_slice %arg11[%add3A_165, %dma_start3A_178] : memref<128x64xf32, #tpu.memory_space<vmem>> -> memref<1x64xf32, #tpu.memory_space<vmem>>
      %dma_start3A_180 = arith.constant 0 : i32
      %dma_start3A_181 = tpu.memref_slice %arg6[%squeeze3A_177, %dma_start3A_180] : memref<100000x64xf32, #tpu.memory_space<hbm>> -> memref<1x64xf32, #tpu.memory_space<hbm>>
      %dma_start3A_182 = arith.constant 0 : i32
      %dma_start3A_183 = tpu.memref_slice %arg11[%add3A_165, %dma_start3A_182] : memref<128x64xf32, #tpu.memory_space<vmem>> -> memref<1x64xf32, #tpu.memory_space<vmem>>
      %dma_start3A_184 = arith.constant 0 : i32
      %dma_start3A_185 = tpu.memref_slice %arg6[%squeeze3A_177, %dma_start3A_184] : memref<100000x64xf32, #tpu.memory_space<hbm>> -> memref<1x64xf32, #tpu.memory_space<hbm>>
      tpu.enqueue_dma source(%dma_start3A_185 : memref<1x64xf32, #tpu.memory_space<hbm>>) target(%dma_start3A_183 : memref<1x64xf32, #tpu.memory_space<vmem>>) target_semaphore(%arg16 : memref<!tpu.dma_semaphore, #tpu.memory_space<semaphore_mem>>)
      %slice3A_186 = vector.extract_strided_slice %get3A_28 {offsets = [4], sizes = [1], strides = [1]} : vector<16xi32> to vector<1xi32>
      %squeeze3A_187 = vector.extract %slice3A_186[0] : i32 from vector<1xi32>
      %dma_start3A_188 = arith.constant 0 : i32
      %dma_start3A_189 = tpu.memref_slice %arg12[%add3A_165, %dma_start3A_188] : memref<128x64xf32, #tpu.memory_space<vmem>> -> memref<1x64xf32, #tpu.memory_space<vmem>>
      %dma_start3A_190 = arith.constant 0 : i32
      %dma_start3A_191 = tpu.memref_slice %arg6[%squeeze3A_187, %dma_start3A_190] : memref<100000x64xf32, #tpu.memory_space<hbm>> -> memref<1x64xf32, #tpu.memory_space<hbm>>
      %dma_start3A_192 = arith.constant 0 : i32
      %dma_start3A_193 = tpu.memref_slice %arg12[%add3A_165, %dma_start3A_192] : memref<128x64xf32, #tpu.memory_space<vmem>> -> memref<1x64xf32, #tpu.memory_space<vmem>>
      %dma_start3A_194 = arith.constant 0 : i32
      %dma_start3A_195 = tpu.memref_slice %arg6[%squeeze3A_187, %dma_start3A_194] : memref<100000x64xf32, #tpu.memory_space<hbm>> -> memref<1x64xf32, #tpu.memory_space<hbm>>
      tpu.enqueue_dma source(%dma_start3A_195 : memref<1x64xf32, #tpu.memory_space<hbm>>) target(%dma_start3A_193 : memref<1x64xf32, #tpu.memory_space<vmem>>) target_semaphore(%arg16 : memref<!tpu.dma_semaphore, #tpu.memory_space<semaphore_mem>>)
      %mul3A_196 = arith.constant 16 : i32
      %mul3A_197 = arith.muli %scan3A_14, %mul3A_196 : i32
      %add3A_198 = arith.constant 5 : i32
      %add3A_199 = arith.addi %mul3A_197, %add3A_198 : i32
      %slice3A_200 = vector.extract_strided_slice %get3A_18 {offsets = [5], sizes = [1], strides = [1]} : vector<16xi32> to vector<1xi32>
      %squeeze3A_201 = vector.extract %slice3A_200[0] : i32 from vector<1xi32>
      %dma_start3A_202 = arith.constant 0 : i32
      %dma_start3A_203 = tpu.memref_slice %arg10[%add3A_199, %dma_start3A_202] : memref<128x64xf32, #tpu.memory_space<vmem>> -> memref<1x64xf32, #tpu.memory_space<vmem>>
      %dma_start3A_204 = arith.constant 0 : i32
      %dma_start3A_205 = tpu.memref_slice %arg5[%squeeze3A_201, %dma_start3A_204] : memref<100000x64xf32, #tpu.memory_space<hbm>> -> memref<1x64xf32, #tpu.memory_space<hbm>>
      %dma_start3A_206 = arith.constant 0 : i32
      %dma_start3A_207 = tpu.memref_slice %arg10[%add3A_199, %dma_start3A_206] : memref<128x64xf32, #tpu.memory_space<vmem>> -> memref<1x64xf32, #tpu.memory_space<vmem>>
      %dma_start3A_208 = arith.constant 0 : i32
      %dma_start3A_209 = tpu.memref_slice %arg5[%squeeze3A_201, %dma_start3A_208] : memref<100000x64xf32, #tpu.memory_space<hbm>> -> memref<1x64xf32, #tpu.memory_space<hbm>>
      tpu.enqueue_dma source(%dma_start3A_209 : memref<1x64xf32, #tpu.memory_space<hbm>>) target(%dma_start3A_207 : memref<1x64xf32, #tpu.memory_space<vmem>>) target_semaphore(%arg16 : memref<!tpu.dma_semaphore, #tpu.memory_space<semaphore_mem>>)
      %slice3A_210 = vector.extract_strided_slice %get3A_23 {offsets = [5], sizes = [1], strides = [1]} : vector<16xi32> to vector<1xi32>
      %squeeze3A_211 = vector.extract %slice3A_210[0] : i32 from vector<1xi32>
      %dma_start3A_212 = arith.constant 0 : i32
      %dma_start3A_213 = tpu.memref_slice %arg11[%add3A_199, %dma_start3A_212] : memref<128x64xf32, #tpu.memory_space<vmem>> -> memref<1x64xf32, #tpu.memory_space<vmem>>
      %dma_start3A_214 = arith.constant 0 : i32
      %dma_start3A_215 = tpu.memref_slice %arg6[%squeeze3A_211, %dma_start3A_214] : memref<100000x64xf32, #tpu.memory_space<hbm>> -> memref<1x64xf32, #tpu.memory_space<hbm>>
      %dma_start3A_216 = arith.constant 0 : i32
      %dma_start3A_217 = tpu.memref_slice %arg11[%add3A_199, %dma_start3A_216] : memref<128x64xf32, #tpu.memory_space<vmem>> -> memref<1x64xf32, #tpu.memory_space<vmem>>
      %dma_start3A_218 = arith.constant 0 : i32
      %dma_start3A_219 = tpu.memref_slice %arg6[%squeeze3A_211, %dma_start3A_218] : memref<100000x64xf32, #tpu.memory_space<hbm>> -> memref<1x64xf32, #tpu.memory_space<hbm>>
      tpu.enqueue_dma source(%dma_start3A_219 : memref<1x64xf32, #tpu.memory_space<hbm>>) target(%dma_start3A_217 : memref<1x64xf32, #tpu.memory_space<vmem>>) target_semaphore(%arg16 : memref<!tpu.dma_semaphore, #tpu.memory_space<semaphore_mem>>)
      %slice3A_220 = vector.extract_strided_slice %get3A_28 {offsets = [5], sizes = [1], strides = [1]} : vector<16xi32> to vector<1xi32>
      %squeeze3A_221 = vector.extract %slice3A_220[0] : i32 from vector<1xi32>
      %dma_start3A_222 = arith.constant 0 : i32
      %dma_start3A_223 = tpu.memref_slice %arg12[%add3A_199, %dma_start3A_222] : memref<128x64xf32, #tpu.memory_space<vmem>> -> memref<1x64xf32, #tpu.memory_space<vmem>>
      %dma_start3A_224 = arith.constant 0 : i32
      %dma_start3A_225 = tpu.memref_slice %arg6[%squeeze3A_221, %dma_start3A_224] : memref<100000x64xf32, #tpu.memory_space<hbm>> -> memref<1x64xf32, #tpu.memory_space<hbm>>
      %dma_start3A_226 = arith.constant 0 : i32
      %dma_start3A_227 = tpu.memref_slice %arg12[%add3A_199, %dma_start3A_226] : memref<128x64xf32, #tpu.memory_space<vmem>> -> memref<1x64xf32, #tpu.memory_space<vmem>>
      %dma_start3A_228 = arith.constant 0 : i32
      %dma_start3A_229 = tpu.memref_slice %arg6[%squeeze3A_221, %dma_start3A_228] : memref<100000x64xf32, #tpu.memory_space<hbm>> -> memref<1x64xf32, #tpu.memory_space<hbm>>
      tpu.enqueue_dma source(%dma_start3A_229 : memref<1x64xf32, #tpu.memory_space<hbm>>) target(%dma_start3A_227 : memref<1x64xf32, #tpu.memory_space<vmem>>) target_semaphore(%arg16 : memref<!tpu.dma_semaphore, #tpu.memory_space<semaphore_mem>>)
      %mul3A_230 = arith.constant 16 : i32
      %mul3A_231 = arith.muli %scan3A_14, %mul3A_230 : i32
      %add3A_232 = arith.constant 6 : i32
      %add3A_233 = arith.addi %mul3A_231, %add3A_232 : i32
      %slice3A_234 = vector.extract_strided_slice %get3A_18 {offsets = [6], sizes = [1], strides = [1]} : vector<16xi32> to vector<1xi32>
      %squeeze3A_235 = vector.extract %slice3A_234[0] : i32 from vector<1xi32>
      %dma_start3A_236 = arith.constant 0 : i32
      %dma_start3A_237 = tpu.memref_slice %arg10[%add3A_233, %dma_start3A_236] : memref<128x64xf32, #tpu.memory_space<vmem>> -> memref<1x64xf32, #tpu.memory_space<vmem>>
      %dma_start3A_238 = arith.constant 0 : i32
      %dma_start3A_239 = tpu.memref_slice %arg5[%squeeze3A_235, %dma_start3A_238] : memref<100000x64xf32, #tpu.memory_space<hbm>> -> memref<1x64xf32, #tpu.memory_space<hbm>>
      %dma_start3A_240 = arith.constant 0 : i32
      %dma_start3A_241 = tpu.memref_slice %arg10[%add3A_233, %dma_start3A_240] : memref<128x64xf32, #tpu.memory_space<vmem>> -> memref<1x64xf32, #tpu.memory_space<vmem>>
      %dma_start3A_242 = arith.constant 0 : i32
      %dma_start3A_243 = tpu.memref_slice %arg5[%squeeze3A_235, %dma_start3A_242] : memref<100000x64xf32, #tpu.memory_space<hbm>> -> memref<1x64xf32, #tpu.memory_space<hbm>>
      tpu.enqueue_dma source(%dma_start3A_243 : memref<1x64xf32, #tpu.memory_space<hbm>>) target(%dma_start3A_241 : memref<1x64xf32, #tpu.memory_space<vmem>>) target_semaphore(%arg16 : memref<!tpu.dma_semaphore, #tpu.memory_space<semaphore_mem>>)
      %slice3A_244 = vector.extract_strided_slice %get3A_23 {offsets = [6], sizes = [1], strides = [1]} : vector<16xi32> to vector<1xi32>
      %squeeze3A_245 = vector.extract %slice3A_244[0] : i32 from vector<1xi32>
      %dma_start3A_246 = arith.constant 0 : i32
      %dma_start3A_247 = tpu.memref_slice %arg11[%add3A_233, %dma_start3A_246] : memref<128x64xf32, #tpu.memory_space<vmem>> -> memref<1x64xf32, #tpu.memory_space<vmem>>
      %dma_start3A_248 = arith.constant 0 : i32
      %dma_start3A_249 = tpu.memref_slice %arg6[%squeeze3A_245, %dma_start3A_248] : memref<100000x64xf32, #tpu.memory_space<hbm>> -> memref<1x64xf32, #tpu.memory_space<hbm>>
      %dma_start3A_250 = arith.constant 0 : i32
      %dma_start3A_251 = tpu.memref_slice %arg11[%add3A_233, %dma_start3A_250] : memref<128x64xf32, #tpu.memory_space<vmem>> -> memref<1x64xf32, #tpu.memory_space<vmem>>
      %dma_start3A_252 = arith.constant 0 : i32
      %dma_start3A_253 = tpu.memref_slice %arg6[%squeeze3A_245, %dma_start3A_252] : memref<100000x64xf32, #tpu.memory_space<hbm>> -> memref<1x64xf32, #tpu.memory_space<hbm>>
      tpu.enqueue_dma source(%dma_start3A_253 : memref<1x64xf32, #tpu.memory_space<hbm>>) target(%dma_start3A_251 : memref<1x64xf32, #tpu.memory_space<vmem>>) target_semaphore(%arg16 : memref<!tpu.dma_semaphore, #tpu.memory_space<semaphore_mem>>)
      %slice3A_254 = vector.extract_strided_slice %get3A_28 {offsets = [6], sizes = [1], strides = [1]} : vector<16xi32> to vector<1xi32>
      %squeeze3A_255 = vector.extract %slice3A_254[0] : i32 from vector<1xi32>
      %dma_start3A_256 = arith.constant 0 : i32
      %dma_start3A_257 = tpu.memref_slice %arg12[%add3A_233, %dma_start3A_256] : memref<128x64xf32, #tpu.memory_space<vmem>> -> memref<1x64xf32, #tpu.memory_space<vmem>>
      %dma_start3A_258 = arith.constant 0 : i32
      %dma_start3A_259 = tpu.memref_slice %arg6[%squeeze3A_255, %dma_start3A_258] : memref<100000x64xf32, #tpu.memory_space<hbm>> -> memref<1x64xf32, #tpu.memory_space<hbm>>
      %dma_start3A_260 = arith.constant 0 : i32
      %dma_start3A_261 = tpu.memref_slice %arg12[%add3A_233, %dma_start3A_260] : memref<128x64xf32, #tpu.memory_space<vmem>> -> memref<1x64xf32, #tpu.memory_space<vmem>>
      %dma_start3A_262 = arith.constant 0 : i32
      %dma_start3A_263 = tpu.memref_slice %arg6[%squeeze3A_255, %dma_start3A_262] : memref<100000x64xf32, #tpu.memory_space<hbm>> -> memref<1x64xf32, #tpu.memory_space<hbm>>
      tpu.enqueue_dma source(%dma_start3A_263 : memref<1x64xf32, #tpu.memory_space<hbm>>) target(%dma_start3A_261 : memref<1x64xf32, #tpu.memory_space<vmem>>) target_semaphore(%arg16 : memref<!tpu.dma_semaphore, #tpu.memory_space<semaphore_mem>>)
      %mul3A_264 = arith.constant 16 : i32
      %mul3A_265 = arith.muli %scan3A_14, %mul3A_264 : i32
      %add3A_266 = arith.constant 7 : i32
      %add3A_267 = arith.addi %mul3A_265, %add3A_266 : i32
      %slice3A_268 = vector.extract_strided_slice %get3A_18 {offsets = [7], sizes = [1], strides = [1]} : vector<16xi32> to vector<1xi32>
      %squeeze3A_269 = vector.extract %slice3A_268[0] : i32 from vector<1xi32>
      %dma_start3A_270 = arith.constant 0 : i32
      %dma_start3A_271 = tpu.memref_slice %arg10[%add3A_267, %dma_start3A_270] : memref<128x64xf32, #tpu.memory_space<vmem>> -> memref<1x64xf32, #tpu.memory_space<vmem>>
      %dma_start3A_272 = arith.constant 0 : i32
      %dma_start3A_273 = tpu.memref_slice %arg5[%squeeze3A_269, %dma_start3A_272] : memref<100000x64xf32, #tpu.memory_space<hbm>> -> memref<1x64xf32, #tpu.memory_space<hbm>>
      %dma_start3A_274 = arith.constant 0 : i32
      %dma_start3A_275 = tpu.memref_slice %arg10[%add3A_267, %dma_start3A_274] : memref<128x64xf32, #tpu.memory_space<vmem>> -> memref<1x64xf32, #tpu.memory_space<vmem>>
      %dma_start3A_276 = arith.constant 0 : i32
      %dma_start3A_277 = tpu.memref_slice %arg5[%squeeze3A_269, %dma_start3A_276] : memref<100000x64xf32, #tpu.memory_space<hbm>> -> memref<1x64xf32, #tpu.memory_space<hbm>>
      tpu.enqueue_dma source(%dma_start3A_277 : memref<1x64xf32, #tpu.memory_space<hbm>>) target(%dma_start3A_275 : memref<1x64xf32, #tpu.memory_space<vmem>>) target_semaphore(%arg16 : memref<!tpu.dma_semaphore, #tpu.memory_space<semaphore_mem>>)
      %slice3A_278 = vector.extract_strided_slice %get3A_23 {offsets = [7], sizes = [1], strides = [1]} : vector<16xi32> to vector<1xi32>
      %squeeze3A_279 = vector.extract %slice3A_278[0] : i32 from vector<1xi32>
      %dma_start3A_280 = arith.constant 0 : i32
      %dma_start3A_281 = tpu.memref_slice %arg11[%add3A_267, %dma_start3A_280] : memref<128x64xf32, #tpu.memory_space<vmem>> -> memref<1x64xf32, #tpu.memory_space<vmem>>
      %dma_start3A_282 = arith.constant 0 : i32
      %dma_start3A_283 = tpu.memref_slice %arg6[%squeeze3A_279, %dma_start3A_282] : memref<100000x64xf32, #tpu.memory_space<hbm>> -> memref<1x64xf32, #tpu.memory_space<hbm>>
      %dma_start3A_284 = arith.constant 0 : i32
      %dma_start3A_285 = tpu.memref_slice %arg11[%add3A_267, %dma_start3A_284] : memref<128x64xf32, #tpu.memory_space<vmem>> -> memref<1x64xf32, #tpu.memory_space<vmem>>
      %dma_start3A_286 = arith.constant 0 : i32
      %dma_start3A_287 = tpu.memref_slice %arg6[%squeeze3A_279, %dma_start3A_286] : memref<100000x64xf32, #tpu.memory_space<hbm>> -> memref<1x64xf32, #tpu.memory_space<hbm>>
      tpu.enqueue_dma source(%dma_start3A_287 : memref<1x64xf32, #tpu.memory_space<hbm>>) target(%dma_start3A_285 : memref<1x64xf32, #tpu.memory_space<vmem>>) target_semaphore(%arg16 : memref<!tpu.dma_semaphore, #tpu.memory_space<semaphore_mem>>)
      %slice3A_288 = vector.extract_strided_slice %get3A_28 {offsets = [7], sizes = [1], strides = [1]} : vector<16xi32> to vector<1xi32>
      %squeeze3A_289 = vector.extract %slice3A_288[0] : i32 from vector<1xi32>
      %dma_start3A_290 = arith.constant 0 : i32
      %dma_start3A_291 = tpu.memref_slice %arg12[%add3A_267, %dma_start3A_290] : memref<128x64xf32, #tpu.memory_space<vmem>> -> memref<1x64xf32, #tpu.memory_space<vmem>>
      %dma_start3A_292 = arith.constant 0 : i32
      %dma_start3A_293 = tpu.memref_slice %arg6[%squeeze3A_289, %dma_start3A_292] : memref<100000x64xf32, #tpu.memory_space<hbm>> -> memref<1x64xf32, #tpu.memory_space<hbm>>
      %dma_start3A_294 = arith.constant 0 : i32
      %dma_start3A_295 = tpu.memref_slice %arg12[%add3A_267, %dma_start3A_294] : memref<128x64xf32, #tpu.memory_space<vmem>> -> memref<1x64xf32, #tpu.memory_space<vmem>>
      %dma_start3A_296 = arith.constant 0 : i32
      %dma_start3A_297 = tpu.memref_slice %arg6[%squeeze3A_289, %dma_start3A_296] : memref<100000x64xf32, #tpu.memory_space<hbm>> -> memref<1x64xf32, #tpu.memory_space<hbm>>
      tpu.enqueue_dma source(%dma_start3A_297 : memref<1x64xf32, #tpu.memory_space<hbm>>) target(%dma_start3A_295 : memref<1x64xf32, #tpu.memory_space<vmem>>) target_semaphore(%arg16 : memref<!tpu.dma_semaphore, #tpu.memory_space<semaphore_mem>>)
      %mul3A_298 = arith.constant 16 : i32
      %mul3A_299 = arith.muli %scan3A_14, %mul3A_298 : i32
      %add3A_300 = arith.constant 8 : i32
      %add3A_301 = arith.addi %mul3A_299, %add3A_300 : i32
      %slice3A_302 = vector.extract_strided_slice %get3A_18 {offsets = [8], sizes = [1], strides = [1]} : vector<16xi32> to vector<1xi32>
      %squeeze3A_303 = vector.extract %slice3A_302[0] : i32 from vector<1xi32>
      %dma_start3A_304 = arith.constant 0 : i32
      %dma_start3A_305 = tpu.memref_slice %arg10[%add3A_301, %dma_start3A_304] : memref<128x64xf32, #tpu.memory_space<vmem>> -> memref<1x64xf32, #tpu.memory_space<vmem>>
      %dma_start3A_306 = arith.constant 0 : i32
      %dma_start3A_307 = tpu.memref_slice %arg5[%squeeze3A_303, %dma_start3A_306] : memref<100000x64xf32, #tpu.memory_space<hbm>> -> memref<1x64xf32, #tpu.memory_space<hbm>>
      %dma_start3A_308 = arith.constant 0 : i32
      %dma_start3A_309 = tpu.memref_slice %arg10[%add3A_301, %dma_start3A_308] : memref<128x64xf32, #tpu.memory_space<vmem>> -> memref<1x64xf32, #tpu.memory_space<vmem>>
      %dma_start3A_310 = arith.constant 0 : i32
      %dma_start3A_311 = tpu.memref_slice %arg5[%squeeze3A_303, %dma_start3A_310] : memref<100000x64xf32, #tpu.memory_space<hbm>> -> memref<1x64xf32, #tpu.memory_space<hbm>>
      tpu.enqueue_dma source(%dma_start3A_311 : memref<1x64xf32, #tpu.memory_space<hbm>>) target(%dma_start3A_309 : memref<1x64xf32, #tpu.memory_space<vmem>>) target_semaphore(%arg16 : memref<!tpu.dma_semaphore, #tpu.memory_space<semaphore_mem>>)
      %slice3A_312 = vector.extract_strided_slice %get3A_23 {offsets = [8], sizes = [1], strides = [1]} : vector<16xi32> to vector<1xi32>
      %squeeze3A_313 = vector.extract %slice3A_312[0] : i32 from vector<1xi32>
      %dma_start3A_314 = arith.constant 0 : i32
      %dma_start3A_315 = tpu.memref_slice %arg11[%add3A_301, %dma_start3A_314] : memref<128x64xf32, #tpu.memory_space<vmem>> -> memref<1x64xf32, #tpu.memory_space<vmem>>
      %dma_start3A_316 = arith.constant 0 : i32
      %dma_start3A_317 = tpu.memref_slice %arg6[%squeeze3A_313, %dma_start3A_316] : memref<100000x64xf32, #tpu.memory_space<hbm>> -> memref<1x64xf32, #tpu.memory_space<hbm>>
      %dma_start3A_318 = arith.constant 0 : i32
      %dma_start3A_319 = tpu.memref_slice %arg11[%add3A_301, %dma_start3A_318] : memref<128x64xf32, #tpu.memory_space<vmem>> -> memref<1x64xf32, #tpu.memory_space<vmem>>
      %dma_start3A_320 = arith.constant 0 : i32
      %dma_start3A_321 = tpu.memref_slice %arg6[%squeeze3A_313, %dma_start3A_320] : memref<100000x64xf32, #tpu.memory_space<hbm>> -> memref<1x64xf32, #tpu.memory_space<hbm>>
      tpu.enqueue_dma source(%dma_start3A_321 : memref<1x64xf32, #tpu.memory_space<hbm>>) target(%dma_start3A_319 : memref<1x64xf32, #tpu.memory_space<vmem>>) target_semaphore(%arg16 : memref<!tpu.dma_semaphore, #tpu.memory_space<semaphore_mem>>)
      %slice3A_322 = vector.extract_strided_slice %get3A_28 {offsets = [8], sizes = [1], strides = [1]} : vector<16xi32> to vector<1xi32>
      %squeeze3A_323 = vector.extract %slice3A_322[0] : i32 from vector<1xi32>
      %dma_start3A_324 = arith.constant 0 : i32
      %dma_start3A_325 = tpu.memref_slice %arg12[%add3A_301, %dma_start3A_324] : memref<128x64xf32, #tpu.memory_space<vmem>> -> memref<1x64xf32, #tpu.memory_space<vmem>>
      %dma_start3A_326 = arith.constant 0 : i32
      %dma_start3A_327 = tpu.memref_slice %arg6[%squeeze3A_323, %dma_start3A_326] : memref<100000x64xf32, #tpu.memory_space<hbm>> -> memref<1x64xf32, #tpu.memory_space<hbm>>
      %dma_start3A_328 = arith.constant 0 : i32
      %dma_start3A_329 = tpu.memref_slice %arg12[%add3A_301, %dma_start3A_328] : memref<128x64xf32, #tpu.memory_space<vmem>> -> memref<1x64xf32, #tpu.memory_space<vmem>>
      %dma_start3A_330 = arith.constant 0 : i32
      %dma_start3A_331 = tpu.memref_slice %arg6[%squeeze3A_323, %dma_start3A_330] : memref<100000x64xf32, #tpu.memory_space<hbm>> -> memref<1x64xf32, #tpu.memory_space<hbm>>
      tpu.enqueue_dma source(%dma_start3A_331 : memref<1x64xf32, #tpu.memory_space<hbm>>) target(%dma_start3A_329 : memref<1x64xf32, #tpu.memory_space<vmem>>) target_semaphore(%arg16 : memref<!tpu.dma_semaphore, #tpu.memory_space<semaphore_mem>>)
      %mul3A_332 = arith.constant 16 : i32
      %mul3A_333 = arith.muli %scan3A_14, %mul3A_332 : i32
      %add3A_334 = arith.constant 9 : i32
      %add3A_335 = arith.addi %mul3A_333, %add3A_334 : i32
      %slice3A_336 = vector.extract_strided_slice %get3A_18 {offsets = [9], sizes = [1], strides = [1]} : vector<16xi32> to vector<1xi32>
      %squeeze3A_337 = vector.extract %slice3A_336[0] : i32 from vector<1xi32>
      %dma_start3A_338 = arith.constant 0 : i32
      %dma_start3A_339 = tpu.memref_slice %arg10[%add3A_335, %dma_start3A_338] : memref<128x64xf32, #tpu.memory_space<vmem>> -> memref<1x64xf32, #tpu.memory_space<vmem>>
      %dma_start3A_340 = arith.constant 0 : i32
      %dma_start3A_341 = tpu.memref_slice %arg5[%squeeze3A_337, %dma_start3A_340] : memref<100000x64xf32, #tpu.memory_space<hbm>> -> memref<1x64xf32, #tpu.memory_space<hbm>>
      %dma_start3A_342 = arith.constant 0 : i32
      %dma_start3A_343 = tpu.memref_slice %arg10[%add3A_335, %dma_start3A_342] : memref<128x64xf32, #tpu.memory_space<vmem>> -> memref<1x64xf32, #tpu.memory_space<vmem>>
      %dma_start3A_344 = arith.constant 0 : i32
      %dma_start3A_345 = tpu.memref_slice %arg5[%squeeze3A_337, %dma_start3A_344] : memref<100000x64xf32, #tpu.memory_space<hbm>> -> memref<1x64xf32, #tpu.memory_space<hbm>>
      tpu.enqueue_dma source(%dma_start3A_345 : memref<1x64xf32, #tpu.memory_space<hbm>>) target(%dma_start3A_343 : memref<1x64xf32, #tpu.memory_space<vmem>>) target_semaphore(%arg16 : memref<!tpu.dma_semaphore, #tpu.memory_space<semaphore_mem>>)
      %slice3A_346 = vector.extract_strided_slice %get3A_23 {offsets = [9], sizes = [1], strides = [1]} : vector<16xi32> to vector<1xi32>
      %squeeze3A_347 = vector.extract %slice3A_346[0] : i32 from vector<1xi32>
      %dma_start3A_348 = arith.constant 0 : i32
      %dma_start3A_349 = tpu.memref_slice %arg11[%add3A_335, %dma_start3A_348] : memref<128x64xf32, #tpu.memory_space<vmem>> -> memref<1x64xf32, #tpu.memory_space<vmem>>
      %dma_start3A_350 = arith.constant 0 : i32
      %dma_start3A_351 = tpu.memref_slice %arg6[%squeeze3A_347, %dma_start3A_350] : memref<100000x64xf32, #tpu.memory_space<hbm>> -> memref<1x64xf32, #tpu.memory_space<hbm>>
      %dma_start3A_352 = arith.constant 0 : i32
      %dma_start3A_353 = tpu.memref_slice %arg11[%add3A_335, %dma_start3A_352] : memref<128x64xf32, #tpu.memory_space<vmem>> -> memref<1x64xf32, #tpu.memory_space<vmem>>
      %dma_start3A_354 = arith.constant 0 : i32
      %dma_start3A_355 = tpu.memref_slice %arg6[%squeeze3A_347, %dma_start3A_354] : memref<100000x64xf32, #tpu.memory_space<hbm>> -> memref<1x64xf32, #tpu.memory_space<hbm>>
      tpu.enqueue_dma source(%dma_start3A_355 : memref<1x64xf32, #tpu.memory_space<hbm>>) target(%dma_start3A_353 : memref<1x64xf32, #tpu.memory_space<vmem>>) target_semaphore(%arg16 : memref<!tpu.dma_semaphore, #tpu.memory_space<semaphore_mem>>)
      %slice3A_356 = vector.extract_strided_slice %get3A_28 {offsets = [9], sizes = [1], strides = [1]} : vector<16xi32> to vector<1xi32>
      %squeeze3A_357 = vector.extract %slice3A_356[0] : i32 from vector<1xi32>
      %dma_start3A_358 = arith.constant 0 : i32
      %dma_start3A_359 = tpu.memref_slice %arg12[%add3A_335, %dma_start3A_358] : memref<128x64xf32, #tpu.memory_space<vmem>> -> memref<1x64xf32, #tpu.memory_space<vmem>>
      %dma_start3A_360 = arith.constant 0 : i32
      %dma_start3A_361 = tpu.memref_slice %arg6[%squeeze3A_357, %dma_start3A_360] : memref<100000x64xf32, #tpu.memory_space<hbm>> -> memref<1x64xf32, #tpu.memory_space<hbm>>
      %dma_start3A_362 = arith.constant 0 : i32
      %dma_start3A_363 = tpu.memref_slice %arg12[%add3A_335, %dma_start3A_362] : memref<128x64xf32, #tpu.memory_space<vmem>> -> memref<1x64xf32, #tpu.memory_space<vmem>>
      %dma_start3A_364 = arith.constant 0 : i32
      %dma_start3A_365 = tpu.memref_slice %arg6[%squeeze3A_357, %dma_start3A_364] : memref<100000x64xf32, #tpu.memory_space<hbm>> -> memref<1x64xf32, #tpu.memory_space<hbm>>
      tpu.enqueue_dma source(%dma_start3A_365 : memref<1x64xf32, #tpu.memory_space<hbm>>) target(%dma_start3A_363 : memref<1x64xf32, #tpu.memory_space<vmem>>) target_semaphore(%arg16 : memref<!tpu.dma_semaphore, #tpu.memory_space<semaphore_mem>>)
      %mul3A_366 = arith.constant 16 : i32
      %mul3A_367 = arith.muli %scan3A_14, %mul3A_366 : i32
      %add3A_368 = arith.constant 10 : i32
      %add3A_369 = arith.addi %mul3A_367, %add3A_368 : i32
      %slice3A_370 = vector.extract_strided_slice %get3A_18 {offsets = [10], sizes = [1], strides = [1]} : vector<16xi32> to vector<1xi32>
      %squeeze3A_371 = vector.extract %slice3A_370[0] : i32 from vector<1xi32>
      %dma_start3A_372 = arith.constant 0 : i32
      %dma_start3A_373 = tpu.memref_slice %arg10[%add3A_369, %dma_start3A_372] : memref<128x64xf32, #tpu.memory_space<vmem>> -> memref<1x64xf32, #tpu.memory_space<vmem>>
      %dma_start3A_374 = arith.constant 0 : i32
      %dma_start3A_375 = tpu.memref_slice %arg5[%squeeze3A_371, %dma_start3A_374] : memref<100000x64xf32, #tpu.memory_space<hbm>> -> memref<1x64xf32, #tpu.memory_space<hbm>>
      %dma_start3A_376 = arith.constant 0 : i32
      %dma_start3A_377 = tpu.memref_slice %arg10[%add3A_369, %dma_start3A_376] : memref<128x64xf32, #tpu.memory_space<vmem>> -> memref<1x64xf32, #tpu.memory_space<vmem>>
      %dma_start3A_378 = arith.constant 0 : i32
      %dma_start3A_379 = tpu.memref_slice %arg5[%squeeze3A_371, %dma_start3A_378] : memref<100000x64xf32, #tpu.memory_space<hbm>> -> memref<1x64xf32, #tpu.memory_space<hbm>>
      tpu.enqueue_dma source(%dma_start3A_379 : memref<1x64xf32, #tpu.memory_space<hbm>>) target(%dma_start3A_377 : memref<1x64xf32, #tpu.memory_space<vmem>>) target_semaphore(%arg16 : memref<!tpu.dma_semaphore, #tpu.memory_space<semaphore_mem>>)
      %slice3A_380 = vector.extract_strided_slice %get3A_23 {offsets = [10], sizes = [1], strides = [1]} : vector<16xi32> to vector<1xi32>
      %squeeze3A_381 = vector.extract %slice3A_380[0] : i32 from vector<1xi32>
      %dma_start3A_382 = arith.constant 0 : i32
      %dma_start3A_383 = tpu.memref_slice %arg11[%add3A_369, %dma_start3A_382] : memref<128x64xf32, #tpu.memory_space<vmem>> -> memref<1x64xf32, #tpu.memory_space<vmem>>
      %dma_start3A_384 = arith.constant 0 : i32
      %dma_start3A_385 = tpu.memref_slice %arg6[%squeeze3A_381, %dma_start3A_384] : memref<100000x64xf32, #tpu.memory_space<hbm>> -> memref<1x64xf32, #tpu.memory_space<hbm>>
      %dma_start3A_386 = arith.constant 0 : i32
      %dma_start3A_387 = tpu.memref_slice %arg11[%add3A_369, %dma_start3A_386] : memref<128x64xf32, #tpu.memory_space<vmem>> -> memref<1x64xf32, #tpu.memory_space<vmem>>
      %dma_start3A_388 = arith.constant 0 : i32
      %dma_start3A_389 = tpu.memref_slice %arg6[%squeeze3A_381, %dma_start3A_388] : memref<100000x64xf32, #tpu.memory_space<hbm>> -> memref<1x64xf32, #tpu.memory_space<hbm>>
      tpu.enqueue_dma source(%dma_start3A_389 : memref<1x64xf32, #tpu.memory_space<hbm>>) target(%dma_start3A_387 : memref<1x64xf32, #tpu.memory_space<vmem>>) target_semaphore(%arg16 : memref<!tpu.dma_semaphore, #tpu.memory_space<semaphore_mem>>)
      %slice3A_390 = vector.extract_strided_slice %get3A_28 {offsets = [10], sizes = [1], strides = [1]} : vector<16xi32> to vector<1xi32>
      %squeeze3A_391 = vector.extract %slice3A_390[0] : i32 from vector<1xi32>
      %dma_start3A_392 = arith.constant 0 : i32
      %dma_start3A_393 = tpu.memref_slice %arg12[%add3A_369, %dma_start3A_392] : memref<128x64xf32, #tpu.memory_space<vmem>> -> memref<1x64xf32, #tpu.memory_space<vmem>>
      %dma_start3A_394 = arith.constant 0 : i32
      %dma_start3A_395 = tpu.memref_slice %arg6[%squeeze3A_391, %dma_start3A_394] : memref<100000x64xf32, #tpu.memory_space<hbm>> -> memref<1x64xf32, #tpu.memory_space<hbm>>
      %dma_start3A_396 = arith.constant 0 : i32
      %dma_start3A_397 = tpu.memref_slice %arg12[%add3A_369, %dma_start3A_396] : memref<128x64xf32, #tpu.memory_space<vmem>> -> memref<1x64xf32, #tpu.memory_space<vmem>>
      %dma_start3A_398 = arith.constant 0 : i32
      %dma_start3A_399 = tpu.memref_slice %arg6[%squeeze3A_391, %dma_start3A_398] : memref<100000x64xf32, #tpu.memory_space<hbm>> -> memref<1x64xf32, #tpu.memory_space<hbm>>
      tpu.enqueue_dma source(%dma_start3A_399 : memref<1x64xf32, #tpu.memory_space<hbm>>) target(%dma_start3A_397 : memref<1x64xf32, #tpu.memory_space<vmem>>) target_semaphore(%arg16 : memref<!tpu.dma_semaphore, #tpu.memory_space<semaphore_mem>>)
      %mul3A_400 = arith.constant 16 : i32
      %mul3A_401 = arith.muli %scan3A_14, %mul3A_400 : i32
      %add3A_402 = arith.constant 11 : i32
      %add3A_403 = arith.addi %mul3A_401, %add3A_402 : i32
      %slice3A_404 = vector.extract_strided_slice %get3A_18 {offsets = [11], sizes = [1], strides = [1]} : vector<16xi32> to vector<1xi32>
      %squeeze3A_405 = vector.extract %slice3A_404[0] : i32 from vector<1xi32>
      %dma_start3A_406 = arith.constant 0 : i32
      %dma_start3A_407 = tpu.memref_slice %arg10[%add3A_403, %dma_start3A_406] : memref<128x64xf32, #tpu.memory_space<vmem>> -> memref<1x64xf32, #tpu.memory_space<vmem>>
      %dma_start3A_408 = arith.constant 0 : i32
      %dma_start3A_409 = tpu.memref_slice %arg5[%squeeze3A_405, %dma_start3A_408] : memref<100000x64xf32, #tpu.memory_space<hbm>> -> memref<1x64xf32, #tpu.memory_space<hbm>>
      %dma_start3A_410 = arith.constant 0 : i32
      %dma_start3A_411 = tpu.memref_slice %arg10[%add3A_403, %dma_start3A_410] : memref<128x64xf32, #tpu.memory_space<vmem>> -> memref<1x64xf32, #tpu.memory_space<vmem>>
      %dma_start3A_412 = arith.constant 0 : i32
      %dma_start3A_413 = tpu.memref_slice %arg5[%squeeze3A_405, %dma_start3A_412] : memref<100000x64xf32, #tpu.memory_space<hbm>> -> memref<1x64xf32, #tpu.memory_space<hbm>>
      tpu.enqueue_dma source(%dma_start3A_413 : memref<1x64xf32, #tpu.memory_space<hbm>>) target(%dma_start3A_411 : memref<1x64xf32, #tpu.memory_space<vmem>>) target_semaphore(%arg16 : memref<!tpu.dma_semaphore, #tpu.memory_space<semaphore_mem>>)
      %slice3A_414 = vector.extract_strided_slice %get3A_23 {offsets = [11], sizes = [1], strides = [1]} : vector<16xi32> to vector<1xi32>
      %squeeze3A_415 = vector.extract %slice3A_414[0] : i32 from vector<1xi32>
      %dma_start3A_416 = arith.constant 0 : i32
      %dma_start3A_417 = tpu.memref_slice %arg11[%add3A_403, %dma_start3A_416] : memref<128x64xf32, #tpu.memory_space<vmem>> -> memref<1x64xf32, #tpu.memory_space<vmem>>
      %dma_start3A_418 = arith.constant 0 : i32
      %dma_start3A_419 = tpu.memref_slice %arg6[%squeeze3A_415, %dma_start3A_418] : memref<100000x64xf32, #tpu.memory_space<hbm>> -> memref<1x64xf32, #tpu.memory_space<hbm>>
      %dma_start3A_420 = arith.constant 0 : i32
      %dma_start3A_421 = tpu.memref_slice %arg11[%add3A_403, %dma_start3A_420] : memref<128x64xf32, #tpu.memory_space<vmem>> -> memref<1x64xf32, #tpu.memory_space<vmem>>
      %dma_start3A_422 = arith.constant 0 : i32
      %dma_start3A_423 = tpu.memref_slice %arg6[%squeeze3A_415, %dma_start3A_422] : memref<100000x64xf32, #tpu.memory_space<hbm>> -> memref<1x64xf32, #tpu.memory_space<hbm>>
      tpu.enqueue_dma source(%dma_start3A_423 : memref<1x64xf32, #tpu.memory_space<hbm>>) target(%dma_start3A_421 : memref<1x64xf32, #tpu.memory_space<vmem>>) target_semaphore(%arg16 : memref<!tpu.dma_semaphore, #tpu.memory_space<semaphore_mem>>)
      %slice3A_424 = vector.extract_strided_slice %get3A_28 {offsets = [11], sizes = [1], strides = [1]} : vector<16xi32> to vector<1xi32>
      %squeeze3A_425 = vector.extract %slice3A_424[0] : i32 from vector<1xi32>
      %dma_start3A_426 = arith.constant 0 : i32
      %dma_start3A_427 = tpu.memref_slice %arg12[%add3A_403, %dma_start3A_426] : memref<128x64xf32, #tpu.memory_space<vmem>> -> memref<1x64xf32, #tpu.memory_space<vmem>>
      %dma_start3A_428 = arith.constant 0 : i32
      %dma_start3A_429 = tpu.memref_slice %arg6[%squeeze3A_425, %dma_start3A_428] : memref<100000x64xf32, #tpu.memory_space<hbm>> -> memref<1x64xf32, #tpu.memory_space<hbm>>
      %dma_start3A_430 = arith.constant 0 : i32
      %dma_start3A_431 = tpu.memref_slice %arg12[%add3A_403, %dma_start3A_430] : memref<128x64xf32, #tpu.memory_space<vmem>> -> memref<1x64xf32, #tpu.memory_space<vmem>>
      %dma_start3A_432 = arith.constant 0 : i32
      %dma_start3A_433 = tpu.memref_slice %arg6[%squeeze3A_425, %dma_start3A_432] : memref<100000x64xf32, #tpu.memory_space<hbm>> -> memref<1x64xf32, #tpu.memory_space<hbm>>
      tpu.enqueue_dma source(%dma_start3A_433 : memref<1x64xf32, #tpu.memory_space<hbm>>) target(%dma_start3A_431 : memref<1x64xf32, #tpu.memory_space<vmem>>) target_semaphore(%arg16 : memref<!tpu.dma_semaphore, #tpu.memory_space<semaphore_mem>>)
      %mul3A_434 = arith.constant 16 : i32
      %mul3A_435 = arith.muli %scan3A_14, %mul3A_434 : i32
      %add3A_436 = arith.constant 12 : i32
      %add3A_437 = arith.addi %mul3A_435, %add3A_436 : i32
      %slice3A_438 = vector.extract_strided_slice %get3A_18 {offsets = [12], sizes = [1], strides = [1]} : vector<16xi32> to vector<1xi32>
      %squeeze3A_439 = vector.extract %slice3A_438[0] : i32 from vector<1xi32>
      %dma_start3A_440 = arith.constant 0 : i32
      %dma_start3A_441 = tpu.memref_slice %arg10[%add3A_437, %dma_start3A_440] : memref<128x64xf32, #tpu.memory_space<vmem>> -> memref<1x64xf32, #tpu.memory_space<vmem>>
      %dma_start3A_442 = arith.constant 0 : i32
      %dma_start3A_443 = tpu.memref_slice %arg5[%squeeze3A_439, %dma_start3A_442] : memref<100000x64xf32, #tpu.memory_space<hbm>> -> memref<1x64xf32, #tpu.memory_space<hbm>>
      %dma_start3A_444 = arith.constant 0 : i32
      %dma_start3A_445 = tpu.memref_slice %arg10[%add3A_437, %dma_start3A_444] : memref<128x64xf32, #tpu.memory_space<vmem>> -> memref<1x64xf32, #tpu.memory_space<vmem>>
      %dma_start3A_446 = arith.constant 0 : i32
      %dma_start3A_447 = tpu.memref_slice %arg5[%squeeze3A_439, %dma_start3A_446] : memref<100000x64xf32, #tpu.memory_space<hbm>> -> memref<1x64xf32, #tpu.memory_space<hbm>>
      tpu.enqueue_dma source(%dma_start3A_447 : memref<1x64xf32, #tpu.memory_space<hbm>>) target(%dma_start3A_445 : memref<1x64xf32, #tpu.memory_space<vmem>>) target_semaphore(%arg16 : memref<!tpu.dma_semaphore, #tpu.memory_space<semaphore_mem>>)
      %slice3A_448 = vector.extract_strided_slice %get3A_23 {offsets = [12], sizes = [1], strides = [1]} : vector<16xi32> to vector<1xi32>
      %squeeze3A_449 = vector.extract %slice3A_448[0] : i32 from vector<1xi32>
      %dma_start3A_450 = arith.constant 0 : i32
      %dma_start3A_451 = tpu.memref_slice %arg11[%add3A_437, %dma_start3A_450] : memref<128x64xf32, #tpu.memory_space<vmem>> -> memref<1x64xf32, #tpu.memory_space<vmem>>
      %dma_start3A_452 = arith.constant 0 : i32
      %dma_start3A_453 = tpu.memref_slice %arg6[%squeeze3A_449, %dma_start3A_452] : memref<100000x64xf32, #tpu.memory_space<hbm>> -> memref<1x64xf32, #tpu.memory_space<hbm>>
      %dma_start3A_454 = arith.constant 0 : i32
      %dma_start3A_455 = tpu.memref_slice %arg11[%add3A_437, %dma_start3A_454] : memref<128x64xf32, #tpu.memory_space<vmem>> -> memref<1x64xf32, #tpu.memory_space<vmem>>
      %dma_start3A_456 = arith.constant 0 : i32
      %dma_start3A_457 = tpu.memref_slice %arg6[%squeeze3A_449, %dma_start3A_456] : memref<100000x64xf32, #tpu.memory_space<hbm>> -> memref<1x64xf32, #tpu.memory_space<hbm>>
      tpu.enqueue_dma source(%dma_start3A_457 : memref<1x64xf32, #tpu.memory_space<hbm>>) target(%dma_start3A_455 : memref<1x64xf32, #tpu.memory_space<vmem>>) target_semaphore(%arg16 : memref<!tpu.dma_semaphore, #tpu.memory_space<semaphore_mem>>)
      %slice3A_458 = vector.extract_strided_slice %get3A_28 {offsets = [12], sizes = [1], strides = [1]} : vector<16xi32> to vector<1xi32>
      %squeeze3A_459 = vector.extract %slice3A_458[0] : i32 from vector<1xi32>
      %dma_start3A_460 = arith.constant 0 : i32
      %dma_start3A_461 = tpu.memref_slice %arg12[%add3A_437, %dma_start3A_460] : memref<128x64xf32, #tpu.memory_space<vmem>> -> memref<1x64xf32, #tpu.memory_space<vmem>>
      %dma_start3A_462 = arith.constant 0 : i32
      %dma_start3A_463 = tpu.memref_slice %arg6[%squeeze3A_459, %dma_start3A_462] : memref<100000x64xf32, #tpu.memory_space<hbm>> -> memref<1x64xf32, #tpu.memory_space<hbm>>
      %dma_start3A_464 = arith.constant 0 : i32
      %dma_start3A_465 = tpu.memref_slice %arg12[%add3A_437, %dma_start3A_464] : memref<128x64xf32, #tpu.memory_space<vmem>> -> memref<1x64xf32, #tpu.memory_space<vmem>>
      %dma_start3A_466 = arith.constant 0 : i32
      %dma_start3A_467 = tpu.memref_slice %arg6[%squeeze3A_459, %dma_start3A_466] : memref<100000x64xf32, #tpu.memory_space<hbm>> -> memref<1x64xf32, #tpu.memory_space<hbm>>
      tpu.enqueue_dma source(%dma_start3A_467 : memref<1x64xf32, #tpu.memory_space<hbm>>) target(%dma_start3A_465 : memref<1x64xf32, #tpu.memory_space<vmem>>) target_semaphore(%arg16 : memref<!tpu.dma_semaphore, #tpu.memory_space<semaphore_mem>>)
      %mul3A_468 = arith.constant 16 : i32
      %mul3A_469 = arith.muli %scan3A_14, %mul3A_468 : i32
      %add3A_470 = arith.constant 13 : i32
      %add3A_471 = arith.addi %mul3A_469, %add3A_470 : i32
      %slice3A_472 = vector.extract_strided_slice %get3A_18 {offsets = [13], sizes = [1], strides = [1]} : vector<16xi32> to vector<1xi32>
      %squeeze3A_473 = vector.extract %slice3A_472[0] : i32 from vector<1xi32>
      %dma_start3A_474 = arith.constant 0 : i32
      %dma_start3A_475 = tpu.memref_slice %arg10[%add3A_471, %dma_start3A_474] : memref<128x64xf32, #tpu.memory_space<vmem>> -> memref<1x64xf32, #tpu.memory_space<vmem>>
      %dma_start3A_476 = arith.constant 0 : i32
      %dma_start3A_477 = tpu.memref_slice %arg5[%squeeze3A_473, %dma_start3A_476] : memref<100000x64xf32, #tpu.memory_space<hbm>> -> memref<1x64xf32, #tpu.memory_space<hbm>>
      %dma_start3A_478 = arith.constant 0 : i32
      %dma_start3A_479 = tpu.memref_slice %arg10[%add3A_471, %dma_start3A_478] : memref<128x64xf32, #tpu.memory_space<vmem>> -> memref<1x64xf32, #tpu.memory_space<vmem>>
      %dma_start3A_480 = arith.constant 0 : i32
      %dma_start3A_481 = tpu.memref_slice %arg5[%squeeze3A_473, %dma_start3A_480] : memref<100000x64xf32, #tpu.memory_space<hbm>> -> memref<1x64xf32, #tpu.memory_space<hbm>>
      tpu.enqueue_dma source(%dma_start3A_481 : memref<1x64xf32, #tpu.memory_space<hbm>>) target(%dma_start3A_479 : memref<1x64xf32, #tpu.memory_space<vmem>>) target_semaphore(%arg16 : memref<!tpu.dma_semaphore, #tpu.memory_space<semaphore_mem>>)
      %slice3A_482 = vector.extract_strided_slice %get3A_23 {offsets = [13], sizes = [1], strides = [1]} : vector<16xi32> to vector<1xi32>
      %squeeze3A_483 = vector.extract %slice3A_482[0] : i32 from vector<1xi32>
      %dma_start3A_484 = arith.constant 0 : i32
      %dma_start3A_485 = tpu.memref_slice %arg11[%add3A_471, %dma_start3A_484] : memref<128x64xf32, #tpu.memory_space<vmem>> -> memref<1x64xf32, #tpu.memory_space<vmem>>
      %dma_start3A_486 = arith.constant 0 : i32
      %dma_start3A_487 = tpu.memref_slice %arg6[%squeeze3A_483, %dma_start3A_486] : memref<100000x64xf32, #tpu.memory_space<hbm>> -> memref<1x64xf32, #tpu.memory_space<hbm>>
      %dma_start3A_488 = arith.constant 0 : i32
      %dma_start3A_489 = tpu.memref_slice %arg11[%add3A_471, %dma_start3A_488] : memref<128x64xf32, #tpu.memory_space<vmem>> -> memref<1x64xf32, #tpu.memory_space<vmem>>
      %dma_start3A_490 = arith.constant 0 : i32
      %dma_start3A_491 = tpu.memref_slice %arg6[%squeeze3A_483, %dma_start3A_490] : memref<100000x64xf32, #tpu.memory_space<hbm>> -> memref<1x64xf32, #tpu.memory_space<hbm>>
      tpu.enqueue_dma source(%dma_start3A_491 : memref<1x64xf32, #tpu.memory_space<hbm>>) target(%dma_start3A_489 : memref<1x64xf32, #tpu.memory_space<vmem>>) target_semaphore(%arg16 : memref<!tpu.dma_semaphore, #tpu.memory_space<semaphore_mem>>)
      %slice3A_492 = vector.extract_strided_slice %get3A_28 {offsets = [13], sizes = [1], strides = [1]} : vector<16xi32> to vector<1xi32>
      %squeeze3A_493 = vector.extract %slice3A_492[0] : i32 from vector<1xi32>
      %dma_start3A_494 = arith.constant 0 : i32
      %dma_start3A_495 = tpu.memref_slice %arg12[%add3A_471, %dma_start3A_494] : memref<128x64xf32, #tpu.memory_space<vmem>> -> memref<1x64xf32, #tpu.memory_space<vmem>>
      %dma_start3A_496 = arith.constant 0 : i32
      %dma_start3A_497 = tpu.memref_slice %arg6[%squeeze3A_493, %dma_start3A_496] : memref<100000x64xf32, #tpu.memory_space<hbm>> -> memref<1x64xf32, #tpu.memory_space<hbm>>
      %dma_start3A_498 = arith.constant 0 : i32
      %dma_start3A_499 = tpu.memref_slice %arg12[%add3A_471, %dma_start3A_498] : memref<128x64xf32, #tpu.memory_space<vmem>> -> memref<1x64xf32, #tpu.memory_space<vmem>>
      %dma_start3A_500 = arith.constant 0 : i32
      %dma_start3A_501 = tpu.memref_slice %arg6[%squeeze3A_493, %dma_start3A_500] : memref<100000x64xf32, #tpu.memory_space<hbm>> -> memref<1x64xf32, #tpu.memory_space<hbm>>
      tpu.enqueue_dma source(%dma_start3A_501 : memref<1x64xf32, #tpu.memory_space<hbm>>) target(%dma_start3A_499 : memref<1x64xf32, #tpu.memory_space<vmem>>) target_semaphore(%arg16 : memref<!tpu.dma_semaphore, #tpu.memory_space<semaphore_mem>>)
      %mul3A_502 = arith.constant 16 : i32
      %mul3A_503 = arith.muli %scan3A_14, %mul3A_502 : i32
      %add3A_504 = arith.constant 14 : i32
      %add3A_505 = arith.addi %mul3A_503, %add3A_504 : i32
      %slice3A_506 = vector.extract_strided_slice %get3A_18 {offsets = [14], sizes = [1], strides = [1]} : vector<16xi32> to vector<1xi32>
      %squeeze3A_507 = vector.extract %slice3A_506[0] : i32 from vector<1xi32>
      %dma_start3A_508 = arith.constant 0 : i32
      %dma_start3A_509 = tpu.memref_slice %arg10[%add3A_505, %dma_start3A_508] : memref<128x64xf32, #tpu.memory_space<vmem>> -> memref<1x64xf32, #tpu.memory_space<vmem>>
      %dma_start3A_510 = arith.constant 0 : i32
      %dma_start3A_511 = tpu.memref_slice %arg5[%squeeze3A_507, %dma_start3A_510] : memref<100000x64xf32, #tpu.memory_space<hbm>> -> memref<1x64xf32, #tpu.memory_space<hbm>>
      %dma_start3A_512 = arith.constant 0 : i32
      %dma_start3A_513 = tpu.memref_slice %arg10[%add3A_505, %dma_start3A_512] : memref<128x64xf32, #tpu.memory_space<vmem>> -> memref<1x64xf32, #tpu.memory_space<vmem>>
      %dma_start3A_514 = arith.constant 0 : i32
      %dma_start3A_515 = tpu.memref_slice %arg5[%squeeze3A_507, %dma_start3A_514] : memref<100000x64xf32, #tpu.memory_space<hbm>> -> memref<1x64xf32, #tpu.memory_space<hbm>>
      tpu.enqueue_dma source(%dma_start3A_515 : memref<1x64xf32, #tpu.memory_space<hbm>>) target(%dma_start3A_513 : memref<1x64xf32, #tpu.memory_space<vmem>>) target_semaphore(%arg16 : memref<!tpu.dma_semaphore, #tpu.memory_space<semaphore_mem>>)
      %slice3A_516 = vector.extract_strided_slice %get3A_23 {offsets = [14], sizes = [1], strides = [1]} : vector<16xi32> to vector<1xi32>
      %squeeze3A_517 = vector.extract %slice3A_516[0] : i32 from vector<1xi32>
      %dma_start3A_518 = arith.constant 0 : i32
      %dma_start3A_519 = tpu.memref_slice %arg11[%add3A_505, %dma_start3A_518] : memref<128x64xf32, #tpu.memory_space<vmem>> -> memref<1x64xf32, #tpu.memory_space<vmem>>
      %dma_start3A_520 = arith.constant 0 : i32
      %dma_start3A_521 = tpu.memref_slice %arg6[%squeeze3A_517, %dma_start3A_520] : memref<100000x64xf32, #tpu.memory_space<hbm>> -> memref<1x64xf32, #tpu.memory_space<hbm>>
      %dma_start3A_522 = arith.constant 0 : i32
      %dma_start3A_523 = tpu.memref_slice %arg11[%add3A_505, %dma_start3A_522] : memref<128x64xf32, #tpu.memory_space<vmem>> -> memref<1x64xf32, #tpu.memory_space<vmem>>
      %dma_start3A_524 = arith.constant 0 : i32
      %dma_start3A_525 = tpu.memref_slice %arg6[%squeeze3A_517, %dma_start3A_524] : memref<100000x64xf32, #tpu.memory_space<hbm>> -> memref<1x64xf32, #tpu.memory_space<hbm>>
      tpu.enqueue_dma source(%dma_start3A_525 : memref<1x64xf32, #tpu.memory_space<hbm>>) target(%dma_start3A_523 : memref<1x64xf32, #tpu.memory_space<vmem>>) target_semaphore(%arg16 : memref<!tpu.dma_semaphore, #tpu.memory_space<semaphore_mem>>)
      %slice3A_526 = vector.extract_strided_slice %get3A_28 {offsets = [14], sizes = [1], strides = [1]} : vector<16xi32> to vector<1xi32>
      %squeeze3A_527 = vector.extract %slice3A_526[0] : i32 from vector<1xi32>
      %dma_start3A_528 = arith.constant 0 : i32
      %dma_start3A_529 = tpu.memref_slice %arg12[%add3A_505, %dma_start3A_528] : memref<128x64xf32, #tpu.memory_space<vmem>> -> memref<1x64xf32, #tpu.memory_space<vmem>>
      %dma_start3A_530 = arith.constant 0 : i32
      %dma_start3A_531 = tpu.memref_slice %arg6[%squeeze3A_527, %dma_start3A_530] : memref<100000x64xf32, #tpu.memory_space<hbm>> -> memref<1x64xf32, #tpu.memory_space<hbm>>
      %dma_start3A_532 = arith.constant 0 : i32
      %dma_start3A_533 = tpu.memref_slice %arg12[%add3A_505, %dma_start3A_532] : memref<128x64xf32, #tpu.memory_space<vmem>> -> memref<1x64xf32, #tpu.memory_space<vmem>>
      %dma_start3A_534 = arith.constant 0 : i32
      %dma_start3A_535 = tpu.memref_slice %arg6[%squeeze3A_527, %dma_start3A_534] : memref<100000x64xf32, #tpu.memory_space<hbm>> -> memref<1x64xf32, #tpu.memory_space<hbm>>
      tpu.enqueue_dma source(%dma_start3A_535 : memref<1x64xf32, #tpu.memory_space<hbm>>) target(%dma_start3A_533 : memref<1x64xf32, #tpu.memory_space<vmem>>) target_semaphore(%arg16 : memref<!tpu.dma_semaphore, #tpu.memory_space<semaphore_mem>>)
      %mul3A_536 = arith.constant 16 : i32
      %mul3A_537 = arith.muli %scan3A_14, %mul3A_536 : i32
      %add3A_538 = arith.constant 15 : i32
      %add3A_539 = arith.addi %mul3A_537, %add3A_538 : i32
      %slice3A_540 = vector.extract_strided_slice %get3A_18 {offsets = [15], sizes = [1], strides = [1]} : vector<16xi32> to vector<1xi32>
      %squeeze3A_541 = vector.extract %slice3A_540[0] : i32 from vector<1xi32>
      %dma_start3A_542 = arith.constant 0 : i32
      %dma_start3A_543 = tpu.memref_slice %arg10[%add3A_539, %dma_start3A_542] : memref<128x64xf32, #tpu.memory_space<vmem>> -> memref<1x64xf32, #tpu.memory_space<vmem>>
      %dma_start3A_544 = arith.constant 0 : i32
      %dma_start3A_545 = tpu.memref_slice %arg5[%squeeze3A_541, %dma_start3A_544] : memref<100000x64xf32, #tpu.memory_space<hbm>> -> memref<1x64xf32, #tpu.memory_space<hbm>>
      %dma_start3A_546 = arith.constant 0 : i32
      %dma_start3A_547 = tpu.memref_slice %arg10[%add3A_539, %dma_start3A_546] : memref<128x64xf32, #tpu.memory_space<vmem>> -> memref<1x64xf32, #tpu.memory_space<vmem>>
      %dma_start3A_548 = arith.constant 0 : i32
      %dma_start3A_549 = tpu.memref_slice %arg5[%squeeze3A_541, %dma_start3A_548] : memref<100000x64xf32, #tpu.memory_space<hbm>> -> memref<1x64xf32, #tpu.memory_space<hbm>>
      tpu.enqueue_dma source(%dma_start3A_549 : memref<1x64xf32, #tpu.memory_space<hbm>>) target(%dma_start3A_547 : memref<1x64xf32, #tpu.memory_space<vmem>>) target_semaphore(%arg16 : memref<!tpu.dma_semaphore, #tpu.memory_space<semaphore_mem>>)
      %slice3A_550 = vector.extract_strided_slice %get3A_23 {offsets = [15], sizes = [1], strides = [1]} : vector<16xi32> to vector<1xi32>
      %squeeze3A_551 = vector.extract %slice3A_550[0] : i32 from vector<1xi32>
      %dma_start3A_552 = arith.constant 0 : i32
      %dma_start3A_553 = tpu.memref_slice %arg11[%add3A_539, %dma_start3A_552] : memref<128x64xf32, #tpu.memory_space<vmem>> -> memref<1x64xf32, #tpu.memory_space<vmem>>
      %dma_start3A_554 = arith.constant 0 : i32
      %dma_start3A_555 = tpu.memref_slice %arg6[%squeeze3A_551, %dma_start3A_554] : memref<100000x64xf32, #tpu.memory_space<hbm>> -> memref<1x64xf32, #tpu.memory_space<hbm>>
      %dma_start3A_556 = arith.constant 0 : i32
      %dma_start3A_557 = tpu.memref_slice %arg11[%add3A_539, %dma_start3A_556] : memref<128x64xf32, #tpu.memory_space<vmem>> -> memref<1x64xf32, #tpu.memory_space<vmem>>
      %dma_start3A_558 = arith.constant 0 : i32
      %dma_start3A_559 = tpu.memref_slice %arg6[%squeeze3A_551, %dma_start3A_558] : memref<100000x64xf32, #tpu.memory_space<hbm>> -> memref<1x64xf32, #tpu.memory_space<hbm>>
      tpu.enqueue_dma source(%dma_start3A_559 : memref<1x64xf32, #tpu.memory_space<hbm>>) target(%dma_start3A_557 : memref<1x64xf32, #tpu.memory_space<vmem>>) target_semaphore(%arg16 : memref<!tpu.dma_semaphore, #tpu.memory_space<semaphore_mem>>)
      %slice3A_560 = vector.extract_strided_slice %get3A_28 {offsets = [15], sizes = [1], strides = [1]} : vector<16xi32> to vector<1xi32>
      %squeeze3A_561 = vector.extract %slice3A_560[0] : i32 from vector<1xi32>
      %dma_start3A_562 = arith.constant 0 : i32
      %dma_start3A_563 = tpu.memref_slice %arg12[%add3A_539, %dma_start3A_562] : memref<128x64xf32, #tpu.memory_space<vmem>> -> memref<1x64xf32, #tpu.memory_space<vmem>>
      %dma_start3A_564 = arith.constant 0 : i32
      %dma_start3A_565 = tpu.memref_slice %arg6[%squeeze3A_561, %dma_start3A_564] : memref<100000x64xf32, #tpu.memory_space<hbm>> -> memref<1x64xf32, #tpu.memory_space<hbm>>
      %dma_start3A_566 = arith.constant 0 : i32
      %dma_start3A_567 = tpu.memref_slice %arg12[%add3A_539, %dma_start3A_566] : memref<128x64xf32, #tpu.memory_space<vmem>> -> memref<1x64xf32, #tpu.memory_space<vmem>>
      %dma_start3A_568 = arith.constant 0 : i32
      %dma_start3A_569 = tpu.memref_slice %arg6[%squeeze3A_561, %dma_start3A_568] : memref<100000x64xf32, #tpu.memory_space<hbm>> -> memref<1x64xf32, #tpu.memory_space<hbm>>
      tpu.enqueue_dma source(%dma_start3A_569 : memref<1x64xf32, #tpu.memory_space<hbm>>) target(%dma_start3A_567 : memref<1x64xf32, #tpu.memory_space<vmem>>) target_semaphore(%arg16 : memref<!tpu.dma_semaphore, #tpu.memory_space<semaphore_mem>>)
      %ge3A = arith.constant 2 : i32
      %ge3A_570 = arith.cmpi sge, %scan3A_14, %ge3A : i32
      %convert_element_type3A = arith.extui %ge3A_570 : i1 to i32
      %cond3A = arith.constant 0 : i32
      %cond3A_571 = arith.cmpi ne, %convert_element_type3A, %cond3A : i32
      scf.if %cond3A_571 {
        %dma_wait3A = arith.constant 0 : i32
        %dma_wait3A_572 = arith.constant 0 : i32
        %dma_wait3A_573 = tpu.memref_slice %arg10[%dma_wait3A, %dma_wait3A_572] : memref<128x64xf32, #tpu.memory_space<vmem>> -> memref<1x64xf32, #tpu.memory_space<vmem>>
        %dma_wait3A_574 = arith.constant 0 : i32
        %dma_wait3A_575 = arith.constant 0 : i32
        %dma_wait3A_576 = tpu.memref_slice %arg5[%dma_wait3A_574, %dma_wait3A_575] : memref<100000x64xf32, #tpu.memory_space<hbm>> -> memref<1x64xf32, #tpu.memory_space<hbm>>
        %dma_wait3A_577 = arith.constant 0 : i32
        %dma_wait3A_578 = arith.constant 0 : i32
        %dma_wait3A_579 = tpu.memref_slice %arg10[%dma_wait3A_577, %dma_wait3A_578] : memref<128x64xf32, #tpu.memory_space<vmem>> -> memref<1x64xf32, #tpu.memory_space<vmem>>
        %dma_wait3A_580 = arith.constant 0 : i32
        %dma_wait3A_581 = arith.constant 0 : i32
        %dma_wait3A_582 = tpu.memref_slice %arg5[%dma_wait3A_580, %dma_wait3A_581] : memref<100000x64xf32, #tpu.memory_space<hbm>> -> memref<1x64xf32, #tpu.memory_space<hbm>>
        tpu.wait_dma2 semaphore(%arg16 : memref<!tpu.dma_semaphore, #tpu.memory_space<semaphore_mem>>) src(%dma_wait3A_582 : memref<1x64xf32, #tpu.memory_space<hbm>>) dst(%dma_wait3A_579 : memref<1x64xf32, #tpu.memory_space<vmem>>)
        %dma_wait3A_583 = arith.constant 0 : i32
        %dma_wait3A_584 = arith.constant 0 : i32
        %dma_wait3A_585 = tpu.memref_slice %arg11[%dma_wait3A_583, %dma_wait3A_584] : memref<128x64xf32, #tpu.memory_space<vmem>> -> memref<1x64xf32, #tpu.memory_space<vmem>>
        %dma_wait3A_586 = arith.constant 0 : i32
        %dma_wait3A_587 = arith.constant 0 : i32
        %dma_wait3A_588 = tpu.memref_slice %arg5[%dma_wait3A_586, %dma_wait3A_587] : memref<100000x64xf32, #tpu.memory_space<hbm>> -> memref<1x64xf32, #tpu.memory_space<hbm>>
        %dma_wait3A_589 = arith.constant 0 : i32
        %dma_wait3A_590 = arith.constant 0 : i32
        %dma_wait3A_591 = tpu.memref_slice %arg11[%dma_wait3A_589, %dma_wait3A_590] : memref<128x64xf32, #tpu.memory_space<vmem>> -> memref<1x64xf32, #tpu.memory_space<vmem>>
        %dma_wait3A_592 = arith.constant 0 : i32
        %dma_wait3A_593 = arith.constant 0 : i32
        %dma_wait3A_594 = tpu.memref_slice %arg5[%dma_wait3A_592, %dma_wait3A_593] : memref<100000x64xf32, #tpu.memory_space<hbm>> -> memref<1x64xf32, #tpu.memory_space<hbm>>
        tpu.wait_dma2 semaphore(%arg16 : memref<!tpu.dma_semaphore, #tpu.memory_space<semaphore_mem>>) src(%dma_wait3A_594 : memref<1x64xf32, #tpu.memory_space<hbm>>) dst(%dma_wait3A_591 : memref<1x64xf32, #tpu.memory_space<vmem>>)
        %dma_wait3A_595 = arith.constant 0 : i32
        %dma_wait3A_596 = arith.constant 0 : i32
        %dma_wait3A_597 = tpu.memref_slice %arg12[%dma_wait3A_595, %dma_wait3A_596] : memref<128x64xf32, #tpu.memory_space<vmem>> -> memref<1x64xf32, #tpu.memory_space<vmem>>
        %dma_wait3A_598 = arith.constant 0 : i32
        %dma_wait3A_599 = arith.constant 0 : i32
        %dma_wait3A_600 = tpu.memref_slice %arg5[%dma_wait3A_598, %dma_wait3A_599] : memref<100000x64xf32, #tpu.memory_space<hbm>> -> memref<1x64xf32, #tpu.memory_space<hbm>>
        %dma_wait3A_601 = arith.constant 0 : i32
        %dma_wait3A_602 = arith.constant 0 : i32
        %dma_wait3A_603 = tpu.memref_slice %arg12[%dma_wait3A_601, %dma_wait3A_602] : memref<128x64xf32, #tpu.memory_space<vmem>> -> memref<1x64xf32, #tpu.memory_space<vmem>>
        %dma_wait3A_604 = arith.constant 0 : i32
        %dma_wait3A_605 = arith.constant 0 : i32
        %dma_wait3A_606 = tpu.memref_slice %arg5[%dma_wait3A_604, %dma_wait3A_605] : memref<100000x64xf32, #tpu.memory_space<hbm>> -> memref<1x64xf32, #tpu.memory_space<hbm>>
        tpu.wait_dma2 semaphore(%arg16 : memref<!tpu.dma_semaphore, #tpu.memory_space<semaphore_mem>>) src(%dma_wait3A_606 : memref<1x64xf32, #tpu.memory_space<hbm>>) dst(%dma_wait3A_603 : memref<1x64xf32, #tpu.memory_space<vmem>>)
        %dma_wait3A_607 = arith.constant 0 : i32
        %dma_wait3A_608 = arith.constant 0 : i32
        %dma_wait3A_609 = tpu.memref_slice %arg10[%dma_wait3A_607, %dma_wait3A_608] : memref<128x64xf32, #tpu.memory_space<vmem>> -> memref<1x64xf32, #tpu.memory_space<vmem>>
        %dma_wait3A_610 = arith.constant 0 : i32
        %dma_wait3A_611 = arith.constant 0 : i32
        %dma_wait3A_612 = tpu.memref_slice %arg5[%dma_wait3A_610, %dma_wait3A_611] : memref<100000x64xf32, #tpu.memory_space<hbm>> -> memref<1x64xf32, #tpu.memory_space<hbm>>
        %dma_wait3A_613 = arith.constant 0 : i32
        %dma_wait3A_614 = arith.constant 0 : i32
        %dma_wait3A_615 = tpu.memref_slice %arg10[%dma_wait3A_613, %dma_wait3A_614] : memref<128x64xf32, #tpu.memory_space<vmem>> -> memref<1x64xf32, #tpu.memory_space<vmem>>
        %dma_wait3A_616 = arith.constant 0 : i32
        %dma_wait3A_617 = arith.constant 0 : i32
        %dma_wait3A_618 = tpu.memref_slice %arg5[%dma_wait3A_616, %dma_wait3A_617] : memref<100000x64xf32, #tpu.memory_space<hbm>> -> memref<1x64xf32, #tpu.memory_space<hbm>>
        tpu.wait_dma2 semaphore(%arg16 : memref<!tpu.dma_semaphore, #tpu.memory_space<semaphore_mem>>) src(%dma_wait3A_618 : memref<1x64xf32, #tpu.memory_space<hbm>>) dst(%dma_wait3A_615 : memref<1x64xf32, #tpu.memory_space<vmem>>)
        %dma_wait3A_619 = arith.constant 0 : i32
        %dma_wait3A_620 = arith.constant 0 : i32
        %dma_wait3A_621 = tpu.memref_slice %arg11[%dma_wait3A_619, %dma_wait3A_620] : memref<128x64xf32, #tpu.memory_space<vmem>> -> memref<1x64xf32, #tpu.memory_space<vmem>>
        %dma_wait3A_622 = arith.constant 0 : i32
        %dma_wait3A_623 = arith.constant 0 : i32
        %dma_wait3A_624 = tpu.memref_slice %arg5[%dma_wait3A_622, %dma_wait3A_623] : memref<100000x64xf32, #tpu.memory_space<hbm>> -> memref<1x64xf32, #tpu.memory_space<hbm>>
        %dma_wait3A_625 = arith.constant 0 : i32
        %dma_wait3A_626 = arith.constant 0 : i32
        %dma_wait3A_627 = tpu.memref_slice %arg11[%dma_wait3A_625, %dma_wait3A_626] : memref<128x64xf32, #tpu.memory_space<vmem>> -> memref<1x64xf32, #tpu.memory_space<vmem>>
        %dma_wait3A_628 = arith.constant 0 : i32
        %dma_wait3A_629 = arith.constant 0 : i32
        %dma_wait3A_630 = tpu.memref_slice %arg5[%dma_wait3A_628, %dma_wait3A_629] : memref<100000x64xf32, #tpu.memory_space<hbm>> -> memref<1x64xf32, #tpu.memory_space<hbm>>
        tpu.wait_dma2 semaphore(%arg16 : memref<!tpu.dma_semaphore, #tpu.memory_space<semaphore_mem>>) src(%dma_wait3A_630 : memref<1x64xf32, #tpu.memory_space<hbm>>) dst(%dma_wait3A_627 : memref<1x64xf32, #tpu.memory_space<vmem>>)
        %dma_wait3A_631 = arith.constant 0 : i32
        %dma_wait3A_632 = arith.constant 0 : i32
        %dma_wait3A_633 = tpu.memref_slice %arg12[%dma_wait3A_631, %dma_wait3A_632] : memref<128x64xf32, #tpu.memory_space<vmem>> -> memref<1x64xf32, #tpu.memory_space<vmem>>
        %dma_wait3A_634 = arith.constant 0 : i32
        %dma_wait3A_635 = arith.constant 0 : i32
        %dma_wait3A_636 = tpu.memref_slice %arg5[%dma_wait3A_634, %dma_wait3A_635] : memref<100000x64xf32, #tpu.memory_space<hbm>> -> memref<1x64xf32, #tpu.memory_space<hbm>>
        %dma_wait3A_637 = arith.constant 0 : i32
        %dma_wait3A_638 = arith.constant 0 : i32
        %dma_wait3A_639 = tpu.memref_slice %arg12[%dma_wait3A_637, %dma_wait3A_638] : memref<128x64xf32, #tpu.memory_space<vmem>> -> memref<1x64xf32, #tpu.memory_space<vmem>>
        %dma_wait3A_640 = arith.constant 0 : i32
        %dma_wait3A_641 = arith.constant 0 : i32
        %dma_wait3A_642 = tpu.memref_slice %arg5[%dma_wait3A_640, %dma_wait3A_641] : memref<100000x64xf32, #tpu.memory_space<hbm>> -> memref<1x64xf32, #tpu.memory_space<hbm>>
        tpu.wait_dma2 semaphore(%arg16 : memref<!tpu.dma_semaphore, #tpu.memory_space<semaphore_mem>>) src(%dma_wait3A_642 : memref<1x64xf32, #tpu.memory_space<hbm>>) dst(%dma_wait3A_639 : memref<1x64xf32, #tpu.memory_space<vmem>>)
        %dma_wait3A_643 = arith.constant 0 : i32
        %dma_wait3A_644 = arith.constant 0 : i32
        %dma_wait3A_645 = tpu.memref_slice %arg10[%dma_wait3A_643, %dma_wait3A_644] : memref<128x64xf32, #tpu.memory_space<vmem>> -> memref<1x64xf32, #tpu.memory_space<vmem>>
        %dma_wait3A_646 = arith.constant 0 : i32
        %dma_wait3A_647 = arith.constant 0 : i32
        %dma_wait3A_648 = tpu.memref_slice %arg5[%dma_wait3A_646, %dma_wait3A_647] : memref<100000x64xf32, #tpu.memory_space<hbm>> -> memref<1x64xf32, #tpu.memory_space<hbm>>
        %dma_wait3A_649 = arith.constant 0 : i32
        %dma_wait3A_650 = arith.constant 0 : i32
        %dma_wait3A_651 = tpu.memref_slice %arg10[%dma_wait3A_649, %dma_wait3A_650] : memref<128x64xf32, #tpu.memory_space<vmem>> -> memref<1x64xf32, #tpu.memory_space<vmem>>
        %dma_wait3A_652 = arith.constant 0 : i32
        %dma_wait3A_653 = arith.constant 0 : i32
        %dma_wait3A_654 = tpu.memref_slice %arg5[%dma_wait3A_652, %dma_wait3A_653] : memref<100000x64xf32, #tpu.memory_space<hbm>> -> memref<1x64xf32, #tpu.memory_space<hbm>>
        tpu.wait_dma2 semaphore(%arg16 : memref<!tpu.dma_semaphore, #tpu.memory_space<semaphore_mem>>) src(%dma_wait3A_654 : memref<1x64xf32, #tpu.memory_space<hbm>>) dst(%dma_wait3A_651 : memref<1x64xf32, #tpu.memory_space<vmem>>)
        %dma_wait3A_655 = arith.constant 0 : i32
        %dma_wait3A_656 = arith.constant 0 : i32
        %dma_wait3A_657 = tpu.memref_slice %arg11[%dma_wait3A_655, %dma_wait3A_656] : memref<128x64xf32, #tpu.memory_space<vmem>> -> memref<1x64xf32, #tpu.memory_space<vmem>>
        %dma_wait3A_658 = arith.constant 0 : i32
        %dma_wait3A_659 = arith.constant 0 : i32
        %dma_wait3A_660 = tpu.memref_slice %arg5[%dma_wait3A_658, %dma_wait3A_659] : memref<100000x64xf32, #tpu.memory_space<hbm>> -> memref<1x64xf32, #tpu.memory_space<hbm>>
        %dma_wait3A_661 = arith.constant 0 : i32
        %dma_wait3A_662 = arith.constant 0 : i32
        %dma_wait3A_663 = tpu.memref_slice %arg11[%dma_wait3A_661, %dma_wait3A_662] : memref<128x64xf32, #tpu.memory_space<vmem>> -> memref<1x64xf32, #tpu.memory_space<vmem>>
        %dma_wait3A_664 = arith.constant 0 : i32
        %dma_wait3A_665 = arith.constant 0 : i32
        %dma_wait3A_666 = tpu.memref_slice %arg5[%dma_wait3A_664, %dma_wait3A_665] : memref<100000x64xf32, #tpu.memory_space<hbm>> -> memref<1x64xf32, #tpu.memory_space<hbm>>
        tpu.wait_dma2 semaphore(%arg16 : memref<!tpu.dma_semaphore, #tpu.memory_space<semaphore_mem>>) src(%dma_wait3A_666 : memref<1x64xf32, #tpu.memory_space<hbm>>) dst(%dma_wait3A_663 : memref<1x64xf32, #tpu.memory_space<vmem>>)
        %dma_wait3A_667 = arith.constant 0 : i32
        %dma_wait3A_668 = arith.constant 0 : i32
        %dma_wait3A_669 = tpu.memref_slice %arg12[%dma_wait3A_667, %dma_wait3A_668] : memref<128x64xf32, #tpu.memory_space<vmem>> -> memref<1x64xf32, #tpu.memory_space<vmem>>
        %dma_wait3A_670 = arith.constant 0 : i32
        %dma_wait3A_671 = arith.constant 0 : i32
        %dma_wait3A_672 = tpu.memref_slice %arg5[%dma_wait3A_670, %dma_wait3A_671] : memref<100000x64xf32, #tpu.memory_space<hbm>> -> memref<1x64xf32, #tpu.memory_space<hbm>>
        %dma_wait3A_673 = arith.constant 0 : i32
        %dma_wait3A_674 = arith.constant 0 : i32
        %dma_wait3A_675 = tpu.memref_slice %arg12[%dma_wait3A_673, %dma_wait3A_674] : memref<128x64xf32, #tpu.memory_space<vmem>> -> memref<1x64xf32, #tpu.memory_space<vmem>>
        %dma_wait3A_676 = arith.constant 0 : i32
        %dma_wait3A_677 = arith.constant 0 : i32
        %dma_wait3A_678 = tpu.memref_slice %arg5[%dma_wait3A_676, %dma_wait3A_677] : memref<100000x64xf32, #tpu.memory_space<hbm>> -> memref<1x64xf32, #tpu.memory_space<hbm>>
        tpu.wait_dma2 semaphore(%arg16 : memref<!tpu.dma_semaphore, #tpu.memory_space<semaphore_mem>>) src(%dma_wait3A_678 : memref<1x64xf32, #tpu.memory_space<hbm>>) dst(%dma_wait3A_675 : memref<1x64xf32, #tpu.memory_space<vmem>>)
        %dma_wait3A_679 = arith.constant 0 : i32
        %dma_wait3A_680 = arith.constant 0 : i32
        %dma_wait3A_681 = tpu.memref_slice %arg10[%dma_wait3A_679, %dma_wait3A_680] : memref<128x64xf32, #tpu.memory_space<vmem>> -> memref<1x64xf32, #tpu.memory_space<vmem>>
        %dma_wait3A_682 = arith.constant 0 : i32
        %dma_wait3A_683 = arith.constant 0 : i32
        %dma_wait3A_684 = tpu.memref_slice %arg5[%dma_wait3A_682, %dma_wait3A_683] : memref<100000x64xf32, #tpu.memory_space<hbm>> -> memref<1x64xf32, #tpu.memory_space<hbm>>
        %dma_wait3A_685 = arith.constant 0 : i32
        %dma_wait3A_686 = arith.constant 0 : i32
        %dma_wait3A_687 = tpu.memref_slice %arg10[%dma_wait3A_685, %dma_wait3A_686] : memref<128x64xf32, #tpu.memory_space<vmem>> -> memref<1x64xf32, #tpu.memory_space<vmem>>
        %dma_wait3A_688 = arith.constant 0 : i32
        %dma_wait3A_689 = arith.constant 0 : i32
        %dma_wait3A_690 = tpu.memref_slice %arg5[%dma_wait3A_688, %dma_wait3A_689] : memref<100000x64xf32, #tpu.memory_space<hbm>> -> memref<1x64xf32, #tpu.memory_space<hbm>>
        tpu.wait_dma2 semaphore(%arg16 : memref<!tpu.dma_semaphore, #tpu.memory_space<semaphore_mem>>) src(%dma_wait3A_690 : memref<1x64xf32, #tpu.memory_space<hbm>>) dst(%dma_wait3A_687 : memref<1x64xf32, #tpu.memory_space<vmem>>)
        %dma_wait3A_691 = arith.constant 0 : i32
        %dma_wait3A_692 = arith.constant 0 : i32
        %dma_wait3A_693 = tpu.memref_slice %arg11[%dma_wait3A_691, %dma_wait3A_692] : memref<128x64xf32, #tpu.memory_space<vmem>> -> memref<1x64xf32, #tpu.memory_space<vmem>>
        %dma_wait3A_694 = arith.constant 0 : i32
        %dma_wait3A_695 = arith.constant 0 : i32
        %dma_wait3A_696 = tpu.memref_slice %arg5[%dma_wait3A_694, %dma_wait3A_695] : memref<100000x64xf32, #tpu.memory_space<hbm>> -> memref<1x64xf32, #tpu.memory_space<hbm>>
        %dma_wait3A_697 = arith.constant 0 : i32
        %dma_wait3A_698 = arith.constant 0 : i32
        %dma_wait3A_699 = tpu.memref_slice %arg11[%dma_wait3A_697, %dma_wait3A_698] : memref<128x64xf32, #tpu.memory_space<vmem>> -> memref<1x64xf32, #tpu.memory_space<vmem>>
        %dma_wait3A_700 = arith.constant 0 : i32
        %dma_wait3A_701 = arith.constant 0 : i32
        %dma_wait3A_702 = tpu.memref_slice %arg5[%dma_wait3A_700, %dma_wait3A_701] : memref<100000x64xf32, #tpu.memory_space<hbm>> -> memref<1x64xf32, #tpu.memory_space<hbm>>
        tpu.wait_dma2 semaphore(%arg16 : memref<!tpu.dma_semaphore, #tpu.memory_space<semaphore_mem>>) src(%dma_wait3A_702 : memref<1x64xf32, #tpu.memory_space<hbm>>) dst(%dma_wait3A_699 : memref<1x64xf32, #tpu.memory_space<vmem>>)
        %dma_wait3A_703 = arith.constant 0 : i32
        %dma_wait3A_704 = arith.constant 0 : i32
        %dma_wait3A_705 = tpu.memref_slice %arg12[%dma_wait3A_703, %dma_wait3A_704] : memref<128x64xf32, #tpu.memory_space<vmem>> -> memref<1x64xf32, #tpu.memory_space<vmem>>
        %dma_wait3A_706 = arith.constant 0 : i32
        %dma_wait3A_707 = arith.constant 0 : i32
        %dma_wait3A_708 = tpu.memref_slice %arg5[%dma_wait3A_706, %dma_wait3A_707] : memref<100000x64xf32, #tpu.memory_space<hbm>> -> memref<1x64xf32, #tpu.memory_space<hbm>>
        %dma_wait3A_709 = arith.constant 0 : i32
        %dma_wait3A_710 = arith.constant 0 : i32
        %dma_wait3A_711 = tpu.memref_slice %arg12[%dma_wait3A_709, %dma_wait3A_710] : memref<128x64xf32, #tpu.memory_space<vmem>> -> memref<1x64xf32, #tpu.memory_space<vmem>>
        %dma_wait3A_712 = arith.constant 0 : i32
        %dma_wait3A_713 = arith.constant 0 : i32
        %dma_wait3A_714 = tpu.memref_slice %arg5[%dma_wait3A_712, %dma_wait3A_713] : memref<100000x64xf32, #tpu.memory_space<hbm>> -> memref<1x64xf32, #tpu.memory_space<hbm>>
        tpu.wait_dma2 semaphore(%arg16 : memref<!tpu.dma_semaphore, #tpu.memory_space<semaphore_mem>>) src(%dma_wait3A_714 : memref<1x64xf32, #tpu.memory_space<hbm>>) dst(%dma_wait3A_711 : memref<1x64xf32, #tpu.memory_space<vmem>>)
        %dma_wait3A_715 = arith.constant 0 : i32
        %dma_wait3A_716 = arith.constant 0 : i32
        %dma_wait3A_717 = tpu.memref_slice %arg10[%dma_wait3A_715, %dma_wait3A_716] : memref<128x64xf32, #tpu.memory_space<vmem>> -> memref<1x64xf32, #tpu.memory_space<vmem>>
        %dma_wait3A_718 = arith.constant 0 : i32
        %dma_wait3A_719 = arith.constant 0 : i32
        %dma_wait3A_720 = tpu.memref_slice %arg5[%dma_wait3A_718, %dma_wait3A_719] : memref<100000x64xf32, #tpu.memory_space<hbm>> -> memref<1x64xf32, #tpu.memory_space<hbm>>
        %dma_wait3A_721 = arith.constant 0 : i32
        %dma_wait3A_722 = arith.constant 0 : i32
        %dma_wait3A_723 = tpu.memref_slice %arg10[%dma_wait3A_721, %dma_wait3A_722] : memref<128x64xf32, #tpu.memory_space<vmem>> -> memref<1x64xf32, #tpu.memory_space<vmem>>
        %dma_wait3A_724 = arith.constant 0 : i32
        %dma_wait3A_725 = arith.constant 0 : i32
        %dma_wait3A_726 = tpu.memref_slice %arg5[%dma_wait3A_724, %dma_wait3A_725] : memref<100000x64xf32, #tpu.memory_space<hbm>> -> memref<1x64xf32, #tpu.memory_space<hbm>>
        tpu.wait_dma2 semaphore(%arg16 : memref<!tpu.dma_semaphore, #tpu.memory_space<semaphore_mem>>) src(%dma_wait3A_726 : memref<1x64xf32, #tpu.memory_space<hbm>>) dst(%dma_wait3A_723 : memref<1x64xf32, #tpu.memory_space<vmem>>)
        %dma_wait3A_727 = arith.constant 0 : i32
        %dma_wait3A_728 = arith.constant 0 : i32
        %dma_wait3A_729 = tpu.memref_slice %arg11[%dma_wait3A_727, %dma_wait3A_728] : memref<128x64xf32, #tpu.memory_space<vmem>> -> memref<1x64xf32, #tpu.memory_space<vmem>>
        %dma_wait3A_730 = arith.constant 0 : i32
        %dma_wait3A_731 = arith.constant 0 : i32
        %dma_wait3A_732 = tpu.memref_slice %arg5[%dma_wait3A_730, %dma_wait3A_731] : memref<100000x64xf32, #tpu.memory_space<hbm>> -> memref<1x64xf32, #tpu.memory_space<hbm>>
        %dma_wait3A_733 = arith.constant 0 : i32
        %dma_wait3A_734 = arith.constant 0 : i32
        %dma_wait3A_735 = tpu.memref_slice %arg11[%dma_wait3A_733, %dma_wait3A_734] : memref<128x64xf32, #tpu.memory_space<vmem>> -> memref<1x64xf32, #tpu.memory_space<vmem>>
        %dma_wait3A_736 = arith.constant 0 : i32
        %dma_wait3A_737 = arith.constant 0 : i32
        %dma_wait3A_738 = tpu.memref_slice %arg5[%dma_wait3A_736, %dma_wait3A_737] : memref<100000x64xf32, #tpu.memory_space<hbm>> -> memref<1x64xf32, #tpu.memory_space<hbm>>
        tpu.wait_dma2 semaphore(%arg16 : memref<!tpu.dma_semaphore, #tpu.memory_space<semaphore_mem>>) src(%dma_wait3A_738 : memref<1x64xf32, #tpu.memory_space<hbm>>) dst(%dma_wait3A_735 : memref<1x64xf32, #tpu.memory_space<vmem>>)
        %dma_wait3A_739 = arith.constant 0 : i32
        %dma_wait3A_740 = arith.constant 0 : i32
        %dma_wait3A_741 = tpu.memref_slice %arg12[%dma_wait3A_739, %dma_wait3A_740] : memref<128x64xf32, #tpu.memory_space<vmem>> -> memref<1x64xf32, #tpu.memory_space<vmem>>
        %dma_wait3A_742 = arith.constant 0 : i32
        %dma_wait3A_743 = arith.constant 0 : i32
        %dma_wait3A_744 = tpu.memref_slice %arg5[%dma_wait3A_742, %dma_wait3A_743] : memref<100000x64xf32, #tpu.memory_space<hbm>> -> memref<1x64xf32, #tpu.memory_space<hbm>>
        %dma_wait3A_745 = arith.constant 0 : i32
        %dma_wait3A_746 = arith.constant 0 : i32
        %dma_wait3A_747 = tpu.memref_slice %arg12[%dma_wait3A_745, %dma_wait3A_746] : memref<128x64xf32, #tpu.memory_space<vmem>> -> memref<1x64xf32, #tpu.memory_space<vmem>>
        %dma_wait3A_748 = arith.constant 0 : i32
        %dma_wait3A_749 = arith.constant 0 : i32
        %dma_wait3A_750 = tpu.memref_slice %arg5[%dma_wait3A_748, %dma_wait3A_749] : memref<100000x64xf32, #tpu.memory_space<hbm>> -> memref<1x64xf32, #tpu.memory_space<hbm>>
        tpu.wait_dma2 semaphore(%arg16 : memref<!tpu.dma_semaphore, #tpu.memory_space<semaphore_mem>>) src(%dma_wait3A_750 : memref<1x64xf32, #tpu.memory_space<hbm>>) dst(%dma_wait3A_747 : memref<1x64xf32, #tpu.memory_space<vmem>>)
        %dma_wait3A_751 = arith.constant 0 : i32
        %dma_wait3A_752 = arith.constant 0 : i32
        %dma_wait3A_753 = tpu.memref_slice %arg10[%dma_wait3A_751, %dma_wait3A_752] : memref<128x64xf32, #tpu.memory_space<vmem>> -> memref<1x64xf32, #tpu.memory_space<vmem>>
        %dma_wait3A_754 = arith.constant 0 : i32
        %dma_wait3A_755 = arith.constant 0 : i32
        %dma_wait3A_756 = tpu.memref_slice %arg5[%dma_wait3A_754, %dma_wait3A_755] : memref<100000x64xf32, #tpu.memory_space<hbm>> -> memref<1x64xf32, #tpu.memory_space<hbm>>
        %dma_wait3A_757 = arith.constant 0 : i32
        %dma_wait3A_758 = arith.constant 0 : i32
        %dma_wait3A_759 = tpu.memref_slice %arg10[%dma_wait3A_757, %dma_wait3A_758] : memref<128x64xf32, #tpu.memory_space<vmem>> -> memref<1x64xf32, #tpu.memory_space<vmem>>
        %dma_wait3A_760 = arith.constant 0 : i32
        %dma_wait3A_761 = arith.constant 0 : i32
        %dma_wait3A_762 = tpu.memref_slice %arg5[%dma_wait3A_760, %dma_wait3A_761] : memref<100000x64xf32, #tpu.memory_space<hbm>> -> memref<1x64xf32, #tpu.memory_space<hbm>>
        tpu.wait_dma2 semaphore(%arg16 : memref<!tpu.dma_semaphore, #tpu.memory_space<semaphore_mem>>) src(%dma_wait3A_762 : memref<1x64xf32, #tpu.memory_space<hbm>>) dst(%dma_wait3A_759 : memref<1x64xf32, #tpu.memory_space<vmem>>)
        %dma_wait3A_763 = arith.constant 0 : i32
        %dma_wait3A_764 = arith.constant 0 : i32
        %dma_wait3A_765 = tpu.memref_slice %arg11[%dma_wait3A_763, %dma_wait3A_764] : memref<128x64xf32, #tpu.memory_space<vmem>> -> memref<1x64xf32, #tpu.memory_space<vmem>>
        %dma_wait3A_766 = arith.constant 0 : i32
        %dma_wait3A_767 = arith.constant 0 : i32
        %dma_wait3A_768 = tpu.memref_slice %arg5[%dma_wait3A_766, %dma_wait3A_767] : memref<100000x64xf32, #tpu.memory_space<hbm>> -> memref<1x64xf32, #tpu.memory_space<hbm>>
        %dma_wait3A_769 = arith.constant 0 : i32
        %dma_wait3A_770 = arith.constant 0 : i32
        %dma_wait3A_771 = tpu.memref_slice %arg11[%dma_wait3A_769, %dma_wait3A_770] : memref<128x64xf32, #tpu.memory_space<vmem>> -> memref<1x64xf32, #tpu.memory_space<vmem>>
        %dma_wait3A_772 = arith.constant 0 : i32
        %dma_wait3A_773 = arith.constant 0 : i32
        %dma_wait3A_774 = tpu.memref_slice %arg5[%dma_wait3A_772, %dma_wait3A_773] : memref<100000x64xf32, #tpu.memory_space<hbm>> -> memref<1x64xf32, #tpu.memory_space<hbm>>
        tpu.wait_dma2 semaphore(%arg16 : memref<!tpu.dma_semaphore, #tpu.memory_space<semaphore_mem>>) src(%dma_wait3A_774 : memref<1x64xf32, #tpu.memory_space<hbm>>) dst(%dma_wait3A_771 : memref<1x64xf32, #tpu.memory_space<vmem>>)
        %dma_wait3A_775 = arith.constant 0 : i32
        %dma_wait3A_776 = arith.constant 0 : i32
        %dma_wait3A_777 = tpu.memref_slice %arg12[%dma_wait3A_775, %dma_wait3A_776] : memref<128x64xf32, #tpu.memory_space<vmem>> -> memref<1x64xf32, #tpu.memory_space<vmem>>
        %dma_wait3A_778 = arith.constant 0 : i32
        %dma_wait3A_779 = arith.constant 0 : i32
        %dma_wait3A_780 = tpu.memref_slice %arg5[%dma_wait3A_778, %dma_wait3A_779] : memref<100000x64xf32, #tpu.memory_space<hbm>> -> memref<1x64xf32, #tpu.memory_space<hbm>>
        %dma_wait3A_781 = arith.constant 0 : i32
        %dma_wait3A_782 = arith.constant 0 : i32
        %dma_wait3A_783 = tpu.memref_slice %arg12[%dma_wait3A_781, %dma_wait3A_782] : memref<128x64xf32, #tpu.memory_space<vmem>> -> memref<1x64xf32, #tpu.memory_space<vmem>>
        %dma_wait3A_784 = arith.constant 0 : i32
        %dma_wait3A_785 = arith.constant 0 : i32
        %dma_wait3A_786 = tpu.memref_slice %arg5[%dma_wait3A_784, %dma_wait3A_785] : memref<100000x64xf32, #tpu.memory_space<hbm>> -> memref<1x64xf32, #tpu.memory_space<hbm>>
        tpu.wait_dma2 semaphore(%arg16 : memref<!tpu.dma_semaphore, #tpu.memory_space<semaphore_mem>>) src(%dma_wait3A_786 : memref<1x64xf32, #tpu.memory_space<hbm>>) dst(%dma_wait3A_783 : memref<1x64xf32, #tpu.memory_space<vmem>>)
        %dma_wait3A_787 = arith.constant 0 : i32
        %dma_wait3A_788 = arith.constant 0 : i32
        %dma_wait3A_789 = tpu.memref_slice %arg10[%dma_wait3A_787, %dma_wait3A_788] : memref<128x64xf32, #tpu.memory_space<vmem>> -> memref<1x64xf32, #tpu.memory_space<vmem>>
        %dma_wait3A_790 = arith.constant 0 : i32
        %dma_wait3A_791 = arith.constant 0 : i32
        %dma_wait3A_792 = tpu.memref_slice %arg5[%dma_wait3A_790, %dma_wait3A_791] : memref<100000x64xf32, #tpu.memory_space<hbm>> -> memref<1x64xf32, #tpu.memory_space<hbm>>
        %dma_wait3A_793 = arith.constant 0 : i32
        %dma_wait3A_794 = arith.constant 0 : i32
        %dma_wait3A_795 = tpu.memref_slice %arg10[%dma_wait3A_793, %dma_wait3A_794] : memref<128x64xf32, #tpu.memory_space<vmem>> -> memref<1x64xf32, #tpu.memory_space<vmem>>
        %dma_wait3A_796 = arith.constant 0 : i32
        %dma_wait3A_797 = arith.constant 0 : i32
        %dma_wait3A_798 = tpu.memref_slice %arg5[%dma_wait3A_796, %dma_wait3A_797] : memref<100000x64xf32, #tpu.memory_space<hbm>> -> memref<1x64xf32, #tpu.memory_space<hbm>>
        tpu.wait_dma2 semaphore(%arg16 : memref<!tpu.dma_semaphore, #tpu.memory_space<semaphore_mem>>) src(%dma_wait3A_798 : memref<1x64xf32, #tpu.memory_space<hbm>>) dst(%dma_wait3A_795 : memref<1x64xf32, #tpu.memory_space<vmem>>)
        %dma_wait3A_799 = arith.constant 0 : i32
        %dma_wait3A_800 = arith.constant 0 : i32
        %dma_wait3A_801 = tpu.memref_slice %arg11[%dma_wait3A_799, %dma_wait3A_800] : memref<128x64xf32, #tpu.memory_space<vmem>> -> memref<1x64xf32, #tpu.memory_space<vmem>>
        %dma_wait3A_802 = arith.constant 0 : i32
        %dma_wait3A_803 = arith.constant 0 : i32
        %dma_wait3A_804 = tpu.memref_slice %arg5[%dma_wait3A_802, %dma_wait3A_803] : memref<100000x64xf32, #tpu.memory_space<hbm>> -> memref<1x64xf32, #tpu.memory_space<hbm>>
        %dma_wait3A_805 = arith.constant 0 : i32
        %dma_wait3A_806 = arith.constant 0 : i32
        %dma_wait3A_807 = tpu.memref_slice %arg11[%dma_wait3A_805, %dma_wait3A_806] : memref<128x64xf32, #tpu.memory_space<vmem>> -> memref<1x64xf32, #tpu.memory_space<vmem>>
        %dma_wait3A_808 = arith.constant 0 : i32
        %dma_wait3A_809 = arith.constant 0 : i32
        %dma_wait3A_810 = tpu.memref_slice %arg5[%dma_wait3A_808, %dma_wait3A_809] : memref<100000x64xf32, #tpu.memory_space<hbm>> -> memref<1x64xf32, #tpu.memory_space<hbm>>
        tpu.wait_dma2 semaphore(%arg16 : memref<!tpu.dma_semaphore, #tpu.memory_space<semaphore_mem>>) src(%dma_wait3A_810 : memref<1x64xf32, #tpu.memory_space<hbm>>) dst(%dma_wait3A_807 : memref<1x64xf32, #tpu.memory_space<vmem>>)
        %dma_wait3A_811 = arith.constant 0 : i32
        %dma_wait3A_812 = arith.constant 0 : i32
        %dma_wait3A_813 = tpu.memref_slice %arg12[%dma_wait3A_811, %dma_wait3A_812] : memref<128x64xf32, #tpu.memory_space<vmem>> -> memref<1x64xf32, #tpu.memory_space<vmem>>
        %dma_wait3A_814 = arith.constant 0 : i32
        %dma_wait3A_815 = arith.constant 0 : i32
        %dma_wait3A_816 = tpu.memref_slice %arg5[%dma_wait3A_814, %dma_wait3A_815] : memref<100000x64xf32, #tpu.memory_space<hbm>> -> memref<1x64xf32, #tpu.memory_space<hbm>>
        %dma_wait3A_817 = arith.constant 0 : i32
        %dma_wait3A_818 = arith.constant 0 : i32
        %dma_wait3A_819 = tpu.memref_slice %arg12[%dma_wait3A_817, %dma_wait3A_818] : memref<128x64xf32, #tpu.memory_space<vmem>> -> memref<1x64xf32, #tpu.memory_space<vmem>>
        %dma_wait3A_820 = arith.constant 0 : i32
        %dma_wait3A_821 = arith.constant 0 : i32
        %dma_wait3A_822 = tpu.memref_slice %arg5[%dma_wait3A_820, %dma_wait3A_821] : memref<100000x64xf32, #tpu.memory_space<hbm>> -> memref<1x64xf32, #tpu.memory_space<hbm>>
        tpu.wait_dma2 semaphore(%arg16 : memref<!tpu.dma_semaphore, #tpu.memory_space<semaphore_mem>>) src(%dma_wait3A_822 : memref<1x64xf32, #tpu.memory_space<hbm>>) dst(%dma_wait3A_819 : memref<1x64xf32, #tpu.memory_space<vmem>>)
        %dma_wait3A_823 = arith.constant 0 : i32
        %dma_wait3A_824 = arith.constant 0 : i32
        %dma_wait3A_825 = tpu.memref_slice %arg10[%dma_wait3A_823, %dma_wait3A_824] : memref<128x64xf32, #tpu.memory_space<vmem>> -> memref<1x64xf32, #tpu.memory_space<vmem>>
        %dma_wait3A_826 = arith.constant 0 : i32
        %dma_wait3A_827 = arith.constant 0 : i32
        %dma_wait3A_828 = tpu.memref_slice %arg5[%dma_wait3A_826, %dma_wait3A_827] : memref<100000x64xf32, #tpu.memory_space<hbm>> -> memref<1x64xf32, #tpu.memory_space<hbm>>
        %dma_wait3A_829 = arith.constant 0 : i32
        %dma_wait3A_830 = arith.constant 0 : i32
        %dma_wait3A_831 = tpu.memref_slice %arg10[%dma_wait3A_829, %dma_wait3A_830] : memref<128x64xf32, #tpu.memory_space<vmem>> -> memref<1x64xf32, #tpu.memory_space<vmem>>
        %dma_wait3A_832 = arith.constant 0 : i32
        %dma_wait3A_833 = arith.constant 0 : i32
        %dma_wait3A_834 = tpu.memref_slice %arg5[%dma_wait3A_832, %dma_wait3A_833] : memref<100000x64xf32, #tpu.memory_space<hbm>> -> memref<1x64xf32, #tpu.memory_space<hbm>>
        tpu.wait_dma2 semaphore(%arg16 : memref<!tpu.dma_semaphore, #tpu.memory_space<semaphore_mem>>) src(%dma_wait3A_834 : memref<1x64xf32, #tpu.memory_space<hbm>>) dst(%dma_wait3A_831 : memref<1x64xf32, #tpu.memory_space<vmem>>)
        %dma_wait3A_835 = arith.constant 0 : i32
        %dma_wait3A_836 = arith.constant 0 : i32
        %dma_wait3A_837 = tpu.memref_slice %arg11[%dma_wait3A_835, %dma_wait3A_836] : memref<128x64xf32, #tpu.memory_space<vmem>> -> memref<1x64xf32, #tpu.memory_space<vmem>>
        %dma_wait3A_838 = arith.constant 0 : i32
        %dma_wait3A_839 = arith.constant 0 : i32
        %dma_wait3A_840 = tpu.memref_slice %arg5[%dma_wait3A_838, %dma_wait3A_839] : memref<100000x64xf32, #tpu.memory_space<hbm>> -> memref<1x64xf32, #tpu.memory_space<hbm>>
        %dma_wait3A_841 = arith.constant 0 : i32
        %dma_wait3A_842 = arith.constant 0 : i32
        %dma_wait3A_843 = tpu.memref_slice %arg11[%dma_wait3A_841, %dma_wait3A_842] : memref<128x64xf32, #tpu.memory_space<vmem>> -> memref<1x64xf32, #tpu.memory_space<vmem>>
        %dma_wait3A_844 = arith.constant 0 : i32
        %dma_wait3A_845 = arith.constant 0 : i32
        %dma_wait3A_846 = tpu.memref_slice %arg5[%dma_wait3A_844, %dma_wait3A_845] : memref<100000x64xf32, #tpu.memory_space<hbm>> -> memref<1x64xf32, #tpu.memory_space<hbm>>
        tpu.wait_dma2 semaphore(%arg16 : memref<!tpu.dma_semaphore, #tpu.memory_space<semaphore_mem>>) src(%dma_wait3A_846 : memref<1x64xf32, #tpu.memory_space<hbm>>) dst(%dma_wait3A_843 : memref<1x64xf32, #tpu.memory_space<vmem>>)
        %dma_wait3A_847 = arith.constant 0 : i32
        %dma_wait3A_848 = arith.constant 0 : i32
        %dma_wait3A_849 = tpu.memref_slice %arg12[%dma_wait3A_847, %dma_wait3A_848] : memref<128x64xf32, #tpu.memory_space<vmem>> -> memref<1x64xf32, #tpu.memory_space<vmem>>
        %dma_wait3A_850 = arith.constant 0 : i32
        %dma_wait3A_851 = arith.constant 0 : i32
        %dma_wait3A_852 = tpu.memref_slice %arg5[%dma_wait3A_850, %dma_wait3A_851] : memref<100000x64xf32, #tpu.memory_space<hbm>> -> memref<1x64xf32, #tpu.memory_space<hbm>>
        %dma_wait3A_853 = arith.constant 0 : i32
        %dma_wait3A_854 = arith.constant 0 : i32
        %dma_wait3A_855 = tpu.memref_slice %arg12[%dma_wait3A_853, %dma_wait3A_854] : memref<128x64xf32, #tpu.memory_space<vmem>> -> memref<1x64xf32, #tpu.memory_space<vmem>>
        %dma_wait3A_856 = arith.constant 0 : i32
        %dma_wait3A_857 = arith.constant 0 : i32
        %dma_wait3A_858 = tpu.memref_slice %arg5[%dma_wait3A_856, %dma_wait3A_857] : memref<100000x64xf32, #tpu.memory_space<hbm>> -> memref<1x64xf32, #tpu.memory_space<hbm>>
        tpu.wait_dma2 semaphore(%arg16 : memref<!tpu.dma_semaphore, #tpu.memory_space<semaphore_mem>>) src(%dma_wait3A_858 : memref<1x64xf32, #tpu.memory_space<hbm>>) dst(%dma_wait3A_855 : memref<1x64xf32, #tpu.memory_space<vmem>>)
        %dma_wait3A_859 = arith.constant 0 : i32
        %dma_wait3A_860 = arith.constant 0 : i32
        %dma_wait3A_861 = tpu.memref_slice %arg10[%dma_wait3A_859, %dma_wait3A_860] : memref<128x64xf32, #tpu.memory_space<vmem>> -> memref<1x64xf32, #tpu.memory_space<vmem>>
        %dma_wait3A_862 = arith.constant 0 : i32
        %dma_wait3A_863 = arith.constant 0 : i32
        %dma_wait3A_864 = tpu.memref_slice %arg5[%dma_wait3A_862, %dma_wait3A_863] : memref<100000x64xf32, #tpu.memory_space<hbm>> -> memref<1x64xf32, #tpu.memory_space<hbm>>
        %dma_wait3A_865 = arith.constant 0 : i32
        %dma_wait3A_866 = arith.constant 0 : i32
        %dma_wait3A_867 = tpu.memref_slice %arg10[%dma_wait3A_865, %dma_wait3A_866] : memref<128x64xf32, #tpu.memory_space<vmem>> -> memref<1x64xf32, #tpu.memory_space<vmem>>
        %dma_wait3A_868 = arith.constant 0 : i32
        %dma_wait3A_869 = arith.constant 0 : i32
        %dma_wait3A_870 = tpu.memref_slice %arg5[%dma_wait3A_868, %dma_wait3A_869] : memref<100000x64xf32, #tpu.memory_space<hbm>> -> memref<1x64xf32, #tpu.memory_space<hbm>>
        tpu.wait_dma2 semaphore(%arg16 : memref<!tpu.dma_semaphore, #tpu.memory_space<semaphore_mem>>) src(%dma_wait3A_870 : memref<1x64xf32, #tpu.memory_space<hbm>>) dst(%dma_wait3A_867 : memref<1x64xf32, #tpu.memory_space<vmem>>)
        %dma_wait3A_871 = arith.constant 0 : i32
        %dma_wait3A_872 = arith.constant 0 : i32
        %dma_wait3A_873 = tpu.memref_slice %arg11[%dma_wait3A_871, %dma_wait3A_872] : memref<128x64xf32, #tpu.memory_space<vmem>> -> memref<1x64xf32, #tpu.memory_space<vmem>>
        %dma_wait3A_874 = arith.constant 0 : i32
        %dma_wait3A_875 = arith.constant 0 : i32
        %dma_wait3A_876 = tpu.memref_slice %arg5[%dma_wait3A_874, %dma_wait3A_875] : memref<100000x64xf32, #tpu.memory_space<hbm>> -> memref<1x64xf32, #tpu.memory_space<hbm>>
        %dma_wait3A_877 = arith.constant 0 : i32
        %dma_wait3A_878 = arith.constant 0 : i32
        %dma_wait3A_879 = tpu.memref_slice %arg11[%dma_wait3A_877, %dma_wait3A_878] : memref<128x64xf32, #tpu.memory_space<vmem>> -> memref<1x64xf32, #tpu.memory_space<vmem>>
        %dma_wait3A_880 = arith.constant 0 : i32
        %dma_wait3A_881 = arith.constant 0 : i32
        %dma_wait3A_882 = tpu.memref_slice %arg5[%dma_wait3A_880, %dma_wait3A_881] : memref<100000x64xf32, #tpu.memory_space<hbm>> -> memref<1x64xf32, #tpu.memory_space<hbm>>
        tpu.wait_dma2 semaphore(%arg16 : memref<!tpu.dma_semaphore, #tpu.memory_space<semaphore_mem>>) src(%dma_wait3A_882 : memref<1x64xf32, #tpu.memory_space<hbm>>) dst(%dma_wait3A_879 : memref<1x64xf32, #tpu.memory_space<vmem>>)
        %dma_wait3A_883 = arith.constant 0 : i32
        %dma_wait3A_884 = arith.constant 0 : i32
        %dma_wait3A_885 = tpu.memref_slice %arg12[%dma_wait3A_883, %dma_wait3A_884] : memref<128x64xf32, #tpu.memory_space<vmem>> -> memref<1x64xf32, #tpu.memory_space<vmem>>
        %dma_wait3A_886 = arith.constant 0 : i32
        %dma_wait3A_887 = arith.constant 0 : i32
        %dma_wait3A_888 = tpu.memref_slice %arg5[%dma_wait3A_886, %dma_wait3A_887] : memref<100000x64xf32, #tpu.memory_space<hbm>> -> memref<1x64xf32, #tpu.memory_space<hbm>>
        %dma_wait3A_889 = arith.constant 0 : i32
        %dma_wait3A_890 = arith.constant 0 : i32
        %dma_wait3A_891 = tpu.memref_slice %arg12[%dma_wait3A_889, %dma_wait3A_890] : memref<128x64xf32, #tpu.memory_space<vmem>> -> memref<1x64xf32, #tpu.memory_space<vmem>>
        %dma_wait3A_892 = arith.constant 0 : i32
        %dma_wait3A_893 = arith.constant 0 : i32
        %dma_wait3A_894 = tpu.memref_slice %arg5[%dma_wait3A_892, %dma_wait3A_893] : memref<100000x64xf32, #tpu.memory_space<hbm>> -> memref<1x64xf32, #tpu.memory_space<hbm>>
        tpu.wait_dma2 semaphore(%arg16 : memref<!tpu.dma_semaphore, #tpu.memory_space<semaphore_mem>>) src(%dma_wait3A_894 : memref<1x64xf32, #tpu.memory_space<hbm>>) dst(%dma_wait3A_891 : memref<1x64xf32, #tpu.memory_space<vmem>>)
        %dma_wait3A_895 = arith.constant 0 : i32
        %dma_wait3A_896 = arith.constant 0 : i32
        %dma_wait3A_897 = tpu.memref_slice %arg10[%dma_wait3A_895, %dma_wait3A_896] : memref<128x64xf32, #tpu.memory_space<vmem>> -> memref<1x64xf32, #tpu.memory_space<vmem>>
        %dma_wait3A_898 = arith.constant 0 : i32
        %dma_wait3A_899 = arith.constant 0 : i32
        %dma_wait3A_900 = tpu.memref_slice %arg5[%dma_wait3A_898, %dma_wait3A_899] : memref<100000x64xf32, #tpu.memory_space<hbm>> -> memref<1x64xf32, #tpu.memory_space<hbm>>
        %dma_wait3A_901 = arith.constant 0 : i32
        %dma_wait3A_902 = arith.constant 0 : i32
        %dma_wait3A_903 = tpu.memref_slice %arg10[%dma_wait3A_901, %dma_wait3A_902] : memref<128x64xf32, #tpu.memory_space<vmem>> -> memref<1x64xf32, #tpu.memory_space<vmem>>
        %dma_wait3A_904 = arith.constant 0 : i32
        %dma_wait3A_905 = arith.constant 0 : i32
        %dma_wait3A_906 = tpu.memref_slice %arg5[%dma_wait3A_904, %dma_wait3A_905] : memref<100000x64xf32, #tpu.memory_space<hbm>> -> memref<1x64xf32, #tpu.memory_space<hbm>>
        tpu.wait_dma2 semaphore(%arg16 : memref<!tpu.dma_semaphore, #tpu.memory_space<semaphore_mem>>) src(%dma_wait3A_906 : memref<1x64xf32, #tpu.memory_space<hbm>>) dst(%dma_wait3A_903 : memref<1x64xf32, #tpu.memory_space<vmem>>)
        %dma_wait3A_907 = arith.constant 0 : i32
        %dma_wait3A_908 = arith.constant 0 : i32
        %dma_wait3A_909 = tpu.memref_slice %arg11[%dma_wait3A_907, %dma_wait3A_908] : memref<128x64xf32, #tpu.memory_space<vmem>> -> memref<1x64xf32, #tpu.memory_space<vmem>>
        %dma_wait3A_910 = arith.constant 0 : i32
        %dma_wait3A_911 = arith.constant 0 : i32
        %dma_wait3A_912 = tpu.memref_slice %arg5[%dma_wait3A_910, %dma_wait3A_911] : memref<100000x64xf32, #tpu.memory_space<hbm>> -> memref<1x64xf32, #tpu.memory_space<hbm>>
        %dma_wait3A_913 = arith.constant 0 : i32
        %dma_wait3A_914 = arith.constant 0 : i32
        %dma_wait3A_915 = tpu.memref_slice %arg11[%dma_wait3A_913, %dma_wait3A_914] : memref<128x64xf32, #tpu.memory_space<vmem>> -> memref<1x64xf32, #tpu.memory_space<vmem>>
        %dma_wait3A_916 = arith.constant 0 : i32
        %dma_wait3A_917 = arith.constant 0 : i32
        %dma_wait3A_918 = tpu.memref_slice %arg5[%dma_wait3A_916, %dma_wait3A_917] : memref<100000x64xf32, #tpu.memory_space<hbm>> -> memref<1x64xf32, #tpu.memory_space<hbm>>
        tpu.wait_dma2 semaphore(%arg16 : memref<!tpu.dma_semaphore, #tpu.memory_space<semaphore_mem>>) src(%dma_wait3A_918 : memref<1x64xf32, #tpu.memory_space<hbm>>) dst(%dma_wait3A_915 : memref<1x64xf32, #tpu.memory_space<vmem>>)
        %dma_wait3A_919 = arith.constant 0 : i32
        %dma_wait3A_920 = arith.constant 0 : i32
        %dma_wait3A_921 = tpu.memref_slice %arg12[%dma_wait3A_919, %dma_wait3A_920] : memref<128x64xf32, #tpu.memory_space<vmem>> -> memref<1x64xf32, #tpu.memory_space<vmem>>
        %dma_wait3A_922 = arith.constant 0 : i32
        %dma_wait3A_923 = arith.constant 0 : i32
        %dma_wait3A_924 = tpu.memref_slice %arg5[%dma_wait3A_922, %dma_wait3A_923] : memref<100000x64xf32, #tpu.memory_space<hbm>> -> memref<1x64xf32, #tpu.memory_space<hbm>>
        %dma_wait3A_925 = arith.constant 0 : i32
        %dma_wait3A_926 = arith.constant 0 : i32
        %dma_wait3A_927 = tpu.memref_slice %arg12[%dma_wait3A_925, %dma_wait3A_926] : memref<128x64xf32, #tpu.memory_space<vmem>> -> memref<1x64xf32, #tpu.memory_space<vmem>>
        %dma_wait3A_928 = arith.constant 0 : i32
        %dma_wait3A_929 = arith.constant 0 : i32
        %dma_wait3A_930 = tpu.memref_slice %arg5[%dma_wait3A_928, %dma_wait3A_929] : memref<100000x64xf32, #tpu.memory_space<hbm>> -> memref<1x64xf32, #tpu.memory_space<hbm>>
        tpu.wait_dma2 semaphore(%arg16 : memref<!tpu.dma_semaphore, #tpu.memory_space<semaphore_mem>>) src(%dma_wait3A_930 : memref<1x64xf32, #tpu.memory_space<hbm>>) dst(%dma_wait3A_927 : memref<1x64xf32, #tpu.memory_space<vmem>>)
        %dma_wait3A_931 = arith.constant 0 : i32
        %dma_wait3A_932 = arith.constant 0 : i32
        %dma_wait3A_933 = tpu.memref_slice %arg10[%dma_wait3A_931, %dma_wait3A_932] : memref<128x64xf32, #tpu.memory_space<vmem>> -> memref<1x64xf32, #tpu.memory_space<vmem>>
        %dma_wait3A_934 = arith.constant 0 : i32
        %dma_wait3A_935 = arith.constant 0 : i32
        %dma_wait3A_936 = tpu.memref_slice %arg5[%dma_wait3A_934, %dma_wait3A_935] : memref<100000x64xf32, #tpu.memory_space<hbm>> -> memref<1x64xf32, #tpu.memory_space<hbm>>
        %dma_wait3A_937 = arith.constant 0 : i32
        %dma_wait3A_938 = arith.constant 0 : i32
        %dma_wait3A_939 = tpu.memref_slice %arg10[%dma_wait3A_937, %dma_wait3A_938] : memref<128x64xf32, #tpu.memory_space<vmem>> -> memref<1x64xf32, #tpu.memory_space<vmem>>
        %dma_wait3A_940 = arith.constant 0 : i32
        %dma_wait3A_941 = arith.constant 0 : i32
        %dma_wait3A_942 = tpu.memref_slice %arg5[%dma_wait3A_940, %dma_wait3A_941] : memref<100000x64xf32, #tpu.memory_space<hbm>> -> memref<1x64xf32, #tpu.memory_space<hbm>>
        tpu.wait_dma2 semaphore(%arg16 : memref<!tpu.dma_semaphore, #tpu.memory_space<semaphore_mem>>) src(%dma_wait3A_942 : memref<1x64xf32, #tpu.memory_space<hbm>>) dst(%dma_wait3A_939 : memref<1x64xf32, #tpu.memory_space<vmem>>)
        %dma_wait3A_943 = arith.constant 0 : i32
        %dma_wait3A_944 = arith.constant 0 : i32
        %dma_wait3A_945 = tpu.memref_slice %arg11[%dma_wait3A_943, %dma_wait3A_944] : memref<128x64xf32, #tpu.memory_space<vmem>> -> memref<1x64xf32, #tpu.memory_space<vmem>>
        %dma_wait3A_946 = arith.constant 0 : i32
        %dma_wait3A_947 = arith.constant 0 : i32
        %dma_wait3A_948 = tpu.memref_slice %arg5[%dma_wait3A_946, %dma_wait3A_947] : memref<100000x64xf32, #tpu.memory_space<hbm>> -> memref<1x64xf32, #tpu.memory_space<hbm>>
        %dma_wait3A_949 = arith.constant 0 : i32
        %dma_wait3A_950 = arith.constant 0 : i32
        %dma_wait3A_951 = tpu.memref_slice %arg11[%dma_wait3A_949, %dma_wait3A_950] : memref<128x64xf32, #tpu.memory_space<vmem>> -> memref<1x64xf32, #tpu.memory_space<vmem>>
        %dma_wait3A_952 = arith.constant 0 : i32
        %dma_wait3A_953 = arith.constant 0 : i32
        %dma_wait3A_954 = tpu.memref_slice %arg5[%dma_wait3A_952, %dma_wait3A_953] : memref<100000x64xf32, #tpu.memory_space<hbm>> -> memref<1x64xf32, #tpu.memory_space<hbm>>
        tpu.wait_dma2 semaphore(%arg16 : memref<!tpu.dma_semaphore, #tpu.memory_space<semaphore_mem>>) src(%dma_wait3A_954 : memref<1x64xf32, #tpu.memory_space<hbm>>) dst(%dma_wait3A_951 : memref<1x64xf32, #tpu.memory_space<vmem>>)
        %dma_wait3A_955 = arith.constant 0 : i32
        %dma_wait3A_956 = arith.constant 0 : i32
        %dma_wait3A_957 = tpu.memref_slice %arg12[%dma_wait3A_955, %dma_wait3A_956] : memref<128x64xf32, #tpu.memory_space<vmem>> -> memref<1x64xf32, #tpu.memory_space<vmem>>
        %dma_wait3A_958 = arith.constant 0 : i32
        %dma_wait3A_959 = arith.constant 0 : i32
        %dma_wait3A_960 = tpu.memref_slice %arg5[%dma_wait3A_958, %dma_wait3A_959] : memref<100000x64xf32, #tpu.memory_space<hbm>> -> memref<1x64xf32, #tpu.memory_space<hbm>>
        %dma_wait3A_961 = arith.constant 0 : i32
        %dma_wait3A_962 = arith.constant 0 : i32
        %dma_wait3A_963 = tpu.memref_slice %arg12[%dma_wait3A_961, %dma_wait3A_962] : memref<128x64xf32, #tpu.memory_space<vmem>> -> memref<1x64xf32, #tpu.memory_space<vmem>>
        %dma_wait3A_964 = arith.constant 0 : i32
        %dma_wait3A_965 = arith.constant 0 : i32
        %dma_wait3A_966 = tpu.memref_slice %arg5[%dma_wait3A_964, %dma_wait3A_965] : memref<100000x64xf32, #tpu.memory_space<hbm>> -> memref<1x64xf32, #tpu.memory_space<hbm>>
        tpu.wait_dma2 semaphore(%arg16 : memref<!tpu.dma_semaphore, #tpu.memory_space<semaphore_mem>>) src(%dma_wait3A_966 : memref<1x64xf32, #tpu.memory_space<hbm>>) dst(%dma_wait3A_963 : memref<1x64xf32, #tpu.memory_space<vmem>>)
        %dma_wait3A_967 = arith.constant 0 : i32
        %dma_wait3A_968 = arith.constant 0 : i32
        %dma_wait3A_969 = tpu.memref_slice %arg10[%dma_wait3A_967, %dma_wait3A_968] : memref<128x64xf32, #tpu.memory_space<vmem>> -> memref<1x64xf32, #tpu.memory_space<vmem>>
        %dma_wait3A_970 = arith.constant 0 : i32
        %dma_wait3A_971 = arith.constant 0 : i32
        %dma_wait3A_972 = tpu.memref_slice %arg5[%dma_wait3A_970, %dma_wait3A_971] : memref<100000x64xf32, #tpu.memory_space<hbm>> -> memref<1x64xf32, #tpu.memory_space<hbm>>
        %dma_wait3A_973 = arith.constant 0 : i32
        %dma_wait3A_974 = arith.constant 0 : i32
        %dma_wait3A_975 = tpu.memref_slice %arg10[%dma_wait3A_973, %dma_wait3A_974] : memref<128x64xf32, #tpu.memory_space<vmem>> -> memref<1x64xf32, #tpu.memory_space<vmem>>
        %dma_wait3A_976 = arith.constant 0 : i32
        %dma_wait3A_977 = arith.constant 0 : i32
        %dma_wait3A_978 = tpu.memref_slice %arg5[%dma_wait3A_976, %dma_wait3A_977] : memref<100000x64xf32, #tpu.memory_space<hbm>> -> memref<1x64xf32, #tpu.memory_space<hbm>>
        tpu.wait_dma2 semaphore(%arg16 : memref<!tpu.dma_semaphore, #tpu.memory_space<semaphore_mem>>) src(%dma_wait3A_978 : memref<1x64xf32, #tpu.memory_space<hbm>>) dst(%dma_wait3A_975 : memref<1x64xf32, #tpu.memory_space<vmem>>)
        %dma_wait3A_979 = arith.constant 0 : i32
        %dma_wait3A_980 = arith.constant 0 : i32
        %dma_wait3A_981 = tpu.memref_slice %arg11[%dma_wait3A_979, %dma_wait3A_980] : memref<128x64xf32, #tpu.memory_space<vmem>> -> memref<1x64xf32, #tpu.memory_space<vmem>>
        %dma_wait3A_982 = arith.constant 0 : i32
        %dma_wait3A_983 = arith.constant 0 : i32
        %dma_wait3A_984 = tpu.memref_slice %arg5[%dma_wait3A_982, %dma_wait3A_983] : memref<100000x64xf32, #tpu.memory_space<hbm>> -> memref<1x64xf32, #tpu.memory_space<hbm>>
        %dma_wait3A_985 = arith.constant 0 : i32
        %dma_wait3A_986 = arith.constant 0 : i32
        %dma_wait3A_987 = tpu.memref_slice %arg11[%dma_wait3A_985, %dma_wait3A_986] : memref<128x64xf32, #tpu.memory_space<vmem>> -> memref<1x64xf32, #tpu.memory_space<vmem>>
        %dma_wait3A_988 = arith.constant 0 : i32
        %dma_wait3A_989 = arith.constant 0 : i32
        %dma_wait3A_990 = tpu.memref_slice %arg5[%dma_wait3A_988, %dma_wait3A_989] : memref<100000x64xf32, #tpu.memory_space<hbm>> -> memref<1x64xf32, #tpu.memory_space<hbm>>
        tpu.wait_dma2 semaphore(%arg16 : memref<!tpu.dma_semaphore, #tpu.memory_space<semaphore_mem>>) src(%dma_wait3A_990 : memref<1x64xf32, #tpu.memory_space<hbm>>) dst(%dma_wait3A_987 : memref<1x64xf32, #tpu.memory_space<vmem>>)
        %dma_wait3A_991 = arith.constant 0 : i32
        %dma_wait3A_992 = arith.constant 0 : i32
        %dma_wait3A_993 = tpu.memref_slice %arg12[%dma_wait3A_991, %dma_wait3A_992] : memref<128x64xf32, #tpu.memory_space<vmem>> -> memref<1x64xf32, #tpu.memory_space<vmem>>
        %dma_wait3A_994 = arith.constant 0 : i32
        %dma_wait3A_995 = arith.constant 0 : i32
        %dma_wait3A_996 = tpu.memref_slice %arg5[%dma_wait3A_994, %dma_wait3A_995] : memref<100000x64xf32, #tpu.memory_space<hbm>> -> memref<1x64xf32, #tpu.memory_space<hbm>>
        %dma_wait3A_997 = arith.constant 0 : i32
        %dma_wait3A_998 = arith.constant 0 : i32
        %dma_wait3A_999 = tpu.memref_slice %arg12[%dma_wait3A_997, %dma_wait3A_998] : memref<128x64xf32, #tpu.memory_space<vmem>> -> memref<1x64xf32, #tpu.memory_space<vmem>>
        %dma_wait3A_1000 = arith.constant 0 : i32
        %dma_wait3A_1001 = arith.constant 0 : i32
        %dma_wait3A_1002 = tpu.memref_slice %arg5[%dma_wait3A_1000, %dma_wait3A_1001] : memref<100000x64xf32, #tpu.memory_space<hbm>> -> memref<1x64xf32, #tpu.memory_space<hbm>>
        tpu.wait_dma2 semaphore(%arg16 : memref<!tpu.dma_semaphore, #tpu.memory_space<semaphore_mem>>) src(%dma_wait3A_1002 : memref<1x64xf32, #tpu.memory_space<hbm>>) dst(%dma_wait3A_999 : memref<1x64xf32, #tpu.memory_space<vmem>>)
        %dma_wait3A_1003 = arith.constant 0 : i32
        %dma_wait3A_1004 = arith.constant 0 : i32
        %dma_wait3A_1005 = tpu.memref_slice %arg10[%dma_wait3A_1003, %dma_wait3A_1004] : memref<128x64xf32, #tpu.memory_space<vmem>> -> memref<1x64xf32, #tpu.memory_space<vmem>>
        %dma_wait3A_1006 = arith.constant 0 : i32
        %dma_wait3A_1007 = arith.constant 0 : i32
        %dma_wait3A_1008 = tpu.memref_slice %arg5[%dma_wait3A_1006, %dma_wait3A_1007] : memref<100000x64xf32, #tpu.memory_space<hbm>> -> memref<1x64xf32, #tpu.memory_space<hbm>>
        %dma_wait3A_1009 = arith.constant 0 : i32
        %dma_wait3A_1010 = arith.constant 0 : i32
        %dma_wait3A_1011 = tpu.memref_slice %arg10[%dma_wait3A_1009, %dma_wait3A_1010] : memref<128x64xf32, #tpu.memory_space<vmem>> -> memref<1x64xf32, #tpu.memory_space<vmem>>
        %dma_wait3A_1012 = arith.constant 0 : i32
        %dma_wait3A_1013 = arith.constant 0 : i32
        %dma_wait3A_1014 = tpu.memref_slice %arg5[%dma_wait3A_1012, %dma_wait3A_1013] : memref<100000x64xf32, #tpu.memory_space<hbm>> -> memref<1x64xf32, #tpu.memory_space<hbm>>
        tpu.wait_dma2 semaphore(%arg16 : memref<!tpu.dma_semaphore, #tpu.memory_space<semaphore_mem>>) src(%dma_wait3A_1014 : memref<1x64xf32, #tpu.memory_space<hbm>>) dst(%dma_wait3A_1011 : memref<1x64xf32, #tpu.memory_space<vmem>>)
        %dma_wait3A_1015 = arith.constant 0 : i32
        %dma_wait3A_1016 = arith.constant 0 : i32
        %dma_wait3A_1017 = tpu.memref_slice %arg11[%dma_wait3A_1015, %dma_wait3A_1016] : memref<128x64xf32, #tpu.memory_space<vmem>> -> memref<1x64xf32, #tpu.memory_space<vmem>>
        %dma_wait3A_1018 = arith.constant 0 : i32
        %dma_wait3A_1019 = arith.constant 0 : i32
        %dma_wait3A_1020 = tpu.memref_slice %arg5[%dma_wait3A_1018, %dma_wait3A_1019] : memref<100000x64xf32, #tpu.memory_space<hbm>> -> memref<1x64xf32, #tpu.memory_space<hbm>>
        %dma_wait3A_1021 = arith.constant 0 : i32
        %dma_wait3A_1022 = arith.constant 0 : i32
        %dma_wait3A_1023 = tpu.memref_slice %arg11[%dma_wait3A_1021, %dma_wait3A_1022] : memref<128x64xf32, #tpu.memory_space<vmem>> -> memref<1x64xf32, #tpu.memory_space<vmem>>
        %dma_wait3A_1024 = arith.constant 0 : i32
        %dma_wait3A_1025 = arith.constant 0 : i32
        %dma_wait3A_1026 = tpu.memref_slice %arg5[%dma_wait3A_1024, %dma_wait3A_1025] : memref<100000x64xf32, #tpu.memory_space<hbm>> -> memref<1x64xf32, #tpu.memory_space<hbm>>
        tpu.wait_dma2 semaphore(%arg16 : memref<!tpu.dma_semaphore, #tpu.memory_space<semaphore_mem>>) src(%dma_wait3A_1026 : memref<1x64xf32, #tpu.memory_space<hbm>>) dst(%dma_wait3A_1023 : memref<1x64xf32, #tpu.memory_space<vmem>>)
        %dma_wait3A_1027 = arith.constant 0 : i32
        %dma_wait3A_1028 = arith.constant 0 : i32
        %dma_wait3A_1029 = tpu.memref_slice %arg12[%dma_wait3A_1027, %dma_wait3A_1028] : memref<128x64xf32, #tpu.memory_space<vmem>> -> memref<1x64xf32, #tpu.memory_space<vmem>>
        %dma_wait3A_1030 = arith.constant 0 : i32
        %dma_wait3A_1031 = arith.constant 0 : i32
        %dma_wait3A_1032 = tpu.memref_slice %arg5[%dma_wait3A_1030, %dma_wait3A_1031] : memref<100000x64xf32, #tpu.memory_space<hbm>> -> memref<1x64xf32, #tpu.memory_space<hbm>>
        %dma_wait3A_1033 = arith.constant 0 : i32
        %dma_wait3A_1034 = arith.constant 0 : i32
        %dma_wait3A_1035 = tpu.memref_slice %arg12[%dma_wait3A_1033, %dma_wait3A_1034] : memref<128x64xf32, #tpu.memory_space<vmem>> -> memref<1x64xf32, #tpu.memory_space<vmem>>
        %dma_wait3A_1036 = arith.constant 0 : i32
        %dma_wait3A_1037 = arith.constant 0 : i32
        %dma_wait3A_1038 = tpu.memref_slice %arg5[%dma_wait3A_1036, %dma_wait3A_1037] : memref<100000x64xf32, #tpu.memory_space<hbm>> -> memref<1x64xf32, #tpu.memory_space<hbm>>
        tpu.wait_dma2 semaphore(%arg16 : memref<!tpu.dma_semaphore, #tpu.memory_space<semaphore_mem>>) src(%dma_wait3A_1038 : memref<1x64xf32, #tpu.memory_space<hbm>>) dst(%dma_wait3A_1035 : memref<1x64xf32, #tpu.memory_space<vmem>>)
        %dma_wait3A_1039 = arith.constant 0 : i32
        %dma_wait3A_1040 = arith.constant 0 : i32
        %dma_wait3A_1041 = tpu.memref_slice %arg10[%dma_wait3A_1039, %dma_wait3A_1040] : memref<128x64xf32, #tpu.memory_space<vmem>> -> memref<1x64xf32, #tpu.memory_space<vmem>>
        %dma_wait3A_1042 = arith.constant 0 : i32
        %dma_wait3A_1043 = arith.constant 0 : i32
        %dma_wait3A_1044 = tpu.memref_slice %arg5[%dma_wait3A_1042, %dma_wait3A_1043] : memref<100000x64xf32, #tpu.memory_space<hbm>> -> memref<1x64xf32, #tpu.memory_space<hbm>>
        %dma_wait3A_1045 = arith.constant 0 : i32
        %dma_wait3A_1046 = arith.constant 0 : i32
        %dma_wait3A_1047 = tpu.memref_slice %arg10[%dma_wait3A_1045, %dma_wait3A_1046] : memref<128x64xf32, #tpu.memory_space<vmem>> -> memref<1x64xf32, #tpu.memory_space<vmem>>
        %dma_wait3A_1048 = arith.constant 0 : i32
        %dma_wait3A_1049 = arith.constant 0 : i32
        %dma_wait3A_1050 = tpu.memref_slice %arg5[%dma_wait3A_1048, %dma_wait3A_1049] : memref<100000x64xf32, #tpu.memory_space<hbm>> -> memref<1x64xf32, #tpu.memory_space<hbm>>
        tpu.wait_dma2 semaphore(%arg16 : memref<!tpu.dma_semaphore, #tpu.memory_space<semaphore_mem>>) src(%dma_wait3A_1050 : memref<1x64xf32, #tpu.memory_space<hbm>>) dst(%dma_wait3A_1047 : memref<1x64xf32, #tpu.memory_space<vmem>>)
        %dma_wait3A_1051 = arith.constant 0 : i32
        %dma_wait3A_1052 = arith.constant 0 : i32
        %dma_wait3A_1053 = tpu.memref_slice %arg11[%dma_wait3A_1051, %dma_wait3A_1052] : memref<128x64xf32, #tpu.memory_space<vmem>> -> memref<1x64xf32, #tpu.memory_space<vmem>>
        %dma_wait3A_1054 = arith.constant 0 : i32
        %dma_wait3A_1055 = arith.constant 0 : i32
        %dma_wait3A_1056 = tpu.memref_slice %arg5[%dma_wait3A_1054, %dma_wait3A_1055] : memref<100000x64xf32, #tpu.memory_space<hbm>> -> memref<1x64xf32, #tpu.memory_space<hbm>>
        %dma_wait3A_1057 = arith.constant 0 : i32
        %dma_wait3A_1058 = arith.constant 0 : i32
        %dma_wait3A_1059 = tpu.memref_slice %arg11[%dma_wait3A_1057, %dma_wait3A_1058] : memref<128x64xf32, #tpu.memory_space<vmem>> -> memref<1x64xf32, #tpu.memory_space<vmem>>
        %dma_wait3A_1060 = arith.constant 0 : i32
        %dma_wait3A_1061 = arith.constant 0 : i32
        %dma_wait3A_1062 = tpu.memref_slice %arg5[%dma_wait3A_1060, %dma_wait3A_1061] : memref<100000x64xf32, #tpu.memory_space<hbm>> -> memref<1x64xf32, #tpu.memory_space<hbm>>
        tpu.wait_dma2 semaphore(%arg16 : memref<!tpu.dma_semaphore, #tpu.memory_space<semaphore_mem>>) src(%dma_wait3A_1062 : memref<1x64xf32, #tpu.memory_space<hbm>>) dst(%dma_wait3A_1059 : memref<1x64xf32, #tpu.memory_space<vmem>>)
        %dma_wait3A_1063 = arith.constant 0 : i32
        %dma_wait3A_1064 = arith.constant 0 : i32
        %dma_wait3A_1065 = tpu.memref_slice %arg12[%dma_wait3A_1063, %dma_wait3A_1064] : memref<128x64xf32, #tpu.memory_space<vmem>> -> memref<1x64xf32, #tpu.memory_space<vmem>>
        %dma_wait3A_1066 = arith.constant 0 : i32
        %dma_wait3A_1067 = arith.constant 0 : i32
        %dma_wait3A_1068 = tpu.memref_slice %arg5[%dma_wait3A_1066, %dma_wait3A_1067] : memref<100000x64xf32, #tpu.memory_space<hbm>> -> memref<1x64xf32, #tpu.memory_space<hbm>>
        %dma_wait3A_1069 = arith.constant 0 : i32
        %dma_wait3A_1070 = arith.constant 0 : i32
        %dma_wait3A_1071 = tpu.memref_slice %arg12[%dma_wait3A_1069, %dma_wait3A_1070] : memref<128x64xf32, #tpu.memory_space<vmem>> -> memref<1x64xf32, #tpu.memory_space<vmem>>
        %dma_wait3A_1072 = arith.constant 0 : i32
        %dma_wait3A_1073 = arith.constant 0 : i32
        %dma_wait3A_1074 = tpu.memref_slice %arg5[%dma_wait3A_1072, %dma_wait3A_1073] : memref<100000x64xf32, #tpu.memory_space<hbm>> -> memref<1x64xf32, #tpu.memory_space<hbm>>
        tpu.wait_dma2 semaphore(%arg16 : memref<!tpu.dma_semaphore, #tpu.memory_space<semaphore_mem>>) src(%dma_wait3A_1074 : memref<1x64xf32, #tpu.memory_space<hbm>>) dst(%dma_wait3A_1071 : memref<1x64xf32, #tpu.memory_space<vmem>>)
        %dma_wait3A_1075 = arith.constant 0 : i32
        %dma_wait3A_1076 = arith.constant 0 : i32
        %dma_wait3A_1077 = tpu.memref_slice %arg10[%dma_wait3A_1075, %dma_wait3A_1076] : memref<128x64xf32, #tpu.memory_space<vmem>> -> memref<1x64xf32, #tpu.memory_space<vmem>>
        %dma_wait3A_1078 = arith.constant 0 : i32
        %dma_wait3A_1079 = arith.constant 0 : i32
        %dma_wait3A_1080 = tpu.memref_slice %arg5[%dma_wait3A_1078, %dma_wait3A_1079] : memref<100000x64xf32, #tpu.memory_space<hbm>> -> memref<1x64xf32, #tpu.memory_space<hbm>>
        %dma_wait3A_1081 = arith.constant 0 : i32
        %dma_wait3A_1082 = arith.constant 0 : i32
        %dma_wait3A_1083 = tpu.memref_slice %arg10[%dma_wait3A_1081, %dma_wait3A_1082] : memref<128x64xf32, #tpu.memory_space<vmem>> -> memref<1x64xf32, #tpu.memory_space<vmem>>
        %dma_wait3A_1084 = arith.constant 0 : i32
        %dma_wait3A_1085 = arith.constant 0 : i32
        %dma_wait3A_1086 = tpu.memref_slice %arg5[%dma_wait3A_1084, %dma_wait3A_1085] : memref<100000x64xf32, #tpu.memory_space<hbm>> -> memref<1x64xf32, #tpu.memory_space<hbm>>
        tpu.wait_dma2 semaphore(%arg16 : memref<!tpu.dma_semaphore, #tpu.memory_space<semaphore_mem>>) src(%dma_wait3A_1086 : memref<1x64xf32, #tpu.memory_space<hbm>>) dst(%dma_wait3A_1083 : memref<1x64xf32, #tpu.memory_space<vmem>>)
        %dma_wait3A_1087 = arith.constant 0 : i32
        %dma_wait3A_1088 = arith.constant 0 : i32
        %dma_wait3A_1089 = tpu.memref_slice %arg11[%dma_wait3A_1087, %dma_wait3A_1088] : memref<128x64xf32, #tpu.memory_space<vmem>> -> memref<1x64xf32, #tpu.memory_space<vmem>>
        %dma_wait3A_1090 = arith.constant 0 : i32
        %dma_wait3A_1091 = arith.constant 0 : i32
        %dma_wait3A_1092 = tpu.memref_slice %arg5[%dma_wait3A_1090, %dma_wait3A_1091] : memref<100000x64xf32, #tpu.memory_space<hbm>> -> memref<1x64xf32, #tpu.memory_space<hbm>>
        %dma_wait3A_1093 = arith.constant 0 : i32
        %dma_wait3A_1094 = arith.constant 0 : i32
        %dma_wait3A_1095 = tpu.memref_slice %arg11[%dma_wait3A_1093, %dma_wait3A_1094] : memref<128x64xf32, #tpu.memory_space<vmem>> -> memref<1x64xf32, #tpu.memory_space<vmem>>
        %dma_wait3A_1096 = arith.constant 0 : i32
        %dma_wait3A_1097 = arith.constant 0 : i32
        %dma_wait3A_1098 = tpu.memref_slice %arg5[%dma_wait3A_1096, %dma_wait3A_1097] : memref<100000x64xf32, #tpu.memory_space<hbm>> -> memref<1x64xf32, #tpu.memory_space<hbm>>
        tpu.wait_dma2 semaphore(%arg16 : memref<!tpu.dma_semaphore, #tpu.memory_space<semaphore_mem>>) src(%dma_wait3A_1098 : memref<1x64xf32, #tpu.memory_space<hbm>>) dst(%dma_wait3A_1095 : memref<1x64xf32, #tpu.memory_space<vmem>>)
        %dma_wait3A_1099 = arith.constant 0 : i32
        %dma_wait3A_1100 = arith.constant 0 : i32
        %dma_wait3A_1101 = tpu.memref_slice %arg12[%dma_wait3A_1099, %dma_wait3A_1100] : memref<128x64xf32, #tpu.memory_space<vmem>> -> memref<1x64xf32, #tpu.memory_space<vmem>>
        %dma_wait3A_1102 = arith.constant 0 : i32
        %dma_wait3A_1103 = arith.constant 0 : i32
        %dma_wait3A_1104 = tpu.memref_slice %arg5[%dma_wait3A_1102, %dma_wait3A_1103] : memref<100000x64xf32, #tpu.memory_space<hbm>> -> memref<1x64xf32, #tpu.memory_space<hbm>>
        %dma_wait3A_1105 = arith.constant 0 : i32
        %dma_wait3A_1106 = arith.constant 0 : i32
        %dma_wait3A_1107 = tpu.memref_slice %arg12[%dma_wait3A_1105, %dma_wait3A_1106] : memref<128x64xf32, #tpu.memory_space<vmem>> -> memref<1x64xf32, #tpu.memory_space<vmem>>
        %dma_wait3A_1108 = arith.constant 0 : i32
        %dma_wait3A_1109 = arith.constant 0 : i32
        %dma_wait3A_1110 = tpu.memref_slice %arg5[%dma_wait3A_1108, %dma_wait3A_1109] : memref<100000x64xf32, #tpu.memory_space<hbm>> -> memref<1x64xf32, #tpu.memory_space<hbm>>
        tpu.wait_dma2 semaphore(%arg16 : memref<!tpu.dma_semaphore, #tpu.memory_space<semaphore_mem>>) src(%dma_wait3A_1110 : memref<1x64xf32, #tpu.memory_space<hbm>>) dst(%dma_wait3A_1107 : memref<1x64xf32, #tpu.memory_space<vmem>>)
        %dma_wait3A_1111 = arith.constant 0 : i32
        %dma_wait3A_1112 = arith.constant 0 : i32
        %dma_wait3A_1113 = tpu.memref_slice %arg10[%dma_wait3A_1111, %dma_wait3A_1112] : memref<128x64xf32, #tpu.memory_space<vmem>> -> memref<1x64xf32, #tpu.memory_space<vmem>>
        %dma_wait3A_1114 = arith.constant 0 : i32
        %dma_wait3A_1115 = arith.constant 0 : i32
        %dma_wait3A_1116 = tpu.memref_slice %arg5[%dma_wait3A_1114, %dma_wait3A_1115] : memref<100000x64xf32, #tpu.memory_space<hbm>> -> memref<1x64xf32, #tpu.memory_space<hbm>>
        %dma_wait3A_1117 = arith.constant 0 : i32
        %dma_wait3A_1118 = arith.constant 0 : i32
        %dma_wait3A_1119 = tpu.memref_slice %arg10[%dma_wait3A_1117, %dma_wait3A_1118] : memref<128x64xf32, #tpu.memory_space<vmem>> -> memref<1x64xf32, #tpu.memory_space<vmem>>
        %dma_wait3A_1120 = arith.constant 0 : i32
        %dma_wait3A_1121 = arith.constant 0 : i32
        %dma_wait3A_1122 = tpu.memref_slice %arg5[%dma_wait3A_1120, %dma_wait3A_1121] : memref<100000x64xf32, #tpu.memory_space<hbm>> -> memref<1x64xf32, #tpu.memory_space<hbm>>
        tpu.wait_dma2 semaphore(%arg16 : memref<!tpu.dma_semaphore, #tpu.memory_space<semaphore_mem>>) src(%dma_wait3A_1122 : memref<1x64xf32, #tpu.memory_space<hbm>>) dst(%dma_wait3A_1119 : memref<1x64xf32, #tpu.memory_space<vmem>>)
        %dma_wait3A_1123 = arith.constant 0 : i32
        %dma_wait3A_1124 = arith.constant 0 : i32
        %dma_wait3A_1125 = tpu.memref_slice %arg11[%dma_wait3A_1123, %dma_wait3A_1124] : memref<128x64xf32, #tpu.memory_space<vmem>> -> memref<1x64xf32, #tpu.memory_space<vmem>>
        %dma_wait3A_1126 = arith.constant 0 : i32
        %dma_wait3A_1127 = arith.constant 0 : i32
        %dma_wait3A_1128 = tpu.memref_slice %arg5[%dma_wait3A_1126, %dma_wait3A_1127] : memref<100000x64xf32, #tpu.memory_space<hbm>> -> memref<1x64xf32, #tpu.memory_space<hbm>>
        %dma_wait3A_1129 = arith.constant 0 : i32
        %dma_wait3A_1130 = arith.constant 0 : i32
        %dma_wait3A_1131 = tpu.memref_slice %arg11[%dma_wait3A_1129, %dma_wait3A_1130] : memref<128x64xf32, #tpu.memory_space<vmem>> -> memref<1x64xf32, #tpu.memory_space<vmem>>
        %dma_wait3A_1132 = arith.constant 0 : i32
        %dma_wait3A_1133 = arith.constant 0 : i32
        %dma_wait3A_1134 = tpu.memref_slice %arg5[%dma_wait3A_1132, %dma_wait3A_1133] : memref<100000x64xf32, #tpu.memory_space<hbm>> -> memref<1x64xf32, #tpu.memory_space<hbm>>
        tpu.wait_dma2 semaphore(%arg16 : memref<!tpu.dma_semaphore, #tpu.memory_space<semaphore_mem>>) src(%dma_wait3A_1134 : memref<1x64xf32, #tpu.memory_space<hbm>>) dst(%dma_wait3A_1131 : memref<1x64xf32, #tpu.memory_space<vmem>>)
        %dma_wait3A_1135 = arith.constant 0 : i32
        %dma_wait3A_1136 = arith.constant 0 : i32
        %dma_wait3A_1137 = tpu.memref_slice %arg12[%dma_wait3A_1135, %dma_wait3A_1136] : memref<128x64xf32, #tpu.memory_space<vmem>> -> memref<1x64xf32, #tpu.memory_space<vmem>>
        %dma_wait3A_1138 = arith.constant 0 : i32
        %dma_wait3A_1139 = arith.constant 0 : i32
        %dma_wait3A_1140 = tpu.memref_slice %arg5[%dma_wait3A_1138, %dma_wait3A_1139] : memref<100000x64xf32, #tpu.memory_space<hbm>> -> memref<1x64xf32, #tpu.memory_space<hbm>>
        %dma_wait3A_1141 = arith.constant 0 : i32
        %dma_wait3A_1142 = arith.constant 0 : i32
        %dma_wait3A_1143 = tpu.memref_slice %arg12[%dma_wait3A_1141, %dma_wait3A_1142] : memref<128x64xf32, #tpu.memory_space<vmem>> -> memref<1x64xf32, #tpu.memory_space<vmem>>
        %dma_wait3A_1144 = arith.constant 0 : i32
        %dma_wait3A_1145 = arith.constant 0 : i32
        %dma_wait3A_1146 = tpu.memref_slice %arg5[%dma_wait3A_1144, %dma_wait3A_1145] : memref<100000x64xf32, #tpu.memory_space<hbm>> -> memref<1x64xf32, #tpu.memory_space<hbm>>
        tpu.wait_dma2 semaphore(%arg16 : memref<!tpu.dma_semaphore, #tpu.memory_space<semaphore_mem>>) src(%dma_wait3A_1146 : memref<1x64xf32, #tpu.memory_space<hbm>>) dst(%dma_wait3A_1143 : memref<1x64xf32, #tpu.memory_space<vmem>>)
      } else {
      }
    }
    %scan3A_7 = arith.constant 8 : i32
    %scan3A_8 = arith.constant 0 : i32
    %scan3A_9 = arith.constant 0 : i32
    %scan3A_10 = arith.constant 2 : i32
    %scan3A_11 = arith.addi %scan3A_9, %scan3A_10 : i32
    %scan3A_12 = arith.constant 1 : i32
    scf.for %scan3A_14 = %scan3A_9 to %scan3A_11 step %scan3A_12  : i32 {
      %dma_wait3A = arith.constant 0 : i32
      %dma_wait3A_15 = arith.constant 0 : i32
      %dma_wait3A_16 = tpu.memref_slice %arg10[%dma_wait3A, %dma_wait3A_15] : memref<128x64xf32, #tpu.memory_space<vmem>> -> memref<1x64xf32, #tpu.memory_space<vmem>>
      %dma_wait3A_17 = arith.constant 0 : i32
      %dma_wait3A_18 = arith.constant 0 : i32
      %dma_wait3A_19 = tpu.memref_slice %arg5[%dma_wait3A_17, %dma_wait3A_18] : memref<100000x64xf32, #tpu.memory_space<hbm>> -> memref<1x64xf32, #tpu.memory_space<hbm>>
      %dma_wait3A_20 = arith.constant 0 : i32
      %dma_wait3A_21 = arith.constant 0 : i32
      %dma_wait3A_22 = tpu.memref_slice %arg10[%dma_wait3A_20, %dma_wait3A_21] : memref<128x64xf32, #tpu.memory_space<vmem>> -> memref<1x64xf32, #tpu.memory_space<vmem>>
      %dma_wait3A_23 = arith.constant 0 : i32
      %dma_wait3A_24 = arith.constant 0 : i32
      %dma_wait3A_25 = tpu.memref_slice %arg5[%dma_wait3A_23, %dma_wait3A_24] : memref<100000x64xf32, #tpu.memory_space<hbm>> -> memref<1x64xf32, #tpu.memory_space<hbm>>
      tpu.wait_dma2 semaphore(%arg16 : memref<!tpu.dma_semaphore, #tpu.memory_space<semaphore_mem>>) src(%dma_wait3A_25 : memref<1x64xf32, #tpu.memory_space<hbm>>) dst(%dma_wait3A_22 : memref<1x64xf32, #tpu.memory_space<vmem>>)
      %dma_wait3A_26 = arith.constant 0 : i32
      %dma_wait3A_27 = arith.constant 0 : i32
      %dma_wait3A_28 = tpu.memref_slice %arg11[%dma_wait3A_26, %dma_wait3A_27] : memref<128x64xf32, #tpu.memory_space<vmem>> -> memref<1x64xf32, #tpu.memory_space<vmem>>
      %dma_wait3A_29 = arith.constant 0 : i32
      %dma_wait3A_30 = arith.constant 0 : i32
      %dma_wait3A_31 = tpu.memref_slice %arg5[%dma_wait3A_29, %dma_wait3A_30] : memref<100000x64xf32, #tpu.memory_space<hbm>> -> memref<1x64xf32, #tpu.memory_space<hbm>>
      %dma_wait3A_32 = arith.constant 0 : i32
      %dma_wait3A_33 = arith.constant 0 : i32
      %dma_wait3A_34 = tpu.memref_slice %arg11[%dma_wait3A_32, %dma_wait3A_33] : memref<128x64xf32, #tpu.memory_space<vmem>> -> memref<1x64xf32, #tpu.memory_space<vmem>>
      %dma_wait3A_35 = arith.constant 0 : i32
      %dma_wait3A_36 = arith.constant 0 : i32
      %dma_wait3A_37 = tpu.memref_slice %arg5[%dma_wait3A_35, %dma_wait3A_36] : memref<100000x64xf32, #tpu.memory_space<hbm>> -> memref<1x64xf32, #tpu.memory_space<hbm>>
      tpu.wait_dma2 semaphore(%arg16 : memref<!tpu.dma_semaphore, #tpu.memory_space<semaphore_mem>>) src(%dma_wait3A_37 : memref<1x64xf32, #tpu.memory_space<hbm>>) dst(%dma_wait3A_34 : memref<1x64xf32, #tpu.memory_space<vmem>>)
      %dma_wait3A_38 = arith.constant 0 : i32
      %dma_wait3A_39 = arith.constant 0 : i32
      %dma_wait3A_40 = tpu.memref_slice %arg12[%dma_wait3A_38, %dma_wait3A_39] : memref<128x64xf32, #tpu.memory_space<vmem>> -> memref<1x64xf32, #tpu.memory_space<vmem>>
      %dma_wait3A_41 = arith.constant 0 : i32
      %dma_wait3A_42 = arith.constant 0 : i32
      %dma_wait3A_43 = tpu.memref_slice %arg5[%dma_wait3A_41, %dma_wait3A_42] : memref<100000x64xf32, #tpu.memory_space<hbm>> -> memref<1x64xf32, #tpu.memory_space<hbm>>
      %dma_wait3A_44 = arith.constant 0 : i32
      %dma_wait3A_45 = arith.constant 0 : i32
      %dma_wait3A_46 = tpu.memref_slice %arg12[%dma_wait3A_44, %dma_wait3A_45] : memref<128x64xf32, #tpu.memory_space<vmem>> -> memref<1x64xf32, #tpu.memory_space<vmem>>
      %dma_wait3A_47 = arith.constant 0 : i32
      %dma_wait3A_48 = arith.constant 0 : i32
      %dma_wait3A_49 = tpu.memref_slice %arg5[%dma_wait3A_47, %dma_wait3A_48] : memref<100000x64xf32, #tpu.memory_space<hbm>> -> memref<1x64xf32, #tpu.memory_space<hbm>>
      tpu.wait_dma2 semaphore(%arg16 : memref<!tpu.dma_semaphore, #tpu.memory_space<semaphore_mem>>) src(%dma_wait3A_49 : memref<1x64xf32, #tpu.memory_space<hbm>>) dst(%dma_wait3A_46 : memref<1x64xf32, #tpu.memory_space<vmem>>)
      %dma_wait3A_50 = arith.constant 0 : i32
      %dma_wait3A_51 = arith.constant 0 : i32
      %dma_wait3A_52 = tpu.memref_slice %arg10[%dma_wait3A_50, %dma_wait3A_51] : memref<128x64xf32, #tpu.memory_space<vmem>> -> memref<1x64xf32, #tpu.memory_space<vmem>>
      %dma_wait3A_53 = arith.constant 0 : i32
      %dma_wait3A_54 = arith.constant 0 : i32
      %dma_wait3A_55 = tpu.memref_slice %arg5[%dma_wait3A_53, %dma_wait3A_54] : memref<100000x64xf32, #tpu.memory_space<hbm>> -> memref<1x64xf32, #tpu.memory_space<hbm>>
      %dma_wait3A_56 = arith.constant 0 : i32
      %dma_wait3A_57 = arith.constant 0 : i32
      %dma_wait3A_58 = tpu.memref_slice %arg10[%dma_wait3A_56, %dma_wait3A_57] : memref<128x64xf32, #tpu.memory_space<vmem>> -> memref<1x64xf32, #tpu.memory_space<vmem>>
      %dma_wait3A_59 = arith.constant 0 : i32
      %dma_wait3A_60 = arith.constant 0 : i32
      %dma_wait3A_61 = tpu.memref_slice %arg5[%dma_wait3A_59, %dma_wait3A_60] : memref<100000x64xf32, #tpu.memory_space<hbm>> -> memref<1x64xf32, #tpu.memory_space<hbm>>
      tpu.wait_dma2 semaphore(%arg16 : memref<!tpu.dma_semaphore, #tpu.memory_space<semaphore_mem>>) src(%dma_wait3A_61 : memref<1x64xf32, #tpu.memory_space<hbm>>) dst(%dma_wait3A_58 : memref<1x64xf32, #tpu.memory_space<vmem>>)
      %dma_wait3A_62 = arith.constant 0 : i32
      %dma_wait3A_63 = arith.constant 0 : i32
      %dma_wait3A_64 = tpu.memref_slice %arg11[%dma_wait3A_62, %dma_wait3A_63] : memref<128x64xf32, #tpu.memory_space<vmem>> -> memref<1x64xf32, #tpu.memory_space<vmem>>
      %dma_wait3A_65 = arith.constant 0 : i32
      %dma_wait3A_66 = arith.constant 0 : i32
      %dma_wait3A_67 = tpu.memref_slice %arg5[%dma_wait3A_65, %dma_wait3A_66] : memref<100000x64xf32, #tpu.memory_space<hbm>> -> memref<1x64xf32, #tpu.memory_space<hbm>>
      %dma_wait3A_68 = arith.constant 0 : i32
      %dma_wait3A_69 = arith.constant 0 : i32
      %dma_wait3A_70 = tpu.memref_slice %arg11[%dma_wait3A_68, %dma_wait3A_69] : memref<128x64xf32, #tpu.memory_space<vmem>> -> memref<1x64xf32, #tpu.memory_space<vmem>>
      %dma_wait3A_71 = arith.constant 0 : i32
      %dma_wait3A_72 = arith.constant 0 : i32
      %dma_wait3A_73 = tpu.memref_slice %arg5[%dma_wait3A_71, %dma_wait3A_72] : memref<100000x64xf32, #tpu.memory_space<hbm>> -> memref<1x64xf32, #tpu.memory_space<hbm>>
      tpu.wait_dma2 semaphore(%arg16 : memref<!tpu.dma_semaphore, #tpu.memory_space<semaphore_mem>>) src(%dma_wait3A_73 : memref<1x64xf32, #tpu.memory_space<hbm>>) dst(%dma_wait3A_70 : memref<1x64xf32, #tpu.memory_space<vmem>>)
      %dma_wait3A_74 = arith.constant 0 : i32
      %dma_wait3A_75 = arith.constant 0 : i32
      %dma_wait3A_76 = tpu.memref_slice %arg12[%dma_wait3A_74, %dma_wait3A_75] : memref<128x64xf32, #tpu.memory_space<vmem>> -> memref<1x64xf32, #tpu.memory_space<vmem>>
      %dma_wait3A_77 = arith.constant 0 : i32
      %dma_wait3A_78 = arith.constant 0 : i32
      %dma_wait3A_79 = tpu.memref_slice %arg5[%dma_wait3A_77, %dma_wait3A_78] : memref<100000x64xf32, #tpu.memory_space<hbm>> -> memref<1x64xf32, #tpu.memory_space<hbm>>
      %dma_wait3A_80 = arith.constant 0 : i32
      %dma_wait3A_81 = arith.constant 0 : i32
      %dma_wait3A_82 = tpu.memref_slice %arg12[%dma_wait3A_80, %dma_wait3A_81] : memref<128x64xf32, #tpu.memory_space<vmem>> -> memref<1x64xf32, #tpu.memory_space<vmem>>
      %dma_wait3A_83 = arith.constant 0 : i32
      %dma_wait3A_84 = arith.constant 0 : i32
      %dma_wait3A_85 = tpu.memref_slice %arg5[%dma_wait3A_83, %dma_wait3A_84] : memref<100000x64xf32, #tpu.memory_space<hbm>> -> memref<1x64xf32, #tpu.memory_space<hbm>>
      tpu.wait_dma2 semaphore(%arg16 : memref<!tpu.dma_semaphore, #tpu.memory_space<semaphore_mem>>) src(%dma_wait3A_85 : memref<1x64xf32, #tpu.memory_space<hbm>>) dst(%dma_wait3A_82 : memref<1x64xf32, #tpu.memory_space<vmem>>)
      %dma_wait3A_86 = arith.constant 0 : i32
      %dma_wait3A_87 = arith.constant 0 : i32
      %dma_wait3A_88 = tpu.memref_slice %arg10[%dma_wait3A_86, %dma_wait3A_87] : memref<128x64xf32, #tpu.memory_space<vmem>> -> memref<1x64xf32, #tpu.memory_space<vmem>>
      %dma_wait3A_89 = arith.constant 0 : i32
      %dma_wait3A_90 = arith.constant 0 : i32
      %dma_wait3A_91 = tpu.memref_slice %arg5[%dma_wait3A_89, %dma_wait3A_90] : memref<100000x64xf32, #tpu.memory_space<hbm>> -> memref<1x64xf32, #tpu.memory_space<hbm>>
      %dma_wait3A_92 = arith.constant 0 : i32
      %dma_wait3A_93 = arith.constant 0 : i32
      %dma_wait3A_94 = tpu.memref_slice %arg10[%dma_wait3A_92, %dma_wait3A_93] : memref<128x64xf32, #tpu.memory_space<vmem>> -> memref<1x64xf32, #tpu.memory_space<vmem>>
      %dma_wait3A_95 = arith.constant 0 : i32
      %dma_wait3A_96 = arith.constant 0 : i32
      %dma_wait3A_97 = tpu.memref_slice %arg5[%dma_wait3A_95, %dma_wait3A_96] : memref<100000x64xf32, #tpu.memory_space<hbm>> -> memref<1x64xf32, #tpu.memory_space<hbm>>
      tpu.wait_dma2 semaphore(%arg16 : memref<!tpu.dma_semaphore, #tpu.memory_space<semaphore_mem>>) src(%dma_wait3A_97 : memref<1x64xf32, #tpu.memory_space<hbm>>) dst(%dma_wait3A_94 : memref<1x64xf32, #tpu.memory_space<vmem>>)
      %dma_wait3A_98 = arith.constant 0 : i32
      %dma_wait3A_99 = arith.constant 0 : i32
      %dma_wait3A_100 = tpu.memref_slice %arg11[%dma_wait3A_98, %dma_wait3A_99] : memref<128x64xf32, #tpu.memory_space<vmem>> -> memref<1x64xf32, #tpu.memory_space<vmem>>
      %dma_wait3A_101 = arith.constant 0 : i32
      %dma_wait3A_102 = arith.constant 0 : i32
      %dma_wait3A_103 = tpu.memref_slice %arg5[%dma_wait3A_101, %dma_wait3A_102] : memref<100000x64xf32, #tpu.memory_space<hbm>> -> memref<1x64xf32, #tpu.memory_space<hbm>>
      %dma_wait3A_104 = arith.constant 0 : i32
      %dma_wait3A_105 = arith.constant 0 : i32
      %dma_wait3A_106 = tpu.memref_slice %arg11[%dma_wait3A_104, %dma_wait3A_105] : memref<128x64xf32, #tpu.memory_space<vmem>> -> memref<1x64xf32, #tpu.memory_space<vmem>>
      %dma_wait3A_107 = arith.constant 0 : i32
      %dma_wait3A_108 = arith.constant 0 : i32
      %dma_wait3A_109 = tpu.memref_slice %arg5[%dma_wait3A_107, %dma_wait3A_108] : memref<100000x64xf32, #tpu.memory_space<hbm>> -> memref<1x64xf32, #tpu.memory_space<hbm>>
      tpu.wait_dma2 semaphore(%arg16 : memref<!tpu.dma_semaphore, #tpu.memory_space<semaphore_mem>>) src(%dma_wait3A_109 : memref<1x64xf32, #tpu.memory_space<hbm>>) dst(%dma_wait3A_106 : memref<1x64xf32, #tpu.memory_space<vmem>>)
      %dma_wait3A_110 = arith.constant 0 : i32
      %dma_wait3A_111 = arith.constant 0 : i32
      %dma_wait3A_112 = tpu.memref_slice %arg12[%dma_wait3A_110, %dma_wait3A_111] : memref<128x64xf32, #tpu.memory_space<vmem>> -> memref<1x64xf32, #tpu.memory_space<vmem>>
      %dma_wait3A_113 = arith.constant 0 : i32
      %dma_wait3A_114 = arith.constant 0 : i32
      %dma_wait3A_115 = tpu.memref_slice %arg5[%dma_wait3A_113, %dma_wait3A_114] : memref<100000x64xf32, #tpu.memory_space<hbm>> -> memref<1x64xf32, #tpu.memory_space<hbm>>
      %dma_wait3A_116 = arith.constant 0 : i32
      %dma_wait3A_117 = arith.constant 0 : i32
      %dma_wait3A_118 = tpu.memref_slice %arg12[%dma_wait3A_116, %dma_wait3A_117] : memref<128x64xf32, #tpu.memory_space<vmem>> -> memref<1x64xf32, #tpu.memory_space<vmem>>
      %dma_wait3A_119 = arith.constant 0 : i32
      %dma_wait3A_120 = arith.constant 0 : i32
      %dma_wait3A_121 = tpu.memref_slice %arg5[%dma_wait3A_119, %dma_wait3A_120] : memref<100000x64xf32, #tpu.memory_space<hbm>> -> memref<1x64xf32, #tpu.memory_space<hbm>>
      tpu.wait_dma2 semaphore(%arg16 : memref<!tpu.dma_semaphore, #tpu.memory_space<semaphore_mem>>) src(%dma_wait3A_121 : memref<1x64xf32, #tpu.memory_space<hbm>>) dst(%dma_wait3A_118 : memref<1x64xf32, #tpu.memory_space<vmem>>)
      %dma_wait3A_122 = arith.constant 0 : i32
      %dma_wait3A_123 = arith.constant 0 : i32
      %dma_wait3A_124 = tpu.memref_slice %arg10[%dma_wait3A_122, %dma_wait3A_123] : memref<128x64xf32, #tpu.memory_space<vmem>> -> memref<1x64xf32, #tpu.memory_space<vmem>>
      %dma_wait3A_125 = arith.constant 0 : i32
      %dma_wait3A_126 = arith.constant 0 : i32
      %dma_wait3A_127 = tpu.memref_slice %arg5[%dma_wait3A_125, %dma_wait3A_126] : memref<100000x64xf32, #tpu.memory_space<hbm>> -> memref<1x64xf32, #tpu.memory_space<hbm>>
      %dma_wait3A_128 = arith.constant 0 : i32
      %dma_wait3A_129 = arith.constant 0 : i32
      %dma_wait3A_130 = tpu.memref_slice %arg10[%dma_wait3A_128, %dma_wait3A_129] : memref<128x64xf32, #tpu.memory_space<vmem>> -> memref<1x64xf32, #tpu.memory_space<vmem>>
      %dma_wait3A_131 = arith.constant 0 : i32
      %dma_wait3A_132 = arith.constant 0 : i32
      %dma_wait3A_133 = tpu.memref_slice %arg5[%dma_wait3A_131, %dma_wait3A_132] : memref<100000x64xf32, #tpu.memory_space<hbm>> -> memref<1x64xf32, #tpu.memory_space<hbm>>
      tpu.wait_dma2 semaphore(%arg16 : memref<!tpu.dma_semaphore, #tpu.memory_space<semaphore_mem>>) src(%dma_wait3A_133 : memref<1x64xf32, #tpu.memory_space<hbm>>) dst(%dma_wait3A_130 : memref<1x64xf32, #tpu.memory_space<vmem>>)
      %dma_wait3A_134 = arith.constant 0 : i32
      %dma_wait3A_135 = arith.constant 0 : i32
      %dma_wait3A_136 = tpu.memref_slice %arg11[%dma_wait3A_134, %dma_wait3A_135] : memref<128x64xf32, #tpu.memory_space<vmem>> -> memref<1x64xf32, #tpu.memory_space<vmem>>
      %dma_wait3A_137 = arith.constant 0 : i32
      %dma_wait3A_138 = arith.constant 0 : i32
      %dma_wait3A_139 = tpu.memref_slice %arg5[%dma_wait3A_137, %dma_wait3A_138] : memref<100000x64xf32, #tpu.memory_space<hbm>> -> memref<1x64xf32, #tpu.memory_space<hbm>>
      %dma_wait3A_140 = arith.constant 0 : i32
      %dma_wait3A_141 = arith.constant 0 : i32
      %dma_wait3A_142 = tpu.memref_slice %arg11[%dma_wait3A_140, %dma_wait3A_141] : memref<128x64xf32, #tpu.memory_space<vmem>> -> memref<1x64xf32, #tpu.memory_space<vmem>>
      %dma_wait3A_143 = arith.constant 0 : i32
      %dma_wait3A_144 = arith.constant 0 : i32
      %dma_wait3A_145 = tpu.memref_slice %arg5[%dma_wait3A_143, %dma_wait3A_144] : memref<100000x64xf32, #tpu.memory_space<hbm>> -> memref<1x64xf32, #tpu.memory_space<hbm>>
      tpu.wait_dma2 semaphore(%arg16 : memref<!tpu.dma_semaphore, #tpu.memory_space<semaphore_mem>>) src(%dma_wait3A_145 : memref<1x64xf32, #tpu.memory_space<hbm>>) dst(%dma_wait3A_142 : memref<1x64xf32, #tpu.memory_space<vmem>>)
      %dma_wait3A_146 = arith.constant 0 : i32
      %dma_wait3A_147 = arith.constant 0 : i32
      %dma_wait3A_148 = tpu.memref_slice %arg12[%dma_wait3A_146, %dma_wait3A_147] : memref<128x64xf32, #tpu.memory_space<vmem>> -> memref<1x64xf32, #tpu.memory_space<vmem>>
      %dma_wait3A_149 = arith.constant 0 : i32
      %dma_wait3A_150 = arith.constant 0 : i32
      %dma_wait3A_151 = tpu.memref_slice %arg5[%dma_wait3A_149, %dma_wait3A_150] : memref<100000x64xf32, #tpu.memory_space<hbm>> -> memref<1x64xf32, #tpu.memory_space<hbm>>
      %dma_wait3A_152 = arith.constant 0 : i32
      %dma_wait3A_153 = arith.constant 0 : i32
      %dma_wait3A_154 = tpu.memref_slice %arg12[%dma_wait3A_152, %dma_wait3A_153] : memref<128x64xf32, #tpu.memory_space<vmem>> -> memref<1x64xf32, #tpu.memory_space<vmem>>
      %dma_wait3A_155 = arith.constant 0 : i32
      %dma_wait3A_156 = arith.constant 0 : i32
      %dma_wait3A_157 = tpu.memref_slice %arg5[%dma_wait3A_155, %dma_wait3A_156] : memref<100000x64xf32, #tpu.memory_space<hbm>> -> memref<1x64xf32, #tpu.memory_space<hbm>>
      tpu.wait_dma2 semaphore(%arg16 : memref<!tpu.dma_semaphore, #tpu.memory_space<semaphore_mem>>) src(%dma_wait3A_157 : memref<1x64xf32, #tpu.memory_space<hbm>>) dst(%dma_wait3A_154 : memref<1x64xf32, #tpu.memory_space<vmem>>)
      %dma_wait3A_158 = arith.constant 0 : i32
      %dma_wait3A_159 = arith.constant 0 : i32
      %dma_wait3A_160 = tpu.memref_slice %arg10[%dma_wait3A_158, %dma_wait3A_159] : memref<128x64xf32, #tpu.memory_space<vmem>> -> memref<1x64xf32, #tpu.memory_space<vmem>>
      %dma_wait3A_161 = arith.constant 0 : i32
      %dma_wait3A_162 = arith.constant 0 : i32
      %dma_wait3A_163 = tpu.memref_slice %arg5[%dma_wait3A_161, %dma_wait3A_162] : memref<100000x64xf32, #tpu.memory_space<hbm>> -> memref<1x64xf32, #tpu.memory_space<hbm>>
      %dma_wait3A_164 = arith.constant 0 : i32
      %dma_wait3A_165 = arith.constant 0 : i32
      %dma_wait3A_166 = tpu.memref_slice %arg10[%dma_wait3A_164, %dma_wait3A_165] : memref<128x64xf32, #tpu.memory_space<vmem>> -> memref<1x64xf32, #tpu.memory_space<vmem>>
      %dma_wait3A_167 = arith.constant 0 : i32
      %dma_wait3A_168 = arith.constant 0 : i32
      %dma_wait3A_169 = tpu.memref_slice %arg5[%dma_wait3A_167, %dma_wait3A_168] : memref<100000x64xf32, #tpu.memory_space<hbm>> -> memref<1x64xf32, #tpu.memory_space<hbm>>
      tpu.wait_dma2 semaphore(%arg16 : memref<!tpu.dma_semaphore, #tpu.memory_space<semaphore_mem>>) src(%dma_wait3A_169 : memref<1x64xf32, #tpu.memory_space<hbm>>) dst(%dma_wait3A_166 : memref<1x64xf32, #tpu.memory_space<vmem>>)
      %dma_wait3A_170 = arith.constant 0 : i32
      %dma_wait3A_171 = arith.constant 0 : i32
      %dma_wait3A_172 = tpu.memref_slice %arg11[%dma_wait3A_170, %dma_wait3A_171] : memref<128x64xf32, #tpu.memory_space<vmem>> -> memref<1x64xf32, #tpu.memory_space<vmem>>
      %dma_wait3A_173 = arith.constant 0 : i32
      %dma_wait3A_174 = arith.constant 0 : i32
      %dma_wait3A_175 = tpu.memref_slice %arg5[%dma_wait3A_173, %dma_wait3A_174] : memref<100000x64xf32, #tpu.memory_space<hbm>> -> memref<1x64xf32, #tpu.memory_space<hbm>>
      %dma_wait3A_176 = arith.constant 0 : i32
      %dma_wait3A_177 = arith.constant 0 : i32
      %dma_wait3A_178 = tpu.memref_slice %arg11[%dma_wait3A_176, %dma_wait3A_177] : memref<128x64xf32, #tpu.memory_space<vmem>> -> memref<1x64xf32, #tpu.memory_space<vmem>>
      %dma_wait3A_179 = arith.constant 0 : i32
      %dma_wait3A_180 = arith.constant 0 : i32
      %dma_wait3A_181 = tpu.memref_slice %arg5[%dma_wait3A_179, %dma_wait3A_180] : memref<100000x64xf32, #tpu.memory_space<hbm>> -> memref<1x64xf32, #tpu.memory_space<hbm>>
      tpu.wait_dma2 semaphore(%arg16 : memref<!tpu.dma_semaphore, #tpu.memory_space<semaphore_mem>>) src(%dma_wait3A_181 : memref<1x64xf32, #tpu.memory_space<hbm>>) dst(%dma_wait3A_178 : memref<1x64xf32, #tpu.memory_space<vmem>>)
      %dma_wait3A_182 = arith.constant 0 : i32
      %dma_wait3A_183 = arith.constant 0 : i32
      %dma_wait3A_184 = tpu.memref_slice %arg12[%dma_wait3A_182, %dma_wait3A_183] : memref<128x64xf32, #tpu.memory_space<vmem>> -> memref<1x64xf32, #tpu.memory_space<vmem>>
      %dma_wait3A_185 = arith.constant 0 : i32
      %dma_wait3A_186 = arith.constant 0 : i32
      %dma_wait3A_187 = tpu.memref_slice %arg5[%dma_wait3A_185, %dma_wait3A_186] : memref<100000x64xf32, #tpu.memory_space<hbm>> -> memref<1x64xf32, #tpu.memory_space<hbm>>
      %dma_wait3A_188 = arith.constant 0 : i32
      %dma_wait3A_189 = arith.constant 0 : i32
      %dma_wait3A_190 = tpu.memref_slice %arg12[%dma_wait3A_188, %dma_wait3A_189] : memref<128x64xf32, #tpu.memory_space<vmem>> -> memref<1x64xf32, #tpu.memory_space<vmem>>
      %dma_wait3A_191 = arith.constant 0 : i32
      %dma_wait3A_192 = arith.constant 0 : i32
      %dma_wait3A_193 = tpu.memref_slice %arg5[%dma_wait3A_191, %dma_wait3A_192] : memref<100000x64xf32, #tpu.memory_space<hbm>> -> memref<1x64xf32, #tpu.memory_space<hbm>>
      tpu.wait_dma2 semaphore(%arg16 : memref<!tpu.dma_semaphore, #tpu.memory_space<semaphore_mem>>) src(%dma_wait3A_193 : memref<1x64xf32, #tpu.memory_space<hbm>>) dst(%dma_wait3A_190 : memref<1x64xf32, #tpu.memory_space<vmem>>)
      %dma_wait3A_194 = arith.constant 0 : i32
      %dma_wait3A_195 = arith.constant 0 : i32
      %dma_wait3A_196 = tpu.memref_slice %arg10[%dma_wait3A_194, %dma_wait3A_195] : memref<128x64xf32, #tpu.memory_space<vmem>> -> memref<1x64xf32, #tpu.memory_space<vmem>>
      %dma_wait3A_197 = arith.constant 0 : i32
      %dma_wait3A_198 = arith.constant 0 : i32
      %dma_wait3A_199 = tpu.memref_slice %arg5[%dma_wait3A_197, %dma_wait3A_198] : memref<100000x64xf32, #tpu.memory_space<hbm>> -> memref<1x64xf32, #tpu.memory_space<hbm>>
      %dma_wait3A_200 = arith.constant 0 : i32
      %dma_wait3A_201 = arith.constant 0 : i32
      %dma_wait3A_202 = tpu.memref_slice %arg10[%dma_wait3A_200, %dma_wait3A_201] : memref<128x64xf32, #tpu.memory_space<vmem>> -> memref<1x64xf32, #tpu.memory_space<vmem>>
      %dma_wait3A_203 = arith.constant 0 : i32
      %dma_wait3A_204 = arith.constant 0 : i32
      %dma_wait3A_205 = tpu.memref_slice %arg5[%dma_wait3A_203, %dma_wait3A_204] : memref<100000x64xf32, #tpu.memory_space<hbm>> -> memref<1x64xf32, #tpu.memory_space<hbm>>
      tpu.wait_dma2 semaphore(%arg16 : memref<!tpu.dma_semaphore, #tpu.memory_space<semaphore_mem>>) src(%dma_wait3A_205 : memref<1x64xf32, #tpu.memory_space<hbm>>) dst(%dma_wait3A_202 : memref<1x64xf32, #tpu.memory_space<vmem>>)
      %dma_wait3A_206 = arith.constant 0 : i32
      %dma_wait3A_207 = arith.constant 0 : i32
      %dma_wait3A_208 = tpu.memref_slice %arg11[%dma_wait3A_206, %dma_wait3A_207] : memref<128x64xf32, #tpu.memory_space<vmem>> -> memref<1x64xf32, #tpu.memory_space<vmem>>
      %dma_wait3A_209 = arith.constant 0 : i32
      %dma_wait3A_210 = arith.constant 0 : i32
      %dma_wait3A_211 = tpu.memref_slice %arg5[%dma_wait3A_209, %dma_wait3A_210] : memref<100000x64xf32, #tpu.memory_space<hbm>> -> memref<1x64xf32, #tpu.memory_space<hbm>>
      %dma_wait3A_212 = arith.constant 0 : i32
      %dma_wait3A_213 = arith.constant 0 : i32
      %dma_wait3A_214 = tpu.memref_slice %arg11[%dma_wait3A_212, %dma_wait3A_213] : memref<128x64xf32, #tpu.memory_space<vmem>> -> memref<1x64xf32, #tpu.memory_space<vmem>>
      %dma_wait3A_215 = arith.constant 0 : i32
      %dma_wait3A_216 = arith.constant 0 : i32
      %dma_wait3A_217 = tpu.memref_slice %arg5[%dma_wait3A_215, %dma_wait3A_216] : memref<100000x64xf32, #tpu.memory_space<hbm>> -> memref<1x64xf32, #tpu.memory_space<hbm>>
      tpu.wait_dma2 semaphore(%arg16 : memref<!tpu.dma_semaphore, #tpu.memory_space<semaphore_mem>>) src(%dma_wait3A_217 : memref<1x64xf32, #tpu.memory_space<hbm>>) dst(%dma_wait3A_214 : memref<1x64xf32, #tpu.memory_space<vmem>>)
      %dma_wait3A_218 = arith.constant 0 : i32
      %dma_wait3A_219 = arith.constant 0 : i32
      %dma_wait3A_220 = tpu.memref_slice %arg12[%dma_wait3A_218, %dma_wait3A_219] : memref<128x64xf32, #tpu.memory_space<vmem>> -> memref<1x64xf32, #tpu.memory_space<vmem>>
      %dma_wait3A_221 = arith.constant 0 : i32
      %dma_wait3A_222 = arith.constant 0 : i32
      %dma_wait3A_223 = tpu.memref_slice %arg5[%dma_wait3A_221, %dma_wait3A_222] : memref<100000x64xf32, #tpu.memory_space<hbm>> -> memref<1x64xf32, #tpu.memory_space<hbm>>
      %dma_wait3A_224 = arith.constant 0 : i32
      %dma_wait3A_225 = arith.constant 0 : i32
      %dma_wait3A_226 = tpu.memref_slice %arg12[%dma_wait3A_224, %dma_wait3A_225] : memref<128x64xf32, #tpu.memory_space<vmem>> -> memref<1x64xf32, #tpu.memory_space<vmem>>
      %dma_wait3A_227 = arith.constant 0 : i32
      %dma_wait3A_228 = arith.constant 0 : i32
      %dma_wait3A_229 = tpu.memref_slice %arg5[%dma_wait3A_227, %dma_wait3A_228] : memref<100000x64xf32, #tpu.memory_space<hbm>> -> memref<1x64xf32, #tpu.memory_space<hbm>>
      tpu.wait_dma2 semaphore(%arg16 : memref<!tpu.dma_semaphore, #tpu.memory_space<semaphore_mem>>) src(%dma_wait3A_229 : memref<1x64xf32, #tpu.memory_space<hbm>>) dst(%dma_wait3A_226 : memref<1x64xf32, #tpu.memory_space<vmem>>)
      %dma_wait3A_230 = arith.constant 0 : i32
      %dma_wait3A_231 = arith.constant 0 : i32
      %dma_wait3A_232 = tpu.memref_slice %arg10[%dma_wait3A_230, %dma_wait3A_231] : memref<128x64xf32, #tpu.memory_space<vmem>> -> memref<1x64xf32, #tpu.memory_space<vmem>>
      %dma_wait3A_233 = arith.constant 0 : i32
      %dma_wait3A_234 = arith.constant 0 : i32
      %dma_wait3A_235 = tpu.memref_slice %arg5[%dma_wait3A_233, %dma_wait3A_234] : memref<100000x64xf32, #tpu.memory_space<hbm>> -> memref<1x64xf32, #tpu.memory_space<hbm>>
      %dma_wait3A_236 = arith.constant 0 : i32
      %dma_wait3A_237 = arith.constant 0 : i32
      %dma_wait3A_238 = tpu.memref_slice %arg10[%dma_wait3A_236, %dma_wait3A_237] : memref<128x64xf32, #tpu.memory_space<vmem>> -> memref<1x64xf32, #tpu.memory_space<vmem>>
      %dma_wait3A_239 = arith.constant 0 : i32
      %dma_wait3A_240 = arith.constant 0 : i32
      %dma_wait3A_241 = tpu.memref_slice %arg5[%dma_wait3A_239, %dma_wait3A_240] : memref<100000x64xf32, #tpu.memory_space<hbm>> -> memref<1x64xf32, #tpu.memory_space<hbm>>
      tpu.wait_dma2 semaphore(%arg16 : memref<!tpu.dma_semaphore, #tpu.memory_space<semaphore_mem>>) src(%dma_wait3A_241 : memref<1x64xf32, #tpu.memory_space<hbm>>) dst(%dma_wait3A_238 : memref<1x64xf32, #tpu.memory_space<vmem>>)
      %dma_wait3A_242 = arith.constant 0 : i32
      %dma_wait3A_243 = arith.constant 0 : i32
      %dma_wait3A_244 = tpu.memref_slice %arg11[%dma_wait3A_242, %dma_wait3A_243] : memref<128x64xf32, #tpu.memory_space<vmem>> -> memref<1x64xf32, #tpu.memory_space<vmem>>
      %dma_wait3A_245 = arith.constant 0 : i32
      %dma_wait3A_246 = arith.constant 0 : i32
      %dma_wait3A_247 = tpu.memref_slice %arg5[%dma_wait3A_245, %dma_wait3A_246] : memref<100000x64xf32, #tpu.memory_space<hbm>> -> memref<1x64xf32, #tpu.memory_space<hbm>>
      %dma_wait3A_248 = arith.constant 0 : i32
      %dma_wait3A_249 = arith.constant 0 : i32
      %dma_wait3A_250 = tpu.memref_slice %arg11[%dma_wait3A_248, %dma_wait3A_249] : memref<128x64xf32, #tpu.memory_space<vmem>> -> memref<1x64xf32, #tpu.memory_space<vmem>>
      %dma_wait3A_251 = arith.constant 0 : i32
      %dma_wait3A_252 = arith.constant 0 : i32
      %dma_wait3A_253 = tpu.memref_slice %arg5[%dma_wait3A_251, %dma_wait3A_252] : memref<100000x64xf32, #tpu.memory_space<hbm>> -> memref<1x64xf32, #tpu.memory_space<hbm>>
      tpu.wait_dma2 semaphore(%arg16 : memref<!tpu.dma_semaphore, #tpu.memory_space<semaphore_mem>>) src(%dma_wait3A_253 : memref<1x64xf32, #tpu.memory_space<hbm>>) dst(%dma_wait3A_250 : memref<1x64xf32, #tpu.memory_space<vmem>>)
      %dma_wait3A_254 = arith.constant 0 : i32
      %dma_wait3A_255 = arith.constant 0 : i32
      %dma_wait3A_256 = tpu.memref_slice %arg12[%dma_wait3A_254, %dma_wait3A_255] : memref<128x64xf32, #tpu.memory_space<vmem>> -> memref<1x64xf32, #tpu.memory_space<vmem>>
      %dma_wait3A_257 = arith.constant 0 : i32
      %dma_wait3A_258 = arith.constant 0 : i32
      %dma_wait3A_259 = tpu.memref_slice %arg5[%dma_wait3A_257, %dma_wait3A_258] : memref<100000x64xf32, #tpu.memory_space<hbm>> -> memref<1x64xf32, #tpu.memory_space<hbm>>
      %dma_wait3A_260 = arith.constant 0 : i32
      %dma_wait3A_261 = arith.constant 0 : i32
      %dma_wait3A_262 = tpu.memref_slice %arg12[%dma_wait3A_260, %dma_wait3A_261] : memref<128x64xf32, #tpu.memory_space<vmem>> -> memref<1x64xf32, #tpu.memory_space<vmem>>
      %dma_wait3A_263 = arith.constant 0 : i32
      %dma_wait3A_264 = arith.constant 0 : i32
      %dma_wait3A_265 = tpu.memref_slice %arg5[%dma_wait3A_263, %dma_wait3A_264] : memref<100000x64xf32, #tpu.memory_space<hbm>> -> memref<1x64xf32, #tpu.memory_space<hbm>>
      tpu.wait_dma2 semaphore(%arg16 : memref<!tpu.dma_semaphore, #tpu.memory_space<semaphore_mem>>) src(%dma_wait3A_265 : memref<1x64xf32, #tpu.memory_space<hbm>>) dst(%dma_wait3A_262 : memref<1x64xf32, #tpu.memory_space<vmem>>)
      %dma_wait3A_266 = arith.constant 0 : i32
      %dma_wait3A_267 = arith.constant 0 : i32
      %dma_wait3A_268 = tpu.memref_slice %arg10[%dma_wait3A_266, %dma_wait3A_267] : memref<128x64xf32, #tpu.memory_space<vmem>> -> memref<1x64xf32, #tpu.memory_space<vmem>>
      %dma_wait3A_269 = arith.constant 0 : i32
      %dma_wait3A_270 = arith.constant 0 : i32
      %dma_wait3A_271 = tpu.memref_slice %arg5[%dma_wait3A_269, %dma_wait3A_270] : memref<100000x64xf32, #tpu.memory_space<hbm>> -> memref<1x64xf32, #tpu.memory_space<hbm>>
      %dma_wait3A_272 = arith.constant 0 : i32
      %dma_wait3A_273 = arith.constant 0 : i32
      %dma_wait3A_274 = tpu.memref_slice %arg10[%dma_wait3A_272, %dma_wait3A_273] : memref<128x64xf32, #tpu.memory_space<vmem>> -> memref<1x64xf32, #tpu.memory_space<vmem>>
      %dma_wait3A_275 = arith.constant 0 : i32
      %dma_wait3A_276 = arith.constant 0 : i32
      %dma_wait3A_277 = tpu.memref_slice %arg5[%dma_wait3A_275, %dma_wait3A_276] : memref<100000x64xf32, #tpu.memory_space<hbm>> -> memref<1x64xf32, #tpu.memory_space<hbm>>
      tpu.wait_dma2 semaphore(%arg16 : memref<!tpu.dma_semaphore, #tpu.memory_space<semaphore_mem>>) src(%dma_wait3A_277 : memref<1x64xf32, #tpu.memory_space<hbm>>) dst(%dma_wait3A_274 : memref<1x64xf32, #tpu.memory_space<vmem>>)
      %dma_wait3A_278 = arith.constant 0 : i32
      %dma_wait3A_279 = arith.constant 0 : i32
      %dma_wait3A_280 = tpu.memref_slice %arg11[%dma_wait3A_278, %dma_wait3A_279] : memref<128x64xf32, #tpu.memory_space<vmem>> -> memref<1x64xf32, #tpu.memory_space<vmem>>
      %dma_wait3A_281 = arith.constant 0 : i32
      %dma_wait3A_282 = arith.constant 0 : i32
      %dma_wait3A_283 = tpu.memref_slice %arg5[%dma_wait3A_281, %dma_wait3A_282] : memref<100000x64xf32, #tpu.memory_space<hbm>> -> memref<1x64xf32, #tpu.memory_space<hbm>>
      %dma_wait3A_284 = arith.constant 0 : i32
      %dma_wait3A_285 = arith.constant 0 : i32
      %dma_wait3A_286 = tpu.memref_slice %arg11[%dma_wait3A_284, %dma_wait3A_285] : memref<128x64xf32, #tpu.memory_space<vmem>> -> memref<1x64xf32, #tpu.memory_space<vmem>>
      %dma_wait3A_287 = arith.constant 0 : i32
      %dma_wait3A_288 = arith.constant 0 : i32
      %dma_wait3A_289 = tpu.memref_slice %arg5[%dma_wait3A_287, %dma_wait3A_288] : memref<100000x64xf32, #tpu.memory_space<hbm>> -> memref<1x64xf32, #tpu.memory_space<hbm>>
      tpu.wait_dma2 semaphore(%arg16 : memref<!tpu.dma_semaphore, #tpu.memory_space<semaphore_mem>>) src(%dma_wait3A_289 : memref<1x64xf32, #tpu.memory_space<hbm>>) dst(%dma_wait3A_286 : memref<1x64xf32, #tpu.memory_space<vmem>>)
      %dma_wait3A_290 = arith.constant 0 : i32
      %dma_wait3A_291 = arith.constant 0 : i32
      %dma_wait3A_292 = tpu.memref_slice %arg12[%dma_wait3A_290, %dma_wait3A_291] : memref<128x64xf32, #tpu.memory_space<vmem>> -> memref<1x64xf32, #tpu.memory_space<vmem>>
      %dma_wait3A_293 = arith.constant 0 : i32
      %dma_wait3A_294 = arith.constant 0 : i32
      %dma_wait3A_295 = tpu.memref_slice %arg5[%dma_wait3A_293, %dma_wait3A_294] : memref<100000x64xf32, #tpu.memory_space<hbm>> -> memref<1x64xf32, #tpu.memory_space<hbm>>
      %dma_wait3A_296 = arith.constant 0 : i32
      %dma_wait3A_297 = arith.constant 0 : i32
      %dma_wait3A_298 = tpu.memref_slice %arg12[%dma_wait3A_296, %dma_wait3A_297] : memref<128x64xf32, #tpu.memory_space<vmem>> -> memref<1x64xf32, #tpu.memory_space<vmem>>
      %dma_wait3A_299 = arith.constant 0 : i32
      %dma_wait3A_300 = arith.constant 0 : i32
      %dma_wait3A_301 = tpu.memref_slice %arg5[%dma_wait3A_299, %dma_wait3A_300] : memref<100000x64xf32, #tpu.memory_space<hbm>> -> memref<1x64xf32, #tpu.memory_space<hbm>>
      tpu.wait_dma2 semaphore(%arg16 : memref<!tpu.dma_semaphore, #tpu.memory_space<semaphore_mem>>) src(%dma_wait3A_301 : memref<1x64xf32, #tpu.memory_space<hbm>>) dst(%dma_wait3A_298 : memref<1x64xf32, #tpu.memory_space<vmem>>)
      %dma_wait3A_302 = arith.constant 0 : i32
      %dma_wait3A_303 = arith.constant 0 : i32
      %dma_wait3A_304 = tpu.memref_slice %arg10[%dma_wait3A_302, %dma_wait3A_303] : memref<128x64xf32, #tpu.memory_space<vmem>> -> memref<1x64xf32, #tpu.memory_space<vmem>>
      %dma_wait3A_305 = arith.constant 0 : i32
      %dma_wait3A_306 = arith.constant 0 : i32
      %dma_wait3A_307 = tpu.memref_slice %arg5[%dma_wait3A_305, %dma_wait3A_306] : memref<100000x64xf32, #tpu.memory_space<hbm>> -> memref<1x64xf32, #tpu.memory_space<hbm>>
      %dma_wait3A_308 = arith.constant 0 : i32
      %dma_wait3A_309 = arith.constant 0 : i32
      %dma_wait3A_310 = tpu.memref_slice %arg10[%dma_wait3A_308, %dma_wait3A_309] : memref<128x64xf32, #tpu.memory_space<vmem>> -> memref<1x64xf32, #tpu.memory_space<vmem>>
      %dma_wait3A_311 = arith.constant 0 : i32
      %dma_wait3A_312 = arith.constant 0 : i32
      %dma_wait3A_313 = tpu.memref_slice %arg5[%dma_wait3A_311, %dma_wait3A_312] : memref<100000x64xf32, #tpu.memory_space<hbm>> -> memref<1x64xf32, #tpu.memory_space<hbm>>
      tpu.wait_dma2 semaphore(%arg16 : memref<!tpu.dma_semaphore, #tpu.memory_space<semaphore_mem>>) src(%dma_wait3A_313 : memref<1x64xf32, #tpu.memory_space<hbm>>) dst(%dma_wait3A_310 : memref<1x64xf32, #tpu.memory_space<vmem>>)
      %dma_wait3A_314 = arith.constant 0 : i32
      %dma_wait3A_315 = arith.constant 0 : i32
      %dma_wait3A_316 = tpu.memref_slice %arg11[%dma_wait3A_314, %dma_wait3A_315] : memref<128x64xf32, #tpu.memory_space<vmem>> -> memref<1x64xf32, #tpu.memory_space<vmem>>
      %dma_wait3A_317 = arith.constant 0 : i32
      %dma_wait3A_318 = arith.constant 0 : i32
      %dma_wait3A_319 = tpu.memref_slice %arg5[%dma_wait3A_317, %dma_wait3A_318] : memref<100000x64xf32, #tpu.memory_space<hbm>> -> memref<1x64xf32, #tpu.memory_space<hbm>>
      %dma_wait3A_320 = arith.constant 0 : i32
      %dma_wait3A_321 = arith.constant 0 : i32
      %dma_wait3A_322 = tpu.memref_slice %arg11[%dma_wait3A_320, %dma_wait3A_321] : memref<128x64xf32, #tpu.memory_space<vmem>> -> memref<1x64xf32, #tpu.memory_space<vmem>>
      %dma_wait3A_323 = arith.constant 0 : i32
      %dma_wait3A_324 = arith.constant 0 : i32
      %dma_wait3A_325 = tpu.memref_slice %arg5[%dma_wait3A_323, %dma_wait3A_324] : memref<100000x64xf32, #tpu.memory_space<hbm>> -> memref<1x64xf32, #tpu.memory_space<hbm>>
      tpu.wait_dma2 semaphore(%arg16 : memref<!tpu.dma_semaphore, #tpu.memory_space<semaphore_mem>>) src(%dma_wait3A_325 : memref<1x64xf32, #tpu.memory_space<hbm>>) dst(%dma_wait3A_322 : memref<1x64xf32, #tpu.memory_space<vmem>>)
      %dma_wait3A_326 = arith.constant 0 : i32
      %dma_wait3A_327 = arith.constant 0 : i32
      %dma_wait3A_328 = tpu.memref_slice %arg12[%dma_wait3A_326, %dma_wait3A_327] : memref<128x64xf32, #tpu.memory_space<vmem>> -> memref<1x64xf32, #tpu.memory_space<vmem>>
      %dma_wait3A_329 = arith.constant 0 : i32
      %dma_wait3A_330 = arith.constant 0 : i32
      %dma_wait3A_331 = tpu.memref_slice %arg5[%dma_wait3A_329, %dma_wait3A_330] : memref<100000x64xf32, #tpu.memory_space<hbm>> -> memref<1x64xf32, #tpu.memory_space<hbm>>
      %dma_wait3A_332 = arith.constant 0 : i32
      %dma_wait3A_333 = arith.constant 0 : i32
      %dma_wait3A_334 = tpu.memref_slice %arg12[%dma_wait3A_332, %dma_wait3A_333] : memref<128x64xf32, #tpu.memory_space<vmem>> -> memref<1x64xf32, #tpu.memory_space<vmem>>
      %dma_wait3A_335 = arith.constant 0 : i32
      %dma_wait3A_336 = arith.constant 0 : i32
      %dma_wait3A_337 = tpu.memref_slice %arg5[%dma_wait3A_335, %dma_wait3A_336] : memref<100000x64xf32, #tpu.memory_space<hbm>> -> memref<1x64xf32, #tpu.memory_space<hbm>>
      tpu.wait_dma2 semaphore(%arg16 : memref<!tpu.dma_semaphore, #tpu.memory_space<semaphore_mem>>) src(%dma_wait3A_337 : memref<1x64xf32, #tpu.memory_space<hbm>>) dst(%dma_wait3A_334 : memref<1x64xf32, #tpu.memory_space<vmem>>)
      %dma_wait3A_338 = arith.constant 0 : i32
      %dma_wait3A_339 = arith.constant 0 : i32
      %dma_wait3A_340 = tpu.memref_slice %arg10[%dma_wait3A_338, %dma_wait3A_339] : memref<128x64xf32, #tpu.memory_space<vmem>> -> memref<1x64xf32, #tpu.memory_space<vmem>>
      %dma_wait3A_341 = arith.constant 0 : i32
      %dma_wait3A_342 = arith.constant 0 : i32
      %dma_wait3A_343 = tpu.memref_slice %arg5[%dma_wait3A_341, %dma_wait3A_342] : memref<100000x64xf32, #tpu.memory_space<hbm>> -> memref<1x64xf32, #tpu.memory_space<hbm>>
      %dma_wait3A_344 = arith.constant 0 : i32
      %dma_wait3A_345 = arith.constant 0 : i32
      %dma_wait3A_346 = tpu.memref_slice %arg10[%dma_wait3A_344, %dma_wait3A_345] : memref<128x64xf32, #tpu.memory_space<vmem>> -> memref<1x64xf32, #tpu.memory_space<vmem>>
      %dma_wait3A_347 = arith.constant 0 : i32
      %dma_wait3A_348 = arith.constant 0 : i32
      %dma_wait3A_349 = tpu.memref_slice %arg5[%dma_wait3A_347, %dma_wait3A_348] : memref<100000x64xf32, #tpu.memory_space<hbm>> -> memref<1x64xf32, #tpu.memory_space<hbm>>
      tpu.wait_dma2 semaphore(%arg16 : memref<!tpu.dma_semaphore, #tpu.memory_space<semaphore_mem>>) src(%dma_wait3A_349 : memref<1x64xf32, #tpu.memory_space<hbm>>) dst(%dma_wait3A_346 : memref<1x64xf32, #tpu.memory_space<vmem>>)
      %dma_wait3A_350 = arith.constant 0 : i32
      %dma_wait3A_351 = arith.constant 0 : i32
      %dma_wait3A_352 = tpu.memref_slice %arg11[%dma_wait3A_350, %dma_wait3A_351] : memref<128x64xf32, #tpu.memory_space<vmem>> -> memref<1x64xf32, #tpu.memory_space<vmem>>
      %dma_wait3A_353 = arith.constant 0 : i32
      %dma_wait3A_354 = arith.constant 0 : i32
      %dma_wait3A_355 = tpu.memref_slice %arg5[%dma_wait3A_353, %dma_wait3A_354] : memref<100000x64xf32, #tpu.memory_space<hbm>> -> memref<1x64xf32, #tpu.memory_space<hbm>>
      %dma_wait3A_356 = arith.constant 0 : i32
      %dma_wait3A_357 = arith.constant 0 : i32
      %dma_wait3A_358 = tpu.memref_slice %arg11[%dma_wait3A_356, %dma_wait3A_357] : memref<128x64xf32, #tpu.memory_space<vmem>> -> memref<1x64xf32, #tpu.memory_space<vmem>>
      %dma_wait3A_359 = arith.constant 0 : i32
      %dma_wait3A_360 = arith.constant 0 : i32
      %dma_wait3A_361 = tpu.memref_slice %arg5[%dma_wait3A_359, %dma_wait3A_360] : memref<100000x64xf32, #tpu.memory_space<hbm>> -> memref<1x64xf32, #tpu.memory_space<hbm>>
      tpu.wait_dma2 semaphore(%arg16 : memref<!tpu.dma_semaphore, #tpu.memory_space<semaphore_mem>>) src(%dma_wait3A_361 : memref<1x64xf32, #tpu.memory_space<hbm>>) dst(%dma_wait3A_358 : memref<1x64xf32, #tpu.memory_space<vmem>>)
      %dma_wait3A_362 = arith.constant 0 : i32
      %dma_wait3A_363 = arith.constant 0 : i32
      %dma_wait3A_364 = tpu.memref_slice %arg12[%dma_wait3A_362, %dma_wait3A_363] : memref<128x64xf32, #tpu.memory_space<vmem>> -> memref<1x64xf32, #tpu.memory_space<vmem>>
      %dma_wait3A_365 = arith.constant 0 : i32
      %dma_wait3A_366 = arith.constant 0 : i32
      %dma_wait3A_367 = tpu.memref_slice %arg5[%dma_wait3A_365, %dma_wait3A_366] : memref<100000x64xf32, #tpu.memory_space<hbm>> -> memref<1x64xf32, #tpu.memory_space<hbm>>
      %dma_wait3A_368 = arith.constant 0 : i32
      %dma_wait3A_369 = arith.constant 0 : i32
      %dma_wait3A_370 = tpu.memref_slice %arg12[%dma_wait3A_368, %dma_wait3A_369] : memref<128x64xf32, #tpu.memory_space<vmem>> -> memref<1x64xf32, #tpu.memory_space<vmem>>
      %dma_wait3A_371 = arith.constant 0 : i32
      %dma_wait3A_372 = arith.constant 0 : i32
      %dma_wait3A_373 = tpu.memref_slice %arg5[%dma_wait3A_371, %dma_wait3A_372] : memref<100000x64xf32, #tpu.memory_space<hbm>> -> memref<1x64xf32, #tpu.memory_space<hbm>>
      tpu.wait_dma2 semaphore(%arg16 : memref<!tpu.dma_semaphore, #tpu.memory_space<semaphore_mem>>) src(%dma_wait3A_373 : memref<1x64xf32, #tpu.memory_space<hbm>>) dst(%dma_wait3A_370 : memref<1x64xf32, #tpu.memory_space<vmem>>)
      %dma_wait3A_374 = arith.constant 0 : i32
      %dma_wait3A_375 = arith.constant 0 : i32
      %dma_wait3A_376 = tpu.memref_slice %arg10[%dma_wait3A_374, %dma_wait3A_375] : memref<128x64xf32, #tpu.memory_space<vmem>> -> memref<1x64xf32, #tpu.memory_space<vmem>>
      %dma_wait3A_377 = arith.constant 0 : i32
      %dma_wait3A_378 = arith.constant 0 : i32
      %dma_wait3A_379 = tpu.memref_slice %arg5[%dma_wait3A_377, %dma_wait3A_378] : memref<100000x64xf32, #tpu.memory_space<hbm>> -> memref<1x64xf32, #tpu.memory_space<hbm>>
      %dma_wait3A_380 = arith.constant 0 : i32
      %dma_wait3A_381 = arith.constant 0 : i32
      %dma_wait3A_382 = tpu.memref_slice %arg10[%dma_wait3A_380, %dma_wait3A_381] : memref<128x64xf32, #tpu.memory_space<vmem>> -> memref<1x64xf32, #tpu.memory_space<vmem>>
      %dma_wait3A_383 = arith.constant 0 : i32
      %dma_wait3A_384 = arith.constant 0 : i32
      %dma_wait3A_385 = tpu.memref_slice %arg5[%dma_wait3A_383, %dma_wait3A_384] : memref<100000x64xf32, #tpu.memory_space<hbm>> -> memref<1x64xf32, #tpu.memory_space<hbm>>
      tpu.wait_dma2 semaphore(%arg16 : memref<!tpu.dma_semaphore, #tpu.memory_space<semaphore_mem>>) src(%dma_wait3A_385 : memref<1x64xf32, #tpu.memory_space<hbm>>) dst(%dma_wait3A_382 : memref<1x64xf32, #tpu.memory_space<vmem>>)
      %dma_wait3A_386 = arith.constant 0 : i32
      %dma_wait3A_387 = arith.constant 0 : i32
      %dma_wait3A_388 = tpu.memref_slice %arg11[%dma_wait3A_386, %dma_wait3A_387] : memref<128x64xf32, #tpu.memory_space<vmem>> -> memref<1x64xf32, #tpu.memory_space<vmem>>
      %dma_wait3A_389 = arith.constant 0 : i32
      %dma_wait3A_390 = arith.constant 0 : i32
      %dma_wait3A_391 = tpu.memref_slice %arg5[%dma_wait3A_389, %dma_wait3A_390] : memref<100000x64xf32, #tpu.memory_space<hbm>> -> memref<1x64xf32, #tpu.memory_space<hbm>>
      %dma_wait3A_392 = arith.constant 0 : i32
      %dma_wait3A_393 = arith.constant 0 : i32
      %dma_wait3A_394 = tpu.memref_slice %arg11[%dma_wait3A_392, %dma_wait3A_393] : memref<128x64xf32, #tpu.memory_space<vmem>> -> memref<1x64xf32, #tpu.memory_space<vmem>>
      %dma_wait3A_395 = arith.constant 0 : i32
      %dma_wait3A_396 = arith.constant 0 : i32
      %dma_wait3A_397 = tpu.memref_slice %arg5[%dma_wait3A_395, %dma_wait3A_396] : memref<100000x64xf32, #tpu.memory_space<hbm>> -> memref<1x64xf32, #tpu.memory_space<hbm>>
      tpu.wait_dma2 semaphore(%arg16 : memref<!tpu.dma_semaphore, #tpu.memory_space<semaphore_mem>>) src(%dma_wait3A_397 : memref<1x64xf32, #tpu.memory_space<hbm>>) dst(%dma_wait3A_394 : memref<1x64xf32, #tpu.memory_space<vmem>>)
      %dma_wait3A_398 = arith.constant 0 : i32
      %dma_wait3A_399 = arith.constant 0 : i32
      %dma_wait3A_400 = tpu.memref_slice %arg12[%dma_wait3A_398, %dma_wait3A_399] : memref<128x64xf32, #tpu.memory_space<vmem>> -> memref<1x64xf32, #tpu.memory_space<vmem>>
      %dma_wait3A_401 = arith.constant 0 : i32
      %dma_wait3A_402 = arith.constant 0 : i32
      %dma_wait3A_403 = tpu.memref_slice %arg5[%dma_wait3A_401, %dma_wait3A_402] : memref<100000x64xf32, #tpu.memory_space<hbm>> -> memref<1x64xf32, #tpu.memory_space<hbm>>
      %dma_wait3A_404 = arith.constant 0 : i32
      %dma_wait3A_405 = arith.constant 0 : i32
      %dma_wait3A_406 = tpu.memref_slice %arg12[%dma_wait3A_404, %dma_wait3A_405] : memref<128x64xf32, #tpu.memory_space<vmem>> -> memref<1x64xf32, #tpu.memory_space<vmem>>
      %dma_wait3A_407 = arith.constant 0 : i32
      %dma_wait3A_408 = arith.constant 0 : i32
      %dma_wait3A_409 = tpu.memref_slice %arg5[%dma_wait3A_407, %dma_wait3A_408] : memref<100000x64xf32, #tpu.memory_space<hbm>> -> memref<1x64xf32, #tpu.memory_space<hbm>>
      tpu.wait_dma2 semaphore(%arg16 : memref<!tpu.dma_semaphore, #tpu.memory_space<semaphore_mem>>) src(%dma_wait3A_409 : memref<1x64xf32, #tpu.memory_space<hbm>>) dst(%dma_wait3A_406 : memref<1x64xf32, #tpu.memory_space<vmem>>)
      %dma_wait3A_410 = arith.constant 0 : i32
      %dma_wait3A_411 = arith.constant 0 : i32
      %dma_wait3A_412 = tpu.memref_slice %arg10[%dma_wait3A_410, %dma_wait3A_411] : memref<128x64xf32, #tpu.memory_space<vmem>> -> memref<1x64xf32, #tpu.memory_space<vmem>>
      %dma_wait3A_413 = arith.constant 0 : i32
      %dma_wait3A_414 = arith.constant 0 : i32
      %dma_wait3A_415 = tpu.memref_slice %arg5[%dma_wait3A_413, %dma_wait3A_414] : memref<100000x64xf32, #tpu.memory_space<hbm>> -> memref<1x64xf32, #tpu.memory_space<hbm>>
      %dma_wait3A_416 = arith.constant 0 : i32
      %dma_wait3A_417 = arith.constant 0 : i32
      %dma_wait3A_418 = tpu.memref_slice %arg10[%dma_wait3A_416, %dma_wait3A_417] : memref<128x64xf32, #tpu.memory_space<vmem>> -> memref<1x64xf32, #tpu.memory_space<vmem>>
      %dma_wait3A_419 = arith.constant 0 : i32
      %dma_wait3A_420 = arith.constant 0 : i32
      %dma_wait3A_421 = tpu.memref_slice %arg5[%dma_wait3A_419, %dma_wait3A_420] : memref<100000x64xf32, #tpu.memory_space<hbm>> -> memref<1x64xf32, #tpu.memory_space<hbm>>
      tpu.wait_dma2 semaphore(%arg16 : memref<!tpu.dma_semaphore, #tpu.memory_space<semaphore_mem>>) src(%dma_wait3A_421 : memref<1x64xf32, #tpu.memory_space<hbm>>) dst(%dma_wait3A_418 : memref<1x64xf32, #tpu.memory_space<vmem>>)
      %dma_wait3A_422 = arith.constant 0 : i32
      %dma_wait3A_423 = arith.constant 0 : i32
      %dma_wait3A_424 = tpu.memref_slice %arg11[%dma_wait3A_422, %dma_wait3A_423] : memref<128x64xf32, #tpu.memory_space<vmem>> -> memref<1x64xf32, #tpu.memory_space<vmem>>
      %dma_wait3A_425 = arith.constant 0 : i32
      %dma_wait3A_426 = arith.constant 0 : i32
      %dma_wait3A_427 = tpu.memref_slice %arg5[%dma_wait3A_425, %dma_wait3A_426] : memref<100000x64xf32, #tpu.memory_space<hbm>> -> memref<1x64xf32, #tpu.memory_space<hbm>>
      %dma_wait3A_428 = arith.constant 0 : i32
      %dma_wait3A_429 = arith.constant 0 : i32
      %dma_wait3A_430 = tpu.memref_slice %arg11[%dma_wait3A_428, %dma_wait3A_429] : memref<128x64xf32, #tpu.memory_space<vmem>> -> memref<1x64xf32, #tpu.memory_space<vmem>>
      %dma_wait3A_431 = arith.constant 0 : i32
      %dma_wait3A_432 = arith.constant 0 : i32
      %dma_wait3A_433 = tpu.memref_slice %arg5[%dma_wait3A_431, %dma_wait3A_432] : memref<100000x64xf32, #tpu.memory_space<hbm>> -> memref<1x64xf32, #tpu.memory_space<hbm>>
      tpu.wait_dma2 semaphore(%arg16 : memref<!tpu.dma_semaphore, #tpu.memory_space<semaphore_mem>>) src(%dma_wait3A_433 : memref<1x64xf32, #tpu.memory_space<hbm>>) dst(%dma_wait3A_430 : memref<1x64xf32, #tpu.memory_space<vmem>>)
      %dma_wait3A_434 = arith.constant 0 : i32
      %dma_wait3A_435 = arith.constant 0 : i32
      %dma_wait3A_436 = tpu.memref_slice %arg12[%dma_wait3A_434, %dma_wait3A_435] : memref<128x64xf32, #tpu.memory_space<vmem>> -> memref<1x64xf32, #tpu.memory_space<vmem>>
      %dma_wait3A_437 = arith.constant 0 : i32
      %dma_wait3A_438 = arith.constant 0 : i32
      %dma_wait3A_439 = tpu.memref_slice %arg5[%dma_wait3A_437, %dma_wait3A_438] : memref<100000x64xf32, #tpu.memory_space<hbm>> -> memref<1x64xf32, #tpu.memory_space<hbm>>
      %dma_wait3A_440 = arith.constant 0 : i32
      %dma_wait3A_441 = arith.constant 0 : i32
      %dma_wait3A_442 = tpu.memref_slice %arg12[%dma_wait3A_440, %dma_wait3A_441] : memref<128x64xf32, #tpu.memory_space<vmem>> -> memref<1x64xf32, #tpu.memory_space<vmem>>
      %dma_wait3A_443 = arith.constant 0 : i32
      %dma_wait3A_444 = arith.constant 0 : i32
      %dma_wait3A_445 = tpu.memref_slice %arg5[%dma_wait3A_443, %dma_wait3A_444] : memref<100000x64xf32, #tpu.memory_space<hbm>> -> memref<1x64xf32, #tpu.memory_space<hbm>>
      tpu.wait_dma2 semaphore(%arg16 : memref<!tpu.dma_semaphore, #tpu.memory_space<semaphore_mem>>) src(%dma_wait3A_445 : memref<1x64xf32, #tpu.memory_space<hbm>>) dst(%dma_wait3A_442 : memref<1x64xf32, #tpu.memory_space<vmem>>)
      %dma_wait3A_446 = arith.constant 0 : i32
      %dma_wait3A_447 = arith.constant 0 : i32
      %dma_wait3A_448 = tpu.memref_slice %arg10[%dma_wait3A_446, %dma_wait3A_447] : memref<128x64xf32, #tpu.memory_space<vmem>> -> memref<1x64xf32, #tpu.memory_space<vmem>>
      %dma_wait3A_449 = arith.constant 0 : i32
      %dma_wait3A_450 = arith.constant 0 : i32
      %dma_wait3A_451 = tpu.memref_slice %arg5[%dma_wait3A_449, %dma_wait3A_450] : memref<100000x64xf32, #tpu.memory_space<hbm>> -> memref<1x64xf32, #tpu.memory_space<hbm>>
      %dma_wait3A_452 = arith.constant 0 : i32
      %dma_wait3A_453 = arith.constant 0 : i32
      %dma_wait3A_454 = tpu.memref_slice %arg10[%dma_wait3A_452, %dma_wait3A_453] : memref<128x64xf32, #tpu.memory_space<vmem>> -> memref<1x64xf32, #tpu.memory_space<vmem>>
      %dma_wait3A_455 = arith.constant 0 : i32
      %dma_wait3A_456 = arith.constant 0 : i32
      %dma_wait3A_457 = tpu.memref_slice %arg5[%dma_wait3A_455, %dma_wait3A_456] : memref<100000x64xf32, #tpu.memory_space<hbm>> -> memref<1x64xf32, #tpu.memory_space<hbm>>
      tpu.wait_dma2 semaphore(%arg16 : memref<!tpu.dma_semaphore, #tpu.memory_space<semaphore_mem>>) src(%dma_wait3A_457 : memref<1x64xf32, #tpu.memory_space<hbm>>) dst(%dma_wait3A_454 : memref<1x64xf32, #tpu.memory_space<vmem>>)
      %dma_wait3A_458 = arith.constant 0 : i32
      %dma_wait3A_459 = arith.constant 0 : i32
      %dma_wait3A_460 = tpu.memref_slice %arg11[%dma_wait3A_458, %dma_wait3A_459] : memref<128x64xf32, #tpu.memory_space<vmem>> -> memref<1x64xf32, #tpu.memory_space<vmem>>
      %dma_wait3A_461 = arith.constant 0 : i32
      %dma_wait3A_462 = arith.constant 0 : i32
      %dma_wait3A_463 = tpu.memref_slice %arg5[%dma_wait3A_461, %dma_wait3A_462] : memref<100000x64xf32, #tpu.memory_space<hbm>> -> memref<1x64xf32, #tpu.memory_space<hbm>>
      %dma_wait3A_464 = arith.constant 0 : i32
      %dma_wait3A_465 = arith.constant 0 : i32
      %dma_wait3A_466 = tpu.memref_slice %arg11[%dma_wait3A_464, %dma_wait3A_465] : memref<128x64xf32, #tpu.memory_space<vmem>> -> memref<1x64xf32, #tpu.memory_space<vmem>>
      %dma_wait3A_467 = arith.constant 0 : i32
      %dma_wait3A_468 = arith.constant 0 : i32
      %dma_wait3A_469 = tpu.memref_slice %arg5[%dma_wait3A_467, %dma_wait3A_468] : memref<100000x64xf32, #tpu.memory_space<hbm>> -> memref<1x64xf32, #tpu.memory_space<hbm>>
      tpu.wait_dma2 semaphore(%arg16 : memref<!tpu.dma_semaphore, #tpu.memory_space<semaphore_mem>>) src(%dma_wait3A_469 : memref<1x64xf32, #tpu.memory_space<hbm>>) dst(%dma_wait3A_466 : memref<1x64xf32, #tpu.memory_space<vmem>>)
      %dma_wait3A_470 = arith.constant 0 : i32
      %dma_wait3A_471 = arith.constant 0 : i32
      %dma_wait3A_472 = tpu.memref_slice %arg12[%dma_wait3A_470, %dma_wait3A_471] : memref<128x64xf32, #tpu.memory_space<vmem>> -> memref<1x64xf32, #tpu.memory_space<vmem>>
      %dma_wait3A_473 = arith.constant 0 : i32
      %dma_wait3A_474 = arith.constant 0 : i32
      %dma_wait3A_475 = tpu.memref_slice %arg5[%dma_wait3A_473, %dma_wait3A_474] : memref<100000x64xf32, #tpu.memory_space<hbm>> -> memref<1x64xf32, #tpu.memory_space<hbm>>
      %dma_wait3A_476 = arith.constant 0 : i32
      %dma_wait3A_477 = arith.constant 0 : i32
      %dma_wait3A_478 = tpu.memref_slice %arg12[%dma_wait3A_476, %dma_wait3A_477] : memref<128x64xf32, #tpu.memory_space<vmem>> -> memref<1x64xf32, #tpu.memory_space<vmem>>
      %dma_wait3A_479 = arith.constant 0 : i32
      %dma_wait3A_480 = arith.constant 0 : i32
      %dma_wait3A_481 = tpu.memref_slice %arg5[%dma_wait3A_479, %dma_wait3A_480] : memref<100000x64xf32, #tpu.memory_space<hbm>> -> memref<1x64xf32, #tpu.memory_space<hbm>>
      tpu.wait_dma2 semaphore(%arg16 : memref<!tpu.dma_semaphore, #tpu.memory_space<semaphore_mem>>) src(%dma_wait3A_481 : memref<1x64xf32, #tpu.memory_space<hbm>>) dst(%dma_wait3A_478 : memref<1x64xf32, #tpu.memory_space<vmem>>)
      %dma_wait3A_482 = arith.constant 0 : i32
      %dma_wait3A_483 = arith.constant 0 : i32
      %dma_wait3A_484 = tpu.memref_slice %arg10[%dma_wait3A_482, %dma_wait3A_483] : memref<128x64xf32, #tpu.memory_space<vmem>> -> memref<1x64xf32, #tpu.memory_space<vmem>>
      %dma_wait3A_485 = arith.constant 0 : i32
      %dma_wait3A_486 = arith.constant 0 : i32
      %dma_wait3A_487 = tpu.memref_slice %arg5[%dma_wait3A_485, %dma_wait3A_486] : memref<100000x64xf32, #tpu.memory_space<hbm>> -> memref<1x64xf32, #tpu.memory_space<hbm>>
      %dma_wait3A_488 = arith.constant 0 : i32
      %dma_wait3A_489 = arith.constant 0 : i32
      %dma_wait3A_490 = tpu.memref_slice %arg10[%dma_wait3A_488, %dma_wait3A_489] : memref<128x64xf32, #tpu.memory_space<vmem>> -> memref<1x64xf32, #tpu.memory_space<vmem>>
      %dma_wait3A_491 = arith.constant 0 : i32
      %dma_wait3A_492 = arith.constant 0 : i32
      %dma_wait3A_493 = tpu.memref_slice %arg5[%dma_wait3A_491, %dma_wait3A_492] : memref<100000x64xf32, #tpu.memory_space<hbm>> -> memref<1x64xf32, #tpu.memory_space<hbm>>
      tpu.wait_dma2 semaphore(%arg16 : memref<!tpu.dma_semaphore, #tpu.memory_space<semaphore_mem>>) src(%dma_wait3A_493 : memref<1x64xf32, #tpu.memory_space<hbm>>) dst(%dma_wait3A_490 : memref<1x64xf32, #tpu.memory_space<vmem>>)
      %dma_wait3A_494 = arith.constant 0 : i32
      %dma_wait3A_495 = arith.constant 0 : i32
      %dma_wait3A_496 = tpu.memref_slice %arg11[%dma_wait3A_494, %dma_wait3A_495] : memref<128x64xf32, #tpu.memory_space<vmem>> -> memref<1x64xf32, #tpu.memory_space<vmem>>
      %dma_wait3A_497 = arith.constant 0 : i32
      %dma_wait3A_498 = arith.constant 0 : i32
      %dma_wait3A_499 = tpu.memref_slice %arg5[%dma_wait3A_497, %dma_wait3A_498] : memref<100000x64xf32, #tpu.memory_space<hbm>> -> memref<1x64xf32, #tpu.memory_space<hbm>>
      %dma_wait3A_500 = arith.constant 0 : i32
      %dma_wait3A_501 = arith.constant 0 : i32
      %dma_wait3A_502 = tpu.memref_slice %arg11[%dma_wait3A_500, %dma_wait3A_501] : memref<128x64xf32, #tpu.memory_space<vmem>> -> memref<1x64xf32, #tpu.memory_space<vmem>>
      %dma_wait3A_503 = arith.constant 0 : i32
      %dma_wait3A_504 = arith.constant 0 : i32
      %dma_wait3A_505 = tpu.memref_slice %arg5[%dma_wait3A_503, %dma_wait3A_504] : memref<100000x64xf32, #tpu.memory_space<hbm>> -> memref<1x64xf32, #tpu.memory_space<hbm>>
      tpu.wait_dma2 semaphore(%arg16 : memref<!tpu.dma_semaphore, #tpu.memory_space<semaphore_mem>>) src(%dma_wait3A_505 : memref<1x64xf32, #tpu.memory_space<hbm>>) dst(%dma_wait3A_502 : memref<1x64xf32, #tpu.memory_space<vmem>>)
      %dma_wait3A_506 = arith.constant 0 : i32
      %dma_wait3A_507 = arith.constant 0 : i32
      %dma_wait3A_508 = tpu.memref_slice %arg12[%dma_wait3A_506, %dma_wait3A_507] : memref<128x64xf32, #tpu.memory_space<vmem>> -> memref<1x64xf32, #tpu.memory_space<vmem>>
      %dma_wait3A_509 = arith.constant 0 : i32
      %dma_wait3A_510 = arith.constant 0 : i32
      %dma_wait3A_511 = tpu.memref_slice %arg5[%dma_wait3A_509, %dma_wait3A_510] : memref<100000x64xf32, #tpu.memory_space<hbm>> -> memref<1x64xf32, #tpu.memory_space<hbm>>
      %dma_wait3A_512 = arith.constant 0 : i32
      %dma_wait3A_513 = arith.constant 0 : i32
      %dma_wait3A_514 = tpu.memref_slice %arg12[%dma_wait3A_512, %dma_wait3A_513] : memref<128x64xf32, #tpu.memory_space<vmem>> -> memref<1x64xf32, #tpu.memory_space<vmem>>
      %dma_wait3A_515 = arith.constant 0 : i32
      %dma_wait3A_516 = arith.constant 0 : i32
      %dma_wait3A_517 = tpu.memref_slice %arg5[%dma_wait3A_515, %dma_wait3A_516] : memref<100000x64xf32, #tpu.memory_space<hbm>> -> memref<1x64xf32, #tpu.memory_space<hbm>>
      tpu.wait_dma2 semaphore(%arg16 : memref<!tpu.dma_semaphore, #tpu.memory_space<semaphore_mem>>) src(%dma_wait3A_517 : memref<1x64xf32, #tpu.memory_space<hbm>>) dst(%dma_wait3A_514 : memref<1x64xf32, #tpu.memory_space<vmem>>)
      %dma_wait3A_518 = arith.constant 0 : i32
      %dma_wait3A_519 = arith.constant 0 : i32
      %dma_wait3A_520 = tpu.memref_slice %arg10[%dma_wait3A_518, %dma_wait3A_519] : memref<128x64xf32, #tpu.memory_space<vmem>> -> memref<1x64xf32, #tpu.memory_space<vmem>>
      %dma_wait3A_521 = arith.constant 0 : i32
      %dma_wait3A_522 = arith.constant 0 : i32
      %dma_wait3A_523 = tpu.memref_slice %arg5[%dma_wait3A_521, %dma_wait3A_522] : memref<100000x64xf32, #tpu.memory_space<hbm>> -> memref<1x64xf32, #tpu.memory_space<hbm>>
      %dma_wait3A_524 = arith.constant 0 : i32
      %dma_wait3A_525 = arith.constant 0 : i32
      %dma_wait3A_526 = tpu.memref_slice %arg10[%dma_wait3A_524, %dma_wait3A_525] : memref<128x64xf32, #tpu.memory_space<vmem>> -> memref<1x64xf32, #tpu.memory_space<vmem>>
      %dma_wait3A_527 = arith.constant 0 : i32
      %dma_wait3A_528 = arith.constant 0 : i32
      %dma_wait3A_529 = tpu.memref_slice %arg5[%dma_wait3A_527, %dma_wait3A_528] : memref<100000x64xf32, #tpu.memory_space<hbm>> -> memref<1x64xf32, #tpu.memory_space<hbm>>
      tpu.wait_dma2 semaphore(%arg16 : memref<!tpu.dma_semaphore, #tpu.memory_space<semaphore_mem>>) src(%dma_wait3A_529 : memref<1x64xf32, #tpu.memory_space<hbm>>) dst(%dma_wait3A_526 : memref<1x64xf32, #tpu.memory_space<vmem>>)
      %dma_wait3A_530 = arith.constant 0 : i32
      %dma_wait3A_531 = arith.constant 0 : i32
      %dma_wait3A_532 = tpu.memref_slice %arg11[%dma_wait3A_530, %dma_wait3A_531] : memref<128x64xf32, #tpu.memory_space<vmem>> -> memref<1x64xf32, #tpu.memory_space<vmem>>
      %dma_wait3A_533 = arith.constant 0 : i32
      %dma_wait3A_534 = arith.constant 0 : i32
      %dma_wait3A_535 = tpu.memref_slice %arg5[%dma_wait3A_533, %dma_wait3A_534] : memref<100000x64xf32, #tpu.memory_space<hbm>> -> memref<1x64xf32, #tpu.memory_space<hbm>>
      %dma_wait3A_536 = arith.constant 0 : i32
      %dma_wait3A_537 = arith.constant 0 : i32
      %dma_wait3A_538 = tpu.memref_slice %arg11[%dma_wait3A_536, %dma_wait3A_537] : memref<128x64xf32, #tpu.memory_space<vmem>> -> memref<1x64xf32, #tpu.memory_space<vmem>>
      %dma_wait3A_539 = arith.constant 0 : i32
      %dma_wait3A_540 = arith.constant 0 : i32
      %dma_wait3A_541 = tpu.memref_slice %arg5[%dma_wait3A_539, %dma_wait3A_540] : memref<100000x64xf32, #tpu.memory_space<hbm>> -> memref<1x64xf32, #tpu.memory_space<hbm>>
      tpu.wait_dma2 semaphore(%arg16 : memref<!tpu.dma_semaphore, #tpu.memory_space<semaphore_mem>>) src(%dma_wait3A_541 : memref<1x64xf32, #tpu.memory_space<hbm>>) dst(%dma_wait3A_538 : memref<1x64xf32, #tpu.memory_space<vmem>>)
      %dma_wait3A_542 = arith.constant 0 : i32
      %dma_wait3A_543 = arith.constant 0 : i32
      %dma_wait3A_544 = tpu.memref_slice %arg12[%dma_wait3A_542, %dma_wait3A_543] : memref<128x64xf32, #tpu.memory_space<vmem>> -> memref<1x64xf32, #tpu.memory_space<vmem>>
      %dma_wait3A_545 = arith.constant 0 : i32
      %dma_wait3A_546 = arith.constant 0 : i32
      %dma_wait3A_547 = tpu.memref_slice %arg5[%dma_wait3A_545, %dma_wait3A_546] : memref<100000x64xf32, #tpu.memory_space<hbm>> -> memref<1x64xf32, #tpu.memory_space<hbm>>
      %dma_wait3A_548 = arith.constant 0 : i32
      %dma_wait3A_549 = arith.constant 0 : i32
      %dma_wait3A_550 = tpu.memref_slice %arg12[%dma_wait3A_548, %dma_wait3A_549] : memref<128x64xf32, #tpu.memory_space<vmem>> -> memref<1x64xf32, #tpu.memory_space<vmem>>
      %dma_wait3A_551 = arith.constant 0 : i32
      %dma_wait3A_552 = arith.constant 0 : i32
      %dma_wait3A_553 = tpu.memref_slice %arg5[%dma_wait3A_551, %dma_wait3A_552] : memref<100000x64xf32, #tpu.memory_space<hbm>> -> memref<1x64xf32, #tpu.memory_space<hbm>>
      tpu.wait_dma2 semaphore(%arg16 : memref<!tpu.dma_semaphore, #tpu.memory_space<semaphore_mem>>) src(%dma_wait3A_553 : memref<1x64xf32, #tpu.memory_space<hbm>>) dst(%dma_wait3A_550 : memref<1x64xf32, #tpu.memory_space<vmem>>)
      %dma_wait3A_554 = arith.constant 0 : i32
      %dma_wait3A_555 = arith.constant 0 : i32
      %dma_wait3A_556 = tpu.memref_slice %arg10[%dma_wait3A_554, %dma_wait3A_555] : memref<128x64xf32, #tpu.memory_space<vmem>> -> memref<1x64xf32, #tpu.memory_space<vmem>>
      %dma_wait3A_557 = arith.constant 0 : i32
      %dma_wait3A_558 = arith.constant 0 : i32
      %dma_wait3A_559 = tpu.memref_slice %arg5[%dma_wait3A_557, %dma_wait3A_558] : memref<100000x64xf32, #tpu.memory_space<hbm>> -> memref<1x64xf32, #tpu.memory_space<hbm>>
      %dma_wait3A_560 = arith.constant 0 : i32
      %dma_wait3A_561 = arith.constant 0 : i32
      %dma_wait3A_562 = tpu.memref_slice %arg10[%dma_wait3A_560, %dma_wait3A_561] : memref<128x64xf32, #tpu.memory_space<vmem>> -> memref<1x64xf32, #tpu.memory_space<vmem>>
      %dma_wait3A_563 = arith.constant 0 : i32
      %dma_wait3A_564 = arith.constant 0 : i32
      %dma_wait3A_565 = tpu.memref_slice %arg5[%dma_wait3A_563, %dma_wait3A_564] : memref<100000x64xf32, #tpu.memory_space<hbm>> -> memref<1x64xf32, #tpu.memory_space<hbm>>
      tpu.wait_dma2 semaphore(%arg16 : memref<!tpu.dma_semaphore, #tpu.memory_space<semaphore_mem>>) src(%dma_wait3A_565 : memref<1x64xf32, #tpu.memory_space<hbm>>) dst(%dma_wait3A_562 : memref<1x64xf32, #tpu.memory_space<vmem>>)
      %dma_wait3A_566 = arith.constant 0 : i32
      %dma_wait3A_567 = arith.constant 0 : i32
      %dma_wait3A_568 = tpu.memref_slice %arg11[%dma_wait3A_566, %dma_wait3A_567] : memref<128x64xf32, #tpu.memory_space<vmem>> -> memref<1x64xf32, #tpu.memory_space<vmem>>
      %dma_wait3A_569 = arith.constant 0 : i32
      %dma_wait3A_570 = arith.constant 0 : i32
      %dma_wait3A_571 = tpu.memref_slice %arg5[%dma_wait3A_569, %dma_wait3A_570] : memref<100000x64xf32, #tpu.memory_space<hbm>> -> memref<1x64xf32, #tpu.memory_space<hbm>>
      %dma_wait3A_572 = arith.constant 0 : i32
      %dma_wait3A_573 = arith.constant 0 : i32
      %dma_wait3A_574 = tpu.memref_slice %arg11[%dma_wait3A_572, %dma_wait3A_573] : memref<128x64xf32, #tpu.memory_space<vmem>> -> memref<1x64xf32, #tpu.memory_space<vmem>>
      %dma_wait3A_575 = arith.constant 0 : i32
      %dma_wait3A_576 = arith.constant 0 : i32
      %dma_wait3A_577 = tpu.memref_slice %arg5[%dma_wait3A_575, %dma_wait3A_576] : memref<100000x64xf32, #tpu.memory_space<hbm>> -> memref<1x64xf32, #tpu.memory_space<hbm>>
      tpu.wait_dma2 semaphore(%arg16 : memref<!tpu.dma_semaphore, #tpu.memory_space<semaphore_mem>>) src(%dma_wait3A_577 : memref<1x64xf32, #tpu.memory_space<hbm>>) dst(%dma_wait3A_574 : memref<1x64xf32, #tpu.memory_space<vmem>>)
      %dma_wait3A_578 = arith.constant 0 : i32
      %dma_wait3A_579 = arith.constant 0 : i32
      %dma_wait3A_580 = tpu.memref_slice %arg12[%dma_wait3A_578, %dma_wait3A_579] : memref<128x64xf32, #tpu.memory_space<vmem>> -> memref<1x64xf32, #tpu.memory_space<vmem>>
      %dma_wait3A_581 = arith.constant 0 : i32
      %dma_wait3A_582 = arith.constant 0 : i32
      %dma_wait3A_583 = tpu.memref_slice %arg5[%dma_wait3A_581, %dma_wait3A_582] : memref<100000x64xf32, #tpu.memory_space<hbm>> -> memref<1x64xf32, #tpu.memory_space<hbm>>
      %dma_wait3A_584 = arith.constant 0 : i32
      %dma_wait3A_585 = arith.constant 0 : i32
      %dma_wait3A_586 = tpu.memref_slice %arg12[%dma_wait3A_584, %dma_wait3A_585] : memref<128x64xf32, #tpu.memory_space<vmem>> -> memref<1x64xf32, #tpu.memory_space<vmem>>
      %dma_wait3A_587 = arith.constant 0 : i32
      %dma_wait3A_588 = arith.constant 0 : i32
      %dma_wait3A_589 = tpu.memref_slice %arg5[%dma_wait3A_587, %dma_wait3A_588] : memref<100000x64xf32, #tpu.memory_space<hbm>> -> memref<1x64xf32, #tpu.memory_space<hbm>>
      tpu.wait_dma2 semaphore(%arg16 : memref<!tpu.dma_semaphore, #tpu.memory_space<semaphore_mem>>) src(%dma_wait3A_589 : memref<1x64xf32, #tpu.memory_space<hbm>>) dst(%dma_wait3A_586 : memref<1x64xf32, #tpu.memory_space<vmem>>)
    }
    %scan3A_13 = arith.constant 2 : i32
    "tpu.region"() ({
      %run_scoped3A = tpu.sem_alloc : memref<!tpu.dma_semaphore, #tpu.memory_space<semaphore_mem>>
      %dma_start3A = arith.constant 0 : i32
      %dma_start3A_14 = tpu.memref_slice %arg7[%mul3A_2, %dma_start3A] : memref<4096x64xf32, #tpu.memory_space<hbm>> -> memref<128x64xf32, #tpu.memory_space<hbm>>
      %dma_start3A_15 = arith.constant 0 : i32
      %dma_start3A_16 = tpu.memref_slice %arg7[%mul3A_2, %dma_start3A_15] : memref<4096x64xf32, #tpu.memory_space<hbm>> -> memref<128x64xf32, #tpu.memory_space<hbm>>
      tpu.enqueue_dma source(%arg10 : memref<128x64xf32, #tpu.memory_space<vmem>>) target(%dma_start3A_16 : memref<128x64xf32, #tpu.memory_space<hbm>>) target_semaphore(%run_scoped3A : memref<!tpu.dma_semaphore, #tpu.memory_space<semaphore_mem>>)
      %dma_wait3A = arith.constant 0 : i32
      %dma_wait3A_17 = tpu.memref_slice %arg7[%mul3A_2, %dma_wait3A] : memref<4096x64xf32, #tpu.memory_space<hbm>> -> memref<128x64xf32, #tpu.memory_space<hbm>>
      %dma_wait3A_18 = arith.constant 0 : i32
      %dma_wait3A_19 = tpu.memref_slice %arg7[%mul3A_2, %dma_wait3A_18] : memref<4096x64xf32, #tpu.memory_space<hbm>> -> memref<128x64xf32, #tpu.memory_space<hbm>>
      tpu.wait_dma2 semaphore(%run_scoped3A : memref<!tpu.dma_semaphore, #tpu.memory_space<semaphore_mem>>) src(%arg10 : memref<128x64xf32, #tpu.memory_space<vmem>>) dst(%dma_wait3A_19 : memref<128x64xf32, #tpu.memory_space<hbm>>)
      tpu.yield
    }) : () -> ()
    "tpu.region"() ({
      %run_scoped3A = tpu.sem_alloc : memref<!tpu.dma_semaphore, #tpu.memory_space<semaphore_mem>>
      %dma_start3A = arith.constant 0 : i32
      %dma_start3A_14 = tpu.memref_slice %arg8[%mul3A_2, %dma_start3A] : memref<4096x64xf32, #tpu.memory_space<hbm>> -> memref<128x64xf32, #tpu.memory_space<hbm>>
      %dma_start3A_15 = arith.constant 0 : i32
      %dma_start3A_16 = tpu.memref_slice %arg8[%mul3A_2, %dma_start3A_15] : memref<4096x64xf32, #tpu.memory_space<hbm>> -> memref<128x64xf32, #tpu.memory_space<hbm>>
      tpu.enqueue_dma source(%arg11 : memref<128x64xf32, #tpu.memory_space<vmem>>) target(%dma_start3A_16 : memref<128x64xf32, #tpu.memory_space<hbm>>) target_semaphore(%run_scoped3A : memref<!tpu.dma_semaphore, #tpu.memory_space<semaphore_mem>>)
      %dma_wait3A = arith.constant 0 : i32
      %dma_wait3A_17 = tpu.memref_slice %arg8[%mul3A_2, %dma_wait3A] : memref<4096x64xf32, #tpu.memory_space<hbm>> -> memref<128x64xf32, #tpu.memory_space<hbm>>
      %dma_wait3A_18 = arith.constant 0 : i32
      %dma_wait3A_19 = tpu.memref_slice %arg8[%mul3A_2, %dma_wait3A_18] : memref<4096x64xf32, #tpu.memory_space<hbm>> -> memref<128x64xf32, #tpu.memory_space<hbm>>
      tpu.wait_dma2 semaphore(%run_scoped3A : memref<!tpu.dma_semaphore, #tpu.memory_space<semaphore_mem>>) src(%arg11 : memref<128x64xf32, #tpu.memory_space<vmem>>) dst(%dma_wait3A_19 : memref<128x64xf32, #tpu.memory_space<hbm>>)
      tpu.yield
    }) : () -> ()
    "tpu.region"() ({
      %run_scoped3A = tpu.sem_alloc : memref<!tpu.dma_semaphore, #tpu.memory_space<semaphore_mem>>
      %dma_start3A = arith.constant 0 : i32
      %dma_start3A_14 = tpu.memref_slice %arg9[%mul3A_2, %dma_start3A] : memref<4096x64xf32, #tpu.memory_space<hbm>> -> memref<128x64xf32, #tpu.memory_space<hbm>>
      %dma_start3A_15 = arith.constant 0 : i32
      %dma_start3A_16 = tpu.memref_slice %arg9[%mul3A_2, %dma_start3A_15] : memref<4096x64xf32, #tpu.memory_space<hbm>> -> memref<128x64xf32, #tpu.memory_space<hbm>>
      tpu.enqueue_dma source(%arg12 : memref<128x64xf32, #tpu.memory_space<vmem>>) target(%dma_start3A_16 : memref<128x64xf32, #tpu.memory_space<hbm>>) target_semaphore(%run_scoped3A : memref<!tpu.dma_semaphore, #tpu.memory_space<semaphore_mem>>)
      %dma_wait3A = arith.constant 0 : i32
      %dma_wait3A_17 = tpu.memref_slice %arg9[%mul3A_2, %dma_wait3A] : memref<4096x64xf32, #tpu.memory_space<hbm>> -> memref<128x64xf32, #tpu.memory_space<hbm>>
      %dma_wait3A_18 = arith.constant 0 : i32
      %dma_wait3A_19 = tpu.memref_slice %arg9[%mul3A_2, %dma_wait3A_18] : memref<4096x64xf32, #tpu.memory_space<hbm>> -> memref<128x64xf32, #tpu.memory_space<hbm>>
      tpu.wait_dma2 semaphore(%run_scoped3A : memref<!tpu.dma_semaphore, #tpu.memory_space<semaphore_mem>>) src(%arg12 : memref<128x64xf32, #tpu.memory_space<vmem>>) dst(%dma_wait3A_19 : memref<128x64xf32, #tpu.memory_space<hbm>>)
      tpu.yield
    }) : () -> ()
    return
  }
}

module attributes {stable_mosaic.version = 14 : i64} {
  func.func @body(%arg0: i32, %arg1: memref<1000x1024xf32, #tpu.memory_space<vmem>>, %arg2: memref<1000x1024xf32, #tpu.memory_space<vmem>>, %arg3: memref<1024x64xf32, #tpu.memory_space<vmem>>, %arg4: memref<1024x64xf32, #tpu.memory_space<vmem>>, %arg5: memref<1024x64xf32, #tpu.memory_space<vmem>>, %arg6: memref<64x1000xf32, #tpu.memory_space<vmem>>, %arg7: memref<64x1xf32, #tpu.memory_space<vmem>>, %arg8: memref<64x64xf32, #tpu.memory_space<vmem>>, %arg9: memref<64x1xf32, #tpu.memory_space<vmem>>, %arg10: memref<64x64xf32, #tpu.memory_space<vmem>>, %arg11: memref<64x1xf32, #tpu.memory_space<vmem>>, %arg12: memref<64x64xf32, #tpu.memory_space<vmem>>, %arg13: memref<64x1xf32, #tpu.memory_space<vmem>>, %arg14: memref<1000x64xf32, #tpu.memory_space<vmem>>, %arg15: memref<1000x1xf32, #tpu.memory_space<vmem>>, %arg16: memref<1x1024xf32, #tpu.memory_space<vmem>>, %arg17: memref<1x1024xf32, #tpu.memory_space<vmem>>, %arg18: memref<1000x1024xf32, #tpu.memory_space<vmem>>, %arg19: memref<1x1xf32, #tpu.memory_space<vmem>>, %arg20: memref<1x1xf32, #tpu.memory_space<vmem>>) attributes {dimension_semantics = [#tpu.dimension_semantics<arbitrary>], iteration_bounds = array<i64: 4>, scalar_prefetch = 0 : i64, scratch_operands = 0 : i64, tpu.core_type = #tpu.core_type<tc>, window_params = [{transform_indices = @transform_0, window_bounds = array<i64: 1000, 1024>}, {transform_indices = @transform_1, window_bounds = array<i64: 1000, 1024>}, {transform_indices = @transform_2, window_bounds = array<i64: 1024, 64>}, {transform_indices = @transform_3, window_bounds = array<i64: 1024, 64>}, {transform_indices = @transform_4, window_bounds = array<i64: 1024, 64>}, {pipeline_mode = #tpu.pipeline_mode<synchronous>, transform_indices = @transform_5, window_bounds = array<i64: 64, 1000>}, {pipeline_mode = #tpu.pipeline_mode<synchronous>, transform_indices = @transform_6, window_bounds = array<i64: 64, 1>}, {pipeline_mode = #tpu.pipeline_mode<synchronous>, transform_indices = @transform_7, window_bounds = array<i64: 64, 64>}, {pipeline_mode = #tpu.pipeline_mode<synchronous>, transform_indices = @transform_8, window_bounds = array<i64: 64, 1>}, {pipeline_mode = #tpu.pipeline_mode<synchronous>, transform_indices = @transform_9, window_bounds = array<i64: 64, 64>}, {pipeline_mode = #tpu.pipeline_mode<synchronous>, transform_indices = @transform_10, window_bounds = array<i64: 64, 1>}, {pipeline_mode = #tpu.pipeline_mode<synchronous>, transform_indices = @transform_11, window_bounds = array<i64: 64, 64>}, {pipeline_mode = #tpu.pipeline_mode<synchronous>, transform_indices = @transform_12, window_bounds = array<i64: 64, 1>}, {pipeline_mode = #tpu.pipeline_mode<synchronous>, transform_indices = @transform_13, window_bounds = array<i64: 1000, 64>}, {pipeline_mode = #tpu.pipeline_mode<synchronous>, transform_indices = @transform_14, window_bounds = array<i64: 1000, 1>}, {transform_indices = @transform_15, window_bounds = array<i64: 1, 1024>}, {transform_indices = @transform_16, window_bounds = array<i64: 1, 1024>}, {transform_indices = @transform_17, window_bounds = array<i64: 1000, 1024>}, {pipeline_mode = #tpu.pipeline_mode<synchronous>, transform_indices = @transform_18, window_bounds = array<i64: 1, 1>}, {pipeline_mode = #tpu.pipeline_mode<synchronous>, transform_indices = @transform_19, window_bounds = array<i64: 1, 1>}]} {
    %get3A = arith.constant 0 : index
    %get3A_0 = arith.constant 0 : index
    %get3A_1 = vector.load %arg6[%get3A, %get3A_0] : memref<64x1000xf32, #tpu.memory_space<vmem>>, vector<64x1000xf32>
    %get3A_2 = arith.constant 0 : index
    %get3A_3 = arith.constant 0 : index
    %get3A_4 = vector.load %arg1[%get3A_2, %get3A_3] : memref<1000x1024xf32, #tpu.memory_space<vmem>>, vector<1000x1024xf32>
    %dot_general3A = arith.constant dense<0.000000e+00> : vector<64x1024xf32>
    %dot_general3A_5 = tpu.matmul %get3A_1, %get3A_4, %dot_general3A {dimension_numbers = #tpu.dot_dimension_numbers<[1], [0], [0], [1], [0, 0, 1, 1], [], []>, transpose_lhs_hint = false} : vector<64x1000xf32>, vector<1000x1024xf32>, vector<64x1024xf32> -> vector<64x1024xf32>
    %get3A_6 = arith.constant 0 : index
    %get3A_7 = arith.constant 0 : index
    %get3A_8 = vector.load %arg7[%get3A_6, %get3A_7] : memref<64x1xf32, #tpu.memory_space<vmem>>, vector<64x1xf32>
    %add3A = vector.broadcast %get3A_8 : vector<64x1xf32> to vector<64x1024xf32>
    %add3A_9 = arith.addf %dot_general3A_5, %add3A : vector<64x1024xf32>
    %get3A_10 = arith.constant 0 : index
    %get3A_11 = arith.constant 0 : index
    %get3A_12 = vector.load %arg8[%get3A_10, %get3A_11] : memref<64x64xf32, #tpu.memory_space<vmem>>, vector<64x64xf32>
    %dot_general3A_13 = arith.constant dense<0.000000e+00> : vector<64x1024xf32>
    %dot_general3A_14 = tpu.matmul %get3A_12, %add3A_9, %dot_general3A_13 {dimension_numbers = #tpu.dot_dimension_numbers<[1], [0], [0], [1], [0, 0, 1, 1], [], []>, transpose_lhs_hint = false} : vector<64x64xf32>, vector<64x1024xf32>, vector<64x1024xf32> -> vector<64x1024xf32>
    %get3A_15 = arith.constant 0 : index
    %get3A_16 = arith.constant 0 : index
    %get3A_17 = vector.load %arg9[%get3A_15, %get3A_16] : memref<64x1xf32, #tpu.memory_space<vmem>>, vector<64x1xf32>
    %add3A_18 = vector.broadcast %get3A_17 : vector<64x1xf32> to vector<64x1024xf32>
    %add3A_19 = arith.addf %dot_general3A_14, %add3A_18 : vector<64x1024xf32>
    %max3A = arith.constant 0.000000e+00 : f32
    %max3A_20 = vector.broadcast %max3A : f32 to vector<64x1024xf32>
    %max3A_21 = arith.maximumf %add3A_19, %max3A_20 : vector<64x1024xf32>
    %get3A_22 = arith.constant 0 : index
    %get3A_23 = arith.constant 0 : index
    %get3A_24 = vector.load %arg10[%get3A_22, %get3A_23] : memref<64x64xf32, #tpu.memory_space<vmem>>, vector<64x64xf32>
    %dot_general3A_25 = arith.constant dense<0.000000e+00> : vector<64x1024xf32>
    %dot_general3A_26 = tpu.matmul %get3A_24, %max3A_21, %dot_general3A_25 {dimension_numbers = #tpu.dot_dimension_numbers<[1], [0], [0], [1], [0, 0, 1, 1], [], []>, transpose_lhs_hint = false} : vector<64x64xf32>, vector<64x1024xf32>, vector<64x1024xf32> -> vector<64x1024xf32>
    %get3A_27 = arith.constant 0 : index
    %get3A_28 = arith.constant 0 : index
    %get3A_29 = vector.load %arg11[%get3A_27, %get3A_28] : memref<64x1xf32, #tpu.memory_space<vmem>>, vector<64x1xf32>
    %add3A_30 = vector.broadcast %get3A_29 : vector<64x1xf32> to vector<64x1024xf32>
    %add3A_31 = arith.addf %dot_general3A_26, %add3A_30 : vector<64x1024xf32>
    %max3A_32 = arith.constant 0.000000e+00 : f32
    %max3A_33 = vector.broadcast %max3A_32 : f32 to vector<64x1024xf32>
    %max3A_34 = arith.maximumf %add3A_31, %max3A_33 : vector<64x1024xf32>
    %get3A_35 = arith.constant 0 : index
    %get3A_36 = arith.constant 0 : index
    %get3A_37 = vector.load %arg3[%get3A_35, %get3A_36] : memref<1024x64xf32, #tpu.memory_space<vmem>>, vector<1024x64xf32>
    %transpose3A = tpu.transpose %get3A_37, [1, 0] : vector<1024x64xf32> -> vector<64x1024xf32>
    %get3A_38 = arith.constant 0 : index
    %get3A_39 = arith.constant 0 : index
    %get3A_40 = vector.load %arg4[%get3A_38, %get3A_39] : memref<1024x64xf32, #tpu.memory_space<vmem>>, vector<1024x64xf32>
    %transpose3A_41 = tpu.transpose %get3A_40, [1, 0] : vector<1024x64xf32> -> vector<64x1024xf32>
    %get3A_42 = arith.constant 0 : index
    %get3A_43 = arith.constant 0 : index
    %get3A_44 = vector.load %arg5[%get3A_42, %get3A_43] : memref<1024x64xf32, #tpu.memory_space<vmem>>, vector<1024x64xf32>
    %transpose3A_45 = tpu.transpose %get3A_44, [1, 0] : vector<1024x64xf32> -> vector<64x1024xf32>
    %add3A_46 = arith.addf %max3A_34, %transpose3A : vector<64x1024xf32>
    %mul3A = arith.mulf %add3A_46, %transpose3A_41 : vector<64x1024xf32>
    %reduce_sum3A = arith.constant dense<0.000000e+00> : vector<1024xf32>
    %reduce_sum3A_47 = vector.multi_reduction <add>, %mul3A, %reduce_sum3A [0] : vector<64x1024xf32> to vector<1024xf32>
    %broadcast_in_dim3A = vector.shape_cast %reduce_sum3A_47 : vector<1024xf32> to vector<1x1024xf32>
    %mul3A_48 = arith.mulf %add3A_46, %transpose3A_45 : vector<64x1024xf32>
    %reduce_sum3A_49 = arith.constant dense<0.000000e+00> : vector<1024xf32>
    %reduce_sum3A_50 = vector.multi_reduction <add>, %mul3A_48, %reduce_sum3A_49 [0] : vector<64x1024xf32> to vector<1024xf32>
    %broadcast_in_dim3A_51 = vector.shape_cast %reduce_sum3A_50 : vector<1024xf32> to vector<1x1024xf32>
    %swap3A = arith.constant 0 : index
    %swap3A_52 = arith.constant 0 : index
    %swap3A_53 = vector.load %arg16[%swap3A, %swap3A_52] : memref<1x1024xf32, #tpu.memory_space<vmem>>, vector<1x1024xf32>
    tpu.vector_store %arg16[%swap3A, %swap3A_52], %broadcast_in_dim3A {strides = array<i32>} : memref<1x1024xf32, #tpu.memory_space<vmem>>, vector<1x1024xf32>,
    %swap3A_54 = arith.constant 0 : index
    %swap3A_55 = arith.constant 0 : index
    %swap3A_56 = vector.load %arg17[%swap3A_54, %swap3A_55] : memref<1x1024xf32, #tpu.memory_space<vmem>>, vector<1x1024xf32>
    tpu.vector_store %arg17[%swap3A_54, %swap3A_55], %broadcast_in_dim3A_51 {strides = array<i32>} : memref<1x1024xf32, #tpu.memory_space<vmem>>, vector<1x1024xf32>,
    %get3A_57 = arith.constant 0 : index
    %get3A_58 = arith.constant 0 : index
    %get3A_59 = vector.load %arg12[%get3A_57, %get3A_58] : memref<64x64xf32, #tpu.memory_space<vmem>>, vector<64x64xf32>
    %add3A_60 = arith.addf %add3A_46, %transpose3A_41 : vector<64x1024xf32>
    %dot_general3A_61 = arith.constant dense<0.000000e+00> : vector<64x1024xf32>
    %dot_general3A_62 = tpu.matmul %get3A_59, %add3A_60, %dot_general3A_61 {dimension_numbers = #tpu.dot_dimension_numbers<[1], [0], [0], [1], [0, 0, 1, 1], [], []>, transpose_lhs_hint = false} : vector<64x64xf32>, vector<64x1024xf32>, vector<64x1024xf32> -> vector<64x1024xf32>
    %get3A_63 = arith.constant 0 : index
    %get3A_64 = arith.constant 0 : index
    %get3A_65 = vector.load %arg13[%get3A_63, %get3A_64] : memref<64x1xf32, #tpu.memory_space<vmem>>, vector<64x1xf32>
    %add3A_66 = vector.broadcast %get3A_65 : vector<64x1xf32> to vector<64x1024xf32>
    %add3A_67 = arith.addf %dot_general3A_62, %add3A_66 : vector<64x1024xf32>
    %max3A_68 = arith.constant 0.000000e+00 : f32
    %max3A_69 = vector.broadcast %max3A_68 : f32 to vector<64x1024xf32>
    %max3A_70 = arith.maximumf %add3A_67, %max3A_69 : vector<64x1024xf32>
    %get3A_71 = arith.constant 0 : index
    %get3A_72 = arith.constant 0 : index
    %get3A_73 = vector.load %arg14[%get3A_71, %get3A_72] : memref<1000x64xf32, #tpu.memory_space<vmem>>, vector<1000x64xf32>
    %dot_general3A_74 = arith.constant dense<0.000000e+00> : vector<1000x1024xf32>
    %dot_general3A_75 = tpu.matmul %get3A_73, %max3A_70, %dot_general3A_74 {dimension_numbers = #tpu.dot_dimension_numbers<[1], [0], [0], [1], [0, 0, 1, 1], [], []>, transpose_lhs_hint = false} : vector<1000x64xf32>, vector<64x1024xf32>, vector<1000x1024xf32> -> vector<1000x1024xf32>
    %get3A_76 = arith.constant 0 : index
    %get3A_77 = arith.constant 0 : index
    %get3A_78 = vector.load %arg15[%get3A_76, %get3A_77] : memref<1000x1xf32, #tpu.memory_space<vmem>>, vector<1000x1xf32>
    %add3A_79 = vector.broadcast %get3A_78 : vector<1000x1xf32> to vector<1000x1024xf32>
    %add3A_80 = arith.addf %dot_general3A_75, %add3A_79 : vector<1000x1024xf32>
    %swap3A_81 = arith.constant 0 : index
    %swap3A_82 = arith.constant 0 : index
    %swap3A_83 = vector.load %arg18[%swap3A_81, %swap3A_82] : memref<1000x1024xf32, #tpu.memory_space<vmem>>, vector<1000x1024xf32>
    tpu.vector_store %arg18[%swap3A_81, %swap3A_82], %add3A_80 {strides = array<i32>} : memref<1000x1024xf32, #tpu.memory_space<vmem>>, vector<1000x1024xf32>,
    %get3A_84 = arith.constant 0 : index
    %get3A_85 = arith.constant 0 : index
    %get3A_86 = vector.load %arg2[%get3A_84, %get3A_85] : memref<1000x1024xf32, #tpu.memory_space<vmem>>, vector<1000x1024xf32>
    %max3A_87 = arith.constant 0.000000e+00 : f32
    %max3A_88 = vector.broadcast %max3A_87 : f32 to vector<1000x1024xf32>
    %max3A_89 = arith.maximumf %add3A_80, %max3A_88 : vector<1000x1024xf32>
    %mul3A_90 = arith.mulf %add3A_80, %get3A_86 : vector<1000x1024xf32>
    %sub3A = arith.subf %max3A_89, %mul3A_90 : vector<1000x1024xf32>
    %abs3A = math.absf %add3A_80 : vector<1000x1024xf32>
    %neg3A = arith.constant 0.000000e+00 : f32
    %neg3A_91 = vector.broadcast %neg3A : f32 to vector<1000x1024xf32>
    %neg3A_92 = arith.subf %neg3A_91, %abs3A : vector<1000x1024xf32>
    %exp3A = math.exp %neg3A_92 : vector<1000x1024xf32>
    %log1p3A = math.log1p %exp3A : vector<1000x1024xf32>
    %add3A_93 = arith.addf %sub3A, %log1p3A : vector<1000x1024xf32>
    %sub3A_94 = arith.subf %broadcast_in_dim3A, %broadcast_in_dim3A_51 : vector<1x1024xf32>
    %min3A = arith.constant 0.000000e+00 : f32
    %min3A_95 = vector.broadcast %min3A : f32 to vector<1x1024xf32>
    %min3A_96 = arith.minimumf %sub3A_94, %min3A_95 : vector<1x1024xf32>
    %abs3A_97 = math.absf %sub3A_94 : vector<1x1024xf32>
    %neg3A_98 = arith.constant 0.000000e+00 : f32
    %neg3A_99 = vector.broadcast %neg3A_98 : f32 to vector<1x1024xf32>
    %neg3A_100 = arith.subf %neg3A_99, %abs3A_97 : vector<1x1024xf32>
    %exp3A_101 = math.exp %neg3A_100 : vector<1x1024xf32>
    %log1p3A_102 = math.log1p %exp3A_101 : vector<1x1024xf32>
    %sub3A_103 = arith.subf %min3A_96, %log1p3A_102 : vector<1x1024xf32>
    %eq3A = arith.constant 0 : i32
    %eq3A_104 = arith.cmpi eq, %arg0, %eq3A : i32
    %convert_element_type3A = arith.extui %eq3A_104 : i1 to i32
    %cond3A = arith.constant 0 : i32
    %cond3A_105 = arith.cmpi ne, %convert_element_type3A, %cond3A : i32
    scf.if %cond3A_105 {
      %broadcast_in_dim3A_139 = arith.constant 0.000000e+00 : f32
      %broadcast_in_dim3A_140 = vector.broadcast %broadcast_in_dim3A_139 : f32 to vector<1x1xf32>
      %swap3A_141 = arith.constant 0 : index
      %swap3A_142 = arith.constant 0 : index
      %swap3A_143 = vector.load %arg19[%swap3A_141, %swap3A_142] : memref<1x1xf32, #tpu.memory_space<vmem>>, vector<1x1xf32>
      tpu.vector_store %arg19[%swap3A_141, %swap3A_142], %broadcast_in_dim3A_140 {strides = array<i32>} : memref<1x1xf32, #tpu.memory_space<vmem>>, vector<1x1xf32>,
      %broadcast_in_dim3A_144 = arith.constant 0.000000e+00 : f32
      %broadcast_in_dim3A_145 = vector.broadcast %broadcast_in_dim3A_144 : f32 to vector<1x1xf32>
      %swap3A_146 = arith.constant 0 : index
      %swap3A_147 = arith.constant 0 : index
      %swap3A_148 = vector.load %arg20[%swap3A_146, %swap3A_147] : memref<1x1xf32, #tpu.memory_space<vmem>>, vector<1x1xf32>
      tpu.vector_store %arg20[%swap3A_146, %swap3A_147], %broadcast_in_dim3A_145 {strides = array<i32>} : memref<1x1xf32, #tpu.memory_space<vmem>>, vector<1x1xf32>,
    } else {
    }
    %get3A_106 = arith.constant 0 : index
    %get3A_107 = arith.constant 0 : index
    %get3A_108 = vector.load %arg19[%get3A_106, %get3A_107] : memref<1x1xf32, #tpu.memory_space<vmem>>, vector<1x1xf32>
    %reduce_sum3A_109 = vector.shape_cast %sub3A_103 : vector<1x1024xf32> to vector<1x1x1024xf32>
    %reduce_sum3A_110 = arith.constant dense<0.000000e+00> : vector<1xf32>
    %reduce_sum3A_111 = vector.multi_reduction <add>, %reduce_sum3A_109, %reduce_sum3A_110 [1, 2] : vector<1x1x1024xf32> to vector<1xf32>
    %reduce_sum3A_112 = vector.shape_cast %reduce_sum3A_111 : vector<1xf32> to vector<1x1x1xf32>
    %reduce_sum3A_113 = vector.extract %reduce_sum3A_112[0, 0, 0] : f32 from vector<1x1x1xf32>
    %neg3A_114 = arith.constant 0.000000e+00 : f32
    %neg3A_115 = arith.subf %neg3A_114, %reduce_sum3A_113 : f32
    %add3A_116 = vector.broadcast %neg3A_115 : f32 to vector<1x1xf32>
    %add3A_117 = arith.addf %get3A_108, %add3A_116 : vector<1x1xf32>
    %swap3A_118 = arith.constant 0 : index
    %swap3A_119 = arith.constant 0 : index
    %swap3A_120 = vector.load %arg19[%swap3A_118, %swap3A_119] : memref<1x1xf32, #tpu.memory_space<vmem>>, vector<1x1xf32>
    tpu.vector_store %arg19[%swap3A_118, %swap3A_119], %add3A_117 {strides = array<i32>} : memref<1x1xf32, #tpu.memory_space<vmem>>, vector<1x1xf32>,
    %get3A_121 = arith.constant 0 : index
    %get3A_122 = arith.constant 0 : index
    %get3A_123 = vector.load %arg20[%get3A_121, %get3A_122] : memref<1x1xf32, #tpu.memory_space<vmem>>, vector<1x1xf32>
    %reduce_sum3A_124 = vector.shape_cast %add3A_93 : vector<1000x1024xf32> to vector<1x1000x1024xf32>
    %reduce_sum3A_125 = arith.constant dense<0.000000e+00> : vector<1xf32>
    %reduce_sum3A_126 = vector.multi_reduction <add>, %reduce_sum3A_124, %reduce_sum3A_125 [1, 2] : vector<1x1000x1024xf32> to vector<1xf32>
    %reduce_sum3A_127 = vector.shape_cast %reduce_sum3A_126 : vector<1xf32> to vector<1x1x1xf32>
    %reduce_sum3A_128 = vector.extract %reduce_sum3A_127[0, 0, 0] : f32 from vector<1x1x1xf32>
    %add3A_129 = vector.broadcast %reduce_sum3A_128 : f32 to vector<1x1xf32>
    %add3A_130 = arith.addf %get3A_123, %add3A_129 : vector<1x1xf32>
    %swap3A_131 = arith.constant 0 : index
    %swap3A_132 = arith.constant 0 : index
    %swap3A_133 = vector.load %arg20[%swap3A_131, %swap3A_132] : memref<1x1xf32, #tpu.memory_space<vmem>>, vector<1x1xf32>
    tpu.vector_store %arg20[%swap3A_131, %swap3A_132], %add3A_130 {strides = array<i32>} : memref<1x1xf32, #tpu.memory_space<vmem>>, vector<1x1xf32>,
    %eq3A_134 = arith.constant 3 : i32
    %eq3A_135 = arith.cmpi eq, %arg0, %eq3A_134 : i32
    %convert_element_type3A_136 = arith.extui %eq3A_135 : i1 to i32
    %cond3A_137 = arith.constant 0 : i32
    %cond3A_138 = arith.cmpi ne, %convert_element_type3A_136, %cond3A_137 : i32
    scf.if %cond3A_138 {
      %get3A_139 = arith.constant 0 : index
      %get3A_140 = arith.constant 0 : index
      %get3A_141 = vector.load %arg19[%get3A_139, %get3A_140] : memref<1x1xf32, #tpu.memory_space<vmem>>, vector<1x1xf32>
      %mul3A_142 = arith.constant 2.44140625E-4 : f32
      %mul3A_143 = vector.broadcast %mul3A_142 : f32 to vector<1x1xf32>
      %mul3A_144 = arith.mulf %get3A_141, %mul3A_143 : vector<1x1xf32>
      %swap3A_145 = arith.constant 0 : index
      %swap3A_146 = arith.constant 0 : index
      %swap3A_147 = vector.load %arg19[%swap3A_145, %swap3A_146] : memref<1x1xf32, #tpu.memory_space<vmem>>, vector<1x1xf32>
      tpu.vector_store %arg19[%swap3A_145, %swap3A_146], %mul3A_144 {strides = array<i32>} : memref<1x1xf32, #tpu.memory_space<vmem>>, vector<1x1xf32>,
      %get3A_148 = arith.constant 0 : index
      %get3A_149 = arith.constant 0 : index
      %get3A_150 = vector.load %arg20[%get3A_148, %get3A_149] : memref<1x1xf32, #tpu.memory_space<vmem>>, vector<1x1xf32>
      %mul3A_151 = arith.constant 2.44140637E-7 : f32
      %mul3A_152 = vector.broadcast %mul3A_151 : f32 to vector<1x1xf32>
      %mul3A_153 = arith.mulf %get3A_150, %mul3A_152 : vector<1x1xf32>
      %swap3A_154 = arith.constant 0 : index
      %swap3A_155 = arith.constant 0 : index
      %swap3A_156 = vector.load %arg20[%swap3A_154, %swap3A_155] : memref<1x1xf32, #tpu.memory_space<vmem>>, vector<1x1xf32>
      tpu.vector_store %arg20[%swap3A_154, %swap3A_155], %mul3A_153 {strides = array<i32>} : memref<1x1xf32, #tpu.memory_space<vmem>>, vector<1x1xf32>,
    } else {
    }
    return
  }
  func.func @transform_0(%arg0: i32) -> (i32, i32) {
    %c0_i32 = arith.constant 0 : i32
    %c0_i32_0 = arith.constant 0 : i32
    return %c0_i32, %arg0 : i32, i32
  }
  func.func @transform_1(%arg0: i32) -> (i32, i32) {
    %c0_i32 = arith.constant 0 : i32
    %c0_i32_0 = arith.constant 0 : i32
    return %c0_i32, %arg0 : i32, i32
  }
  func.func @transform_2(%arg0: i32) -> (i32, i32) {
    %c0_i32 = arith.constant 0 : i32
    %c0_i32_0 = arith.constant 0 : i32
    return %arg0, %c0_i32 : i32, i32
  }
  func.func @transform_3(%arg0: i32) -> (i32, i32) {
    %c0_i32 = arith.constant 0 : i32
    %c0_i32_0 = arith.constant 0 : i32
    return %arg0, %c0_i32 : i32, i32
  }
  func.func @transform_4(%arg0: i32) -> (i32, i32) {
    %c0_i32 = arith.constant 0 : i32
    %c0_i32_0 = arith.constant 0 : i32
    return %arg0, %c0_i32 : i32, i32
  }
  func.func @transform_5(%arg0: i32) -> (i32, i32) {
    %c0_i32 = arith.constant 0 : i32
    %c0_i32_0 = arith.constant 0 : i32
    %c0_i32_1 = arith.constant 0 : i32
    return %c0_i32, %c0_i32_0 : i32, i32
  }
  func.func @transform_6(%arg0: i32) -> (i32, i32) {
    %c0_i32 = arith.constant 0 : i32
    %c0_i32_0 = arith.constant 0 : i32
    %c0_i32_1 = arith.constant 0 : i32
    return %c0_i32, %c0_i32_0 : i32, i32
  }
  func.func @transform_7(%arg0: i32) -> (i32, i32) {
    %c0_i32 = arith.constant 0 : i32
    %c0_i32_0 = arith.constant 0 : i32
    %c0_i32_1 = arith.constant 0 : i32
    return %c0_i32, %c0_i32_0 : i32, i32
  }
  func.func @transform_8(%arg0: i32) -> (i32, i32) {
    %c0_i32 = arith.constant 0 : i32
    %c0_i32_0 = arith.constant 0 : i32
    %c0_i32_1 = arith.constant 0 : i32
    return %c0_i32, %c0_i32_0 : i32, i32
  }
  func.func @transform_9(%arg0: i32) -> (i32, i32) {
    %c0_i32 = arith.constant 0 : i32
    %c0_i32_0 = arith.constant 0 : i32
    %c0_i32_1 = arith.constant 0 : i32
    return %c0_i32, %c0_i32_0 : i32, i32
  }
  func.func @transform_10(%arg0: i32) -> (i32, i32) {
    %c0_i32 = arith.constant 0 : i32
    %c0_i32_0 = arith.constant 0 : i32
    %c0_i32_1 = arith.constant 0 : i32
    return %c0_i32, %c0_i32_0 : i32, i32
  }
  func.func @transform_11(%arg0: i32) -> (i32, i32) {
    %c0_i32 = arith.constant 0 : i32
    %c0_i32_0 = arith.constant 0 : i32
    %c0_i32_1 = arith.constant 0 : i32
    return %c0_i32, %c0_i32_0 : i32, i32
  }
  func.func @transform_12(%arg0: i32) -> (i32, i32) {
    %c0_i32 = arith.constant 0 : i32
    %c0_i32_0 = arith.constant 0 : i32
    %c0_i32_1 = arith.constant 0 : i32
    return %c0_i32, %c0_i32_0 : i32, i32
  }
  func.func @transform_13(%arg0: i32) -> (i32, i32) {
    %c0_i32 = arith.constant 0 : i32
    %c0_i32_0 = arith.constant 0 : i32
    %c0_i32_1 = arith.constant 0 : i32
    return %c0_i32, %c0_i32_0 : i32, i32
  }
  func.func @transform_14(%arg0: i32) -> (i32, i32) {
    %c0_i32 = arith.constant 0 : i32
    %c0_i32_0 = arith.constant 0 : i32
    %c0_i32_1 = arith.constant 0 : i32
    return %c0_i32, %c0_i32_0 : i32, i32
  }
  func.func @transform_15(%arg0: i32) -> (i32, i32) {
    %c0_i32 = arith.constant 0 : i32
    %c0_i32_0 = arith.constant 0 : i32
    return %c0_i32, %arg0 : i32, i32
  }
  func.func @transform_16(%arg0: i32) -> (i32, i32) {
    %c0_i32 = arith.constant 0 : i32
    %c0_i32_0 = arith.constant 0 : i32
    return %c0_i32, %arg0 : i32, i32
  }
  func.func @transform_17(%arg0: i32) -> (i32, i32) {
    %c0_i32 = arith.constant 0 : i32
    %c0_i32_0 = arith.constant 0 : i32
    return %c0_i32, %arg0 : i32, i32
  }
  func.func @transform_18(%arg0: i32) -> (i32, i32) {
    %c0_i32 = arith.constant 0 : i32
    %c0_i32_0 = arith.constant 0 : i32
    %c0_i32_1 = arith.constant 0 : i32
    return %c0_i32, %c0_i32_0 : i32, i32
  }
  func.func @transform_19(%arg0: i32) -> (i32, i32) {
    %c0_i32 = arith.constant 0 : i32
    %c0_i32_0 = arith.constant 0 : i32
    %c0_i32_1 = arith.constant 0 : i32
    return %c0_i32, %c0_i32_0 : i32, i32
  }
}

</mosaic_0001>

<sc_bundles>
// kernel: kernel.4.cloned.1.call-start
scs
__scs_entry_jumppad:
0x0: {  	(pc) =	sbr.rel $0x88, $3  }
0x1: {  	(tag) =	ssettag $0x0;
	lr =	simm.s32 $0x1  }
0x2: {  	[smem:$0x3F90] =	sst lr;
	_ =	strace $0xD0000000  }
0x3: {  	_ = 	snop  }
0x4: {  	_ = 	snop  }
0x5: {  	_ = 	snop  }
0x6: {  	_ = 	snop  }
0x7: {  	_ = 	snop  }
__scs_overlays_trampoline_lowered:
0x8: {  	[smem:$0x3F9F] =	sst s0  }
0x9: {  	[smem:$0x3FA0] =	sst s1  }
0xa: {  	[smem:$0x3FA1] =	sst s2  }
0xb: {  	[smem:$0x3FA2] =	sst s3  }
0xc: {  	[smem:$0x3FA3] =	sst s4  }
0xd: {  	[smem:$0x3FA4] =	sst s5  }
0xe: {  	[smem:$0x3FA5] =	sst s6  }
0xf: {  	[smem:$0x3FA6] =	sst s7  }
0x10: {  	[smem:$0x3FA7] =	sst s8  }
0x11: {  	[smem:$0x3FA8] =	sst s9;
	s0 =	simm.s32 @!p0 $0x0  }
0x12: {  	s1 =	sld [smem:$0x3F8E];
	s0 =	simm.s32 @p0 $0x1  }
0x13: {  	[smem:$0x3FA9] =	sst s0;
	s0 =	simm.s32 @!p1 $0x0  }
0x14: {  	s2 =	sld [smem:$0x3F8D];
	s0 =	simm.s32 @p1 $0x1  }
0x15: {  	[smem:$0x3FAA] =	sst s0;
	s0 =	simm.s32 @!p2 $0x0  }
0x16: {  	s3 =	sld [smem:$0x3FDB];
	s0 =	simm.s32 @p2 $0x1  }
0x17: {  	s4 =	simm.s32 $0x1BF5;
	[smem:$0x3FAC] =	sst s0  }
0x18: {  	s0 =	sld [smem:$0x3F8F];
	_ =	swait.ge [sflag:s4], $0x0  }
0x19: {  	s7 =	sld [smem:$0x3F90]  }
0x1a: {  	s8 =	sadd.s32 $0xFFFFE003, lr  }
0x1b: {  	s9 =	sadd.s32 $0xFFFFFEF7, lr;
	s5 =	simm.s32 $0xFFFFFFFF;
	p2 =	slt.u32 s8, $0xFFFFF086  }
0x1c: {  	p1 =	slt.u32 s9, $0xF7A;
	s5 =	simm.s32 @!p2 $0x0  }
0x1d: {  	s5 =	simm.s32 @p1 $0x1;
	p0 =	seq.s32 s7, s2  }
0x1e: {  	s7 =	smul.u32 @!p0 $0xF7A, s2;
	p2 =	seq.s32 @!p0 s5, $0x0  }
0x1f: {  	s9 =	smul.u32 $0xF7A, s1;
	s8 =	simm.s32 @!p0 $0x1BF5;
	p2 =	por !p2, p0  }
0x20: {  	[sflag:s8] =	ssyncset.s32 @!p0 $0xFFFFF086;
	s6 =	sadd.s32 @!p0 s3, s7;
	s7 =	simm.s32 @!p0 $0x108  }
0x21: {  	s3 =	sadd.s32 s3, s9;
	s6 =	sadd.s32 @!p0 $0x88, s6;
	s7 =	simm.s32 @p2 $0x1082  }
0x22: {  	[simem:s7], [sflag:s8] =	dma.local @!p0 [hbm:s6], $0xF7A  }
0x23: {  	s9 =	sor.u32 $0xD0000000, s2;
	s6 =	simm.s32 $0x108;
	_ =	swait.ge @!p0 [sflag:s8], $0x0  }
0x24: {  	s3 =	sadd.s32 $0x88, s3;
	s6 =	simm.s32 @!p1 $0x1082;
	[sflag:s4] =	ssyncset.s32 $0xFFFFF086  }
0x25: {  	[simem:s6], [sflag:s4] =	dma.local [hbm:s3], $0xF7A  }
0x26: {  	[smem:$0x3F90] =	sst s1;
	(tag) =	ssettag s2;
	_ =	strace s9  }
0x27: {  	s1 =	sld [smem:$0x3FA0]  }
0x28: {  	s2 =	sld [smem:$0x3FA1]  }
0x29: {  	s4 =	sld [smem:$0x3FA3]  }
0x2a: {  	p0 =	seq.s32 s5, $0x0;
	s5 =	sld [smem:$0x3FA4]  }
0x2b: {  	s6 =	sld [smem:$0x3FA5]  }
0x2c: {  	s7 =	sld [smem:$0x3FA6]  }
0x2d: {  	s3 =	simm.s32 $0x108;
	s8 =	sld [smem:$0x3FA7]  }
0x2e: {  	s3 =	simm.s32 @!p0 $0x1082;
	s9 =	sld [smem:$0x3FA8]  }
0x2f: {  	lr =	sadd.s32 s0, s3;
	s0 =	sld [smem:$0x3F9F]  }
0x30: {  	s3 =	sld [smem:$0x3FA2]  }
0x31: {  	[smem:$0x3FAB] =	sst s10  }
0x32: {  	s10 =	sld [smem:$0x3FA9];
	_ =	sdelay $0x3  }
0x33: {  	p0 =	seq.s32 s10, $0x1;
	s10 =	sld [smem:$0x3FAB];
	_ =	sdelay $0x3  }
0x34: {  	[smem:$0x3FAB] =	sst s10  }
0x35: {  	s10 =	sld [smem:$0x3FAA];
	_ =	sdelay $0x3  }
0x36: {  	p1 =	seq.s32 s10, $0x1;
	s10 =	sld [smem:$0x3FAB];
	_ =	sdelay $0x3  }
0x37: {  	[smem:$0x3FAB] =	sst s10  }
0x38: {  	s10 =	sld [smem:$0x3FAC]  }
0x39: {  	_ = 	snop;
	(pc) =	sbr.ind lr, $3  }
0x3a: {  	_ = 	snop  }
0x3b: {  	_ = 	snop  }
0x3c: {  	p2 =	seq.s32 s10, $0x1;
	s10 =	sld [smem:$0x3FAB]  }
0x3d: {  	_ =	shalt  }
0x3e: {  	_ =	shalt  }
0x3f: {  	_ =	shalt  }
0x40: {  	_ =	shalt  }
0x41: {  	_ =	shalt  }
0x42: {  	_ =	shalt  }
0x43: {  	_ =	shalt  }
0x44: {  	_ =	shalt  }
0x45: {  	_ =	shalt  }
0x46: {  	_ =	shalt  }
0x47: {  	_ =	shalt  }
0x48: {  	_ =	shalt  }
0x49: {  	_ =	shalt  }
0x4a: {  	_ =	shalt  }
0x4b: {  	_ =	shalt  }
0x4c: {  	_ =	shalt  }
0x4d: {  	_ =	shalt  }
0x4e: {  	_ =	shalt  }
0x4f: {  	_ =	shalt  }
0x50: {  	_ =	shalt  }
0x51: {  	_ =	shalt  }
0x52: {  	_ =	shalt  }
0x53: {  	_ =	shalt  }
0x54: {  	_ =	shalt  }
0x55: {  	_ =	shalt  }
0x56: {  	_ =	shalt  }
0x57: {  	_ =	shalt  }
0x58: {  	_ =	shalt  }
0x59: {  	_ =	shalt  }
0x5a: {  	_ =	shalt  }
0x5b: {  	_ =	shalt  }
0x5c: {  	_ =	shalt  }
0x5d: {  	_ =	shalt  }
0x5e: {  	_ =	shalt  }
0x5f: {  	_ =	shalt  }
0x60: {  	_ =	shalt  }
0x61: {  	_ =	shalt  }
0x62: {  	_ =	shalt  }
0x63: {  	_ =	shalt  }
0x64: {  	_ =	shalt  }
0x65: {  	_ =	shalt  }
0x66: {  	_ =	shalt  }
0x67: {  	_ =	shalt  }
0x68: {  	_ =	shalt  }
0x69: {  	_ =	shalt  }
0x6a: {  	_ =	shalt  }
0x6b: {  	_ =	shalt  }
0x6c: {  	_ =	shalt  }
0x6d: {  	_ =	shalt  }
0x6e: {  	_ =	shalt  }
0x6f: {  	_ =	shalt  }
0x70: {  	_ =	shalt  }
0x71: {  	_ =	shalt  }
0x72: {  	_ =	shalt  }
0x73: {  	_ =	shalt  }
0x74: {  	_ =	shalt  }
0x75: {  	_ =	shalt  }
0x76: {  	_ =	shalt  }
0x77: {  	_ =	shalt  }
0x78: {  	_ =	shalt  }
0x79: {  	_ =	shalt  }
0x7a: {  	_ =	shalt  }
0x7b: {  	_ =	shalt  }
0x7c: {  	_ =	shalt  }
0x7d: {  	_ =	shalt  }
0x7e: {  	_ =	shalt  }
0x7f: {  	_ =	shalt  }
0x80: {  	_ =	shalt  }
0x81: {  	_ =	shalt  }
0x82: {  	_ =	shalt  }
0x83: {  	_ =	shalt  }
0x84: {  	_ =	shalt  }
0x85: {  	_ =	shalt  }
0x86: {  	_ =	shalt  }
0x87: {  	_ =	shalt  }
.Lfunc_end0:
.L_simem_size_0:
called_computation_lowered:
.L_overlay_start_0:
0x88: {  	s2 =	sld [smem:$0x3FD9]  }
0x89: {  	s3 =	sld [smem:$0x3FFE];
	_ =	sdelay $0x1  }
0x8a: {  	s1 =	srdreg.scid  }
0x8b: {  	s0 =	sand.u32 $0x1, s1  }
0x8c: {  	s14 =	sshll.u32 s0, $0xA;
	s2 =	sadd.s32 s3, s2  }
0x8d: {  	s2 =	sadd.s32 s2, s14  }
0x8e: {  	[smem:$0x3FB7] =	sst s2  }
0x8f: {  	_ = 	snop  }
0x90: {  	s2 =	sld [smem:$0x3FD0]  }
0x91: {  	s15 =	sld [smem:$0x3FC9]  }
0x92: {  	s4 =	sld [smem:$0x3FC8]  }
0x93: {  	s6 =	simm.s32 $0xA;
	s7 =	simm.s32 $0x10;
	s5 =	sld [smem:$0x3FC7]  }
0x94: {  	[smem:s7], [sflag:s6] =	dma.local [hbm:s2], $0x1  }
0x95: {  	_ =	swait.eq [sflag:s6], $0x1  }
0x96: {  	[sflag:s6] =	ssyncset.done $0x0  }
0x97: {  	[sflag:s6] =	ssyncadd.s32 $0xFFFFFFFF  }
0x98: {  	s16 =	sld [smem:$0x12];
	(tm) =	ssettm $0x1  }
0x99: {  	s17 =	sld [smem:$0x3FFB];
	_ =	sdelay $0x3  }
0x9a: {  	_ =	strace s17  }
0x9b: {  	s6 =	sld [smem:$0x3FFC];
	_ =	sdelay $0x3  }
0x9c: {  	_ =	strace s6  }
0x9d: {  	s6 =	sld [smem:$0x3FFD];
	_ =	sdelay $0x3  }
0x9e: {  	_ =	strace s6  }
0x9f: {  	_ =	strace $0x8FFFFFFF  }
0xa0: {  	s18 =	sld [smem:$0x3FDB];
	_ =	sdelay $0x1  }
0xa1: {  	s19 =	simm.s32 $_scs_section_size  }
0xa2: {  	s8 =	simm.s32 $_size__tile_overlayer_lowered;
	s9 =	simm.s32 $_tile_overlayer_lowered  }
0xa3: {  	s22 =	simm.s32 $0x1BFF;
	s21 =	sshll.u32 s9, $0x1;
	s6 =	sadd.s32 s19, s18  }
0xa4: {  	s10 =	simm.s32 $0x0;
	s20 =	sshll.u32 s8, $0x1;
	s8 =	sadd.s32 s21, s6  }
0xa5: {  	[timem:s10], [sflag:s22] =	dma.local [hbm:s8], s20  }
0xa6: {  	_ =	swait.ge [sflag:s22], s20  }
0xa7: {  	s7 =	ssub.s32 $0x0, s20;
	[sflag:s22] =	ssyncset.done $0x0  }
0xa8: {  	[sflag:s22] =	ssyncadd.s32 s7;
	_ =	sdelay $0x1  }
0xa9: {  	s23 =	simm.s32 $0x1B8B  }
0xaa: {  	_ =	swait.ge [sflag:s23], $0x1  }
0xab: {  	[sflag:s23] =	ssyncset.done $0x0  }
0xac: {  	s25 =	simm.s32 $0x1B8E;
	s24 =	sld [smem:$0x3FFE];
	[sflag:s23] =	ssyncadd.s32 $0xFFFFFFFF  }
0xad: {  	s26 =	simm.s32 $execute0_lowered;
	[smem:$0x3FD2] =	sst s25  }
0xae: {  	s8 =	sshll.u32 s26, $0x1;
	_ =	strace $0x80000046;
	[dreg:$0x1] =	wrdreg $0xFFFFFFFF  }
0xaf: {  	s28 =	simm.s32 $_size_execute0_lowered;
	s6 =	sadd.s32 s6, s8;
	[dreg:$0x0] =	wrdreg $0x0  }
0xb0: {  	s8 =	sshll.u32 s28, $0x1;
	[dreg:$0x2] =	wrdreg s6  }
0xb1: {  	[dreg:$0x3] =	wrdreg s8  }
0xb2: {  	[dreg:$0x4] =	wrdreg $0xC0  }
0xb3: {  	_ =	task [dreg:s10], $0x5FFFF  }
0xb4: {  	[dreg:$0x1] =	wrdreg $0xFFFFFFFF  }
0xb5: {  	[dreg:$0x0] =	wrdreg $0x60  }
0xb6: {  	[dreg:$0x2] =	wrdreg s15  }
0xb7: {  	[dreg:$0x3] =	wrdreg s4  }
0xb8: {  	[dreg:$0x4] =	wrdreg s5  }
0xb9: {  	[dreg:$0x5] =	wrdreg s24  }
0xba: {  	[dreg:$0x6] =	wrdreg s16  }
0xbb: {  	[dreg:$0x7] =	wrdreg $0x9  }
0xbc: {  	_ =	task.clear_ibuf [dreg:s10], $0x8FFFF;
	_ =	strace $0x90000046  }
0xbd: {  	s29 =	simm.s32 $0x9;
	_ =	strace $0x80000048  }
0xbe: {  	_ =	swait.ge [sflag:s29], $0x1  }
0xbf: {  	[sflag:s29] =	ssyncadd.s32 $0xFFFFFFFF  }
0xc0: {  	_ =	strace $0x90000048  }
0xc1: {  	_ =	sfence  }
0xc2: {  	s30 =	sld [smem:$0x0];
	_ =	sdelay $0x2  }
0xc3: {  	s31 =	sshll.u32 s1, $0xD;
	s1 =	sshrl.u32 s1, $0x2  }
0xc4: {  	s3 =	sand.u32 $0x4000, s31;
	s1 =	sadd.s32 s1, s30  }
0xc5: {  	s0 =	sor.u32 s3, s0;
	s1 =	sshll.u32 s1, $0x11  }
0xc6: {  	s0 =	sor.u32 s1, s0  }
0xc7: {  	s0 =	sadd.s32 $0x8F2B, s0  }
0xc8: {  	[sflag:s0] =	ssyncadd.remote.s32 $0x1  }
0xc9: {  	_ =	sfence.sel $0xFFFF  }
0xca: {  	[dreg:$0x0] =	wrdreg $0xFFFFFFFF;
	(pc) =	sbr.abs _section_cstart, $3  }
0xcb: {  	[dreg:$0x1] =	wrdreg $0xFFFFFFFF  }
0xcc: {  	_ =	task.clear_ibuf [dreg:s10], $0x2FFFF;
	_ =	strace $0x9FFFFFFF  }
0xcd: {  	(tm) =	ssettm $0x7FFFFFFF  }
tec
execute0_lowered:
.L_overlay_start_1:
0x0: {  	(tag) =	ssettag $0x1  }
0x1: {  	s5 =	rddreg [dreg:$0x0]  }
0x2: {  	s6 =	rddreg [dreg:$0x1]  }
0x3: {  	s7 =	rddreg [dreg:$0x2]  }
0x4: {  	s8 =	rddreg [dreg:$0x3]  }
0x5: {  	s9 =	rddreg [dreg:$0x4]  }
0x6: {  	s0 =	rddreg [dreg:$0x5];
	s2 =	simm.s32 $0x0;
	s3 =	srdreg.scid  }
0x7: {  	s1 =	stileid.u32;
	s15 =	simm.s32 $0x8000;
	s16 =	simm.s32 $0x0  }
0x8: {  	[smem:$0x7FF] =	sst s2;
	s4 =	sand.u32 $0x1, s3;
	s10 =	sshll.u32 s1, $0x8  }
0x9: {  	s3 =	sadd.s32 $0x2600, s8;
	s11 =	sshll.u32 s4, $0x7;
	s30 =	ssub.s32 $0x2, s4  }
0xa: {  	_ =	strace $0x80000047;
	s10 =	sor.u32 s11, s10;
	s13 =	sshrl.u32 s30, $0x1  }
0xb: {  	s4 =	sadd.s32 $0x189000, s8;
	s12 =	sshll.u32 s10, $0x4;
	s11 =	ssub.s32 s30, s13  }
0xc: {  	s31 =	sshrl.u32 s10, $0x3;
	s13 =	simm.s32 $0x1;
	s14 =	sadd.s32 s12, s8  }
0xd: {  	s5 =	sadd.s32 s5, s31;
	s6 =	sadd.s32 s6, s31;
	s7 =	sadd.s32 s7, s31  }
0xe: {  	s8 =	sadd.s32 s9, s12;
	s11 =	smax.u32 s11, $0x1;
	s9 =	sadd.s32 $0x30FA00, s14  }
0xf: {  	s12 =	simm.s32 $0x2;
	s10 =	sadd.s32 $0x31FA00, s14;
	s14 =	simm.s32 $0x4000  }
.LBB2_1:
0x10: {  	s17 =	simm.s32 $0xC000  }
0x11: {  	[tilespmem:s17], [sflag:$0x2] =	stream.linear.gather [hbm4b:s5+s2], $0x80, $0x38;
	[tilespmem:$0xC180] =	vst v63  }
0x12: {  	_ =	swait.ge [sflag:s12], $0x80  }
0x13: {  	[sflag:s12] =	ssyncset.done $0x0  }
0x14: {  	s18 =	simm.s32 $0xC080;
	[sflag:s12] =	ssyncadd.s32 $0xFFFFFF80  }
0x15: {  	[tilespmem:s18], [sflag:$0x2] =	stream.linear.gather [hbm4b:s6+s2], $0x80, $0x38;
	[tilespmem:$0xC180] =	vst v63  }
0x16: {  	_ =	swait.ge [sflag:s12], $0x80  }
0x17: {  	[sflag:s12] =	ssyncset.done $0x0  }
.Ltmp0:
0x18: {  	s19 =	simm.s32 $0xC100;
	[sflag:s12] =	ssyncadd.s32 $0xFFFFFF80;
	(pc) =	sbr.rel .LBB2_2-.Ltmp0, $4  }
0x19: {  	[tilespmem:s19], [sflag:$0x2] =	stream.linear.gather [hbm4b:s7+s2], $0x80, $0x38;
	[tilespmem:$0xC180] =	vst v63  }
0x1a: {  	_ =	swait.ge [sflag:s12], $0x80  }
0x1b: {  	[sflag:s12] =	ssyncset.done $0x0  }
0x1c: {  	s20 =	simm.s32 $0x0;
	s21 =	simm.s32 $0x0;
	[sflag:s12] =	ssyncadd.s32 $0xFFFFFF80  }
.LBB2_4:
0x1d: {  	s20 =	sadd.s32 $0x2000, s20  }
0x1e: {  	p0 =	sne.s32 s20, $0x10000  }
.Ltmp1:
0x1f: {  	_ = 	snop;
	(pc) =	sbr.rel @!p0 .LBB2_5-.Ltmp1, $3  }
0x20: {  	_ =	sdelay $0x1  }
0x21: {  	s21 =	sadd.s32 $0x1, s21  }
0x22: {  	s17 =	sadd.s32 $0x10, s17;
	s18 =	sadd.s32 $0x10, s18;
	s19 =	sadd.s32 $0x10, s19  }
.LBB2_2:
0x23: {  	v0 =	vld [tilespmem:s17+$0x0];
	_ =	sdelay $0x1  }
0x24: {  	v1 =	vld [tilespmem:s18+$0x0];
	_ =	sdelay $0x1  }
0x25: {  	v63 =	vld [tilespmem:s19+$0x0]  }
0x26: {  	v2 =	vshll.u32 v0, $0x4  }
0x27: {  	(v2sf) =	vpush v2, $0x0  }
0x28: {  	v1 =	vshll.u32 v1, $0x4  }
0x29: {  	(v2sf) =	vpush v1, $0x0  }
0x2a: {  	v0 =	vshll.u32 v63, $0x4  }
0x2b: {  	(v2sf) =	vpush v0, $0x0;
	_ =	sdelay $0x2  }
0x2c: {  	(v2sf) =	vpush v2, $0x1;
	_ =	sdelay $0x7  }
0x2d: {  	s22 =	spop (v2sf);
	(v2sf) =	vpush v1, $0x1;
	_ =	sdelay $0x1  }
0x2e: {  	s24 =	spop (v2sf);
	(v2sf) =	vpush v0, $0x1;
	_ =	sdelay $0x1  }
0x2f: {  	s25 =	spop (v2sf);
	(v2sf) =	vpush v2, $0x2;
	_ =	sdelay $0x2  }
0x30: {  	s28 =	spop (v2sf);
	(v2sf) =	vpush v1, $0x2;
	_ =	sdelay $0x1  }
0x31: {  	s23 =	sand.u32 $0x1FFFFFF0, s22  }
0x32: {  	s22 =	sshra.s32 s20, $0x2;
	s23 =	sadd.s32 s3, s23  }
0x33: {  	[tilespmem:s22], [sflag:$0x1] =	stream.linear.gather [hbm4b:s23+s2], $0x80, $0x38;
	[tilespmem:$0xC180] =	vst v63  }
0x34: {  	s23 =	sand.u32 $0x1FFFFFF0, s24  }
0x35: {  	s24 =	sadd.s32 $0x4000, s22;
	s23 =	sadd.s32 s4, s23  }
0x36: {  	[tilespmem:s24], [sflag:$0x1] =	stream.linear.gather [hbm4b:s23+s2], $0x80, $0x38;
	[tilespmem:$0xC180] =	vst v63  }
0x37: {  	s30 =	spop (v2sf);
	(v2sf) =	vpush v0, $0x2  }
0x38: {  	s23 =	sand.u32 $0x1FFFFFF0, s25  }
0x39: {  	s26 =	sadd.s32 $0x8000, s22;
	s23 =	sadd.s32 s4, s23;
	s25 =	spop (v2sf);
	(v2sf) =	vpush v2, $0x3  }
0x3a: {  	[tilespmem:s26], [sflag:$0x1] =	stream.linear.gather [hbm4b:s23+s2], $0x80, $0x38;
	[tilespmem:$0xC180] =	vst v63  }
0x3b: {  	s23 =	sand.u32 $0x1FFFFFF0, s28;
	s28 =	spop (v2sf);
	(v2sf) =	vpush v1, $0x3  }
0x3c: {  	s29 =	sadd.s32 $0x80, s22;
	s23 =	sadd.s32 s3, s23  }
0x3d: {  	[tilespmem:s29], [sflag:$0x1] =	stream.linear.gather [hbm4b:s23+s2], $0x80, $0x38;
	[tilespmem:$0xC180] =	vst v63  }
0x3e: {  	s23 =	sand.u32 $0x1FFFFFF0, s30;
	s30 =	spop (v2sf);
	(v2sf) =	vpush v0, $0x3;
	_ =	sdelay $0x2  }
0x3f: {  	s31 =	sadd.s32 $0x4080, s22;
	s23 =	sadd.s32 s4, s23  }
0x40: {  	[tilespmem:s31], [sflag:$0x1] =	stream.linear.gather [hbm4b:s23+s2], $0x80, $0x38;
	[tilespmem:$0xC180] =	vst v63  }
0x41: {  	s23 =	sand.u32 $0x1FFFFFF0, s25  }
0x42: {  	s26 =	sadd.s32 $0x8080, s22;
	s23 =	sadd.s32 s4, s23  }
0x43: {  	[tilespmem:s26], [sflag:$0x1] =	stream.linear.gather [hbm4b:s23+s2], $0x80, $0x38;
	[tilespmem:$0xC180] =	vst v63  }
0x44: {  	s25 =	spop (v2sf);
	(v2sf) =	vpush v2, $0x4  }
0x45: {  	s23 =	sand.u32 $0x1FFFFFF0, s28  }
0x46: {  	s29 =	sadd.s32 $0x100, s22;
	s23 =	sadd.s32 s3, s23;
	s28 =	spop (v2sf);
	(v2sf) =	vpush v1, $0x4  }
0x47: {  	[tilespmem:s29], [sflag:$0x1] =	stream.linear.gather [hbm4b:s23+s2], $0x80, $0x38;
	[tilespmem:$0xC180] =	vst v63  }
0x48: {  	s23 =	sand.u32 $0x1FFFFFF0, s30;
	s30 =	spop (v2sf);
	(v2sf) =	vpush v0, $0x4  }
0x49: {  	s31 =	sadd.s32 $0x4100, s22;
	s23 =	sadd.s32 s4, s23  }
0x4a: {  	[tilespmem:s31], [sflag:$0x1] =	stream.linear.gather [hbm4b:s23+s2], $0x80, $0x38;
	[tilespmem:$0xC180] =	vst v63  }
0x4b: {  	s23 =	sand.u32 $0x1FFFFFF0, s25;
	s25 =	spop (v2sf);
	(v2sf) =	vpush v2, $0x5;
	_ =	sdelay $0x2  }
0x4c: {  	s26 =	sadd.s32 $0x8100, s22;
	s23 =	sadd.s32 s4, s23  }
0x4d: {  	[tilespmem:s26], [sflag:$0x1] =	stream.linear.gather [hbm4b:s23+s2], $0x80, $0x38;
	[tilespmem:$0xC180] =	vst v63  }
0x4e: {  	s23 =	sand.u32 $0x1FFFFFF0, s28  }
0x4f: {  	s29 =	sadd.s32 $0x180, s22;
	s23 =	sadd.s32 s3, s23  }
0x50: {  	[tilespmem:s29], [sflag:$0x1] =	stream.linear.gather [hbm4b:s23+s2], $0x80, $0x38;
	[tilespmem:$0xC180] =	vst v63  }
0x51: {  	s28 =	spop (v2sf);
	(v2sf) =	vpush v1, $0x5  }
0x52: {  	s23 =	sand.u32 $0x1FFFFFF0, s30  }
0x53: {  	s31 =	sadd.s32 $0x4180, s22;
	s23 =	sadd.s32 s4, s23;
	s30 =	spop (v2sf);
	(v2sf) =	vpush v0, $0x5  }
0x54: {  	[tilespmem:s31], [sflag:$0x1] =	stream.linear.gather [hbm4b:s23+s2], $0x80, $0x38;
	[tilespmem:$0xC180] =	vst v63  }
0x55: {  	s23 =	sand.u32 $0x1FFFFFF0, s25;
	s25 =	spop (v2sf);
	(v2sf) =	vpush v2, $0x6  }
0x56: {  	s26 =	sadd.s32 $0x8180, s22;
	s23 =	sadd.s32 s4, s23  }
0x57: {  	[tilespmem:s26], [sflag:$0x1] =	stream.linear.gather [hbm4b:s23+s2], $0x80, $0x38;
	[tilespmem:$0xC180] =	vst v63  }
0x58: {  	s23 =	sand.u32 $0x1FFFFFF0, s28;
	s28 =	spop (v2sf);
	(v2sf) =	vpush v1, $0x6;
	_ =	sdelay $0x2  }
0x59: {  	s29 =	sadd.s32 $0x200, s22;
	s23 =	sadd.s32 s3, s23  }
0x5a: {  	[tilespmem:s29], [sflag:$0x1] =	stream.linear.gather [hbm4b:s23+s2], $0x80, $0x38;
	[tilespmem:$0xC180] =	vst v63  }
0x5b: {  	s23 =	sand.u32 $0x1FFFFFF0, s30  }
0x5c: {  	s31 =	sadd.s32 $0x4200, s22;
	s23 =	sadd.s32 s4, s23  }
0x5d: {  	[tilespmem:s31], [sflag:$0x1] =	stream.linear.gather [hbm4b:s23+s2], $0x80, $0x38;
	[tilespmem:$0xC180] =	vst v63  }
0x5e: {  	s30 =	spop (v2sf);
	(v2sf) =	vpush v0, $0x6  }
0x5f: {  	s23 =	sand.u32 $0x1FFFFFF0, s25  }
0x60: {  	s26 =	sadd.s32 $0x8200, s22;
	s23 =	sadd.s32 s4, s23;
	s25 =	spop (v2sf);
	(v2sf) =	vpush v2, $0x7  }
0x61: {  	[tilespmem:s26], [sflag:$0x1] =	stream.linear.gather [hbm4b:s23+s2], $0x80, $0x38;
	[tilespmem:$0xC180] =	vst v63  }
0x62: {  	s23 =	sand.u32 $0x1FFFFFF0, s28;
	s28 =	spop (v2sf);
	(v2sf) =	vpush v1, $0x7  }
0x63: {  	s29 =	sadd.s32 $0x280, s22;
	s23 =	sadd.s32 s3, s23  }
0x64: {  	[tilespmem:s29], [sflag:$0x1] =	stream.linear.gather [hbm4b:s23+s2], $0x80, $0x38;
	[tilespmem:$0xC180] =	vst v63  }
0x65: {  	s23 =	sand.u32 $0x1FFFFFF0, s30;
	s30 =	spop (v2sf);
	(v2sf) =	vpush v0, $0x7;
	_ =	sdelay $0x2  }
0x66: {  	s31 =	sadd.s32 $0x4280, s22;
	s23 =	sadd.s32 s4, s23  }
0x67: {  	[tilespmem:s31], [sflag:$0x1] =	stream.linear.gather [hbm4b:s23+s2], $0x80, $0x38;
	[tilespmem:$0xC180] =	vst v63  }
0x68: {  	s23 =	sand.u32 $0x1FFFFFF0, s25  }
0x69: {  	s26 =	sadd.s32 $0x8280, s22;
	s23 =	sadd.s32 s4, s23  }
0x6a: {  	[tilespmem:s26], [sflag:$0x1] =	stream.linear.gather [hbm4b:s23+s2], $0x80, $0x38;
	[tilespmem:$0xC180] =	vst v63  }
0x6b: {  	s25 =	spop (v2sf);
	(v2sf) =	vpush v2, $0x8  }
0x6c: {  	s23 =	sand.u32 $0x1FFFFFF0, s28  }
0x6d: {  	s29 =	sadd.s32 $0x300, s22;
	s23 =	sadd.s32 s3, s23;
	s28 =	spop (v2sf);
	(v2sf) =	vpush v1, $0x8  }
0x6e: {  	[tilespmem:s29], [sflag:$0x1] =	stream.linear.gather [hbm4b:s23+s2], $0x80, $0x38;
	[tilespmem:$0xC180] =	vst v63  }
0x6f: {  	s23 =	sand.u32 $0x1FFFFFF0, s30;
	s30 =	spop (v2sf);
	(v2sf) =	vpush v0, $0x8  }
0x70: {  	s31 =	sadd.s32 $0x4300, s22;
	s23 =	sadd.s32 s4, s23  }
0x71: {  	[tilespmem:s31], [sflag:$0x1] =	stream.linear.gather [hbm4b:s23+s2], $0x80, $0x38;
	[tilespmem:$0xC180] =	vst v63  }
0x72: {  	s23 =	sand.u32 $0x1FFFFFF0, s25;
	s25 =	spop (v2sf);
	(v2sf) =	vpush v2, $0x9;
	_ =	sdelay $0x2  }
0x73: {  	s26 =	sadd.s32 $0x8300, s22;
	s23 =	sadd.s32 s4, s23  }
0x74: {  	[tilespmem:s26], [sflag:$0x1] =	stream.linear.gather [hbm4b:s23+s2], $0x80, $0x38;
	[tilespmem:$0xC180] =	vst v63  }
0x75: {  	s23 =	sand.u32 $0x1FFFFFF0, s28  }
0x76: {  	s29 =	sadd.s32 $0x380, s22;
	s23 =	sadd.s32 s3, s23  }
0x77: {  	[tilespmem:s29], [sflag:$0x1] =	stream.linear.gather [hbm4b:s23+s2], $0x80, $0x38;
	[tilespmem:$0xC180] =	vst v63  }
0x78: {  	s28 =	spop (v2sf);
	(v2sf) =	vpush v1, $0x9  }
0x79: {  	s23 =	sand.u32 $0x1FFFFFF0, s30  }
0x7a: {  	s31 =	sadd.s32 $0x4380, s22;
	s23 =	sadd.s32 s4, s23;
	s30 =	spop (v2sf);
	(v2sf) =	vpush v0, $0x9  }
0x7b: {  	[tilespmem:s31], [sflag:$0x1] =	stream.linear.gather [hbm4b:s23+s2], $0x80, $0x38;
	[tilespmem:$0xC180] =	vst v63  }
0x7c: {  	s23 =	sand.u32 $0x1FFFFFF0, s25;
	s25 =	spop (v2sf);
	(v2sf) =	vpush v2, $0xA  }
0x7d: {  	s26 =	sadd.s32 $0x8380, s22;
	s23 =	sadd.s32 s4, s23  }
0x7e: {  	[tilespmem:s26], [sflag:$0x1] =	stream.linear.gather [hbm4b:s23+s2], $0x80, $0x38;
	[tilespmem:$0xC180] =	vst v63  }
0x7f: {  	s23 =	sand.u32 $0x1FFFFFF0, s28;
	s28 =	spop (v2sf);
	(v2sf) =	vpush v1, $0xA;
	_ =	sdelay $0x2  }
0x80: {  	s29 =	sadd.s32 $0x400, s22;
	s23 =	sadd.s32 s3, s23  }
0x81: {  	[tilespmem:s29], [sflag:$0x1] =	stream.linear.gather [hbm4b:s23+s2], $0x80, $0x38;
	[tilespmem:$0xC180] =	vst v63  }
0x82: {  	s23 =	sand.u32 $0x1FFFFFF0, s30  }
0x83: {  	s31 =	sadd.s32 $0x4400, s22;
	s23 =	sadd.s32 s4, s23  }
0x84: {  	[tilespmem:s31], [sflag:$0x1] =	stream.linear.gather [hbm4b:s23+s2], $0x80, $0x38;
	[tilespmem:$0xC180] =	vst v63  }
0x85: {  	s30 =	spop (v2sf);
	(v2sf) =	vpush v0, $0xA  }
0x86: {  	s23 =	sand.u32 $0x1FFFFFF0, s25  }
0x87: {  	s26 =	sadd.s32 $0x8400, s22;
	s23 =	sadd.s32 s4, s23;
	s25 =	spop (v2sf);
	(v2sf) =	vpush v2, $0xB  }
0x88: {  	[tilespmem:s26], [sflag:$0x1] =	stream.linear.gather [hbm4b:s23+s2], $0x80, $0x38;
	[tilespmem:$0xC180] =	vst v63  }
0x89: {  	s23 =	sand.u32 $0x1FFFFFF0, s28;
	s28 =	spop (v2sf);
	(v2sf) =	vpush v1, $0xB  }
0x8a: {  	s29 =	sadd.s32 $0x480, s22;
	s23 =	sadd.s32 s3, s23  }
0x8b: {  	[tilespmem:s29], [sflag:$0x1] =	stream.linear.gather [hbm4b:s23+s2], $0x80, $0x38;
	[tilespmem:$0xC180] =	vst v63  }
0x8c: {  	s23 =	sand.u32 $0x1FFFFFF0, s30;
	s30 =	spop (v2sf);
	(v2sf) =	vpush v0, $0xB;
	_ =	sdelay $0x1  }
0x8d: {  	s31 =	sadd.s32 $0x4480, s22;
	s23 =	sadd.s32 s4, s23  }
0x8e: {  	[tilespmem:s31], [sflag:$0x1] =	stream.linear.gather [hbm4b:s23+s2], $0x80, $0x38;
	[tilespmem:$0xC180] =	vst v63  }
0x8f: {  	s23 =	sand.u32 $0x1FFFFFF0, s25  }
0x90: {  	s26 =	sadd.s32 $0x8480, s22;
	s23 =	sadd.s32 s4, s23  }
0x91: {  	[tilespmem:s26], [sflag:$0x1] =	stream.linear.gather [hbm4b:s23+s2], $0x80, $0x38;
	[tilespmem:$0xC180] =	vst v63  }
0x92: {  	s23 =	sand.u32 $0x1FFFFFF0, s28  }
0x93: {  	s29 =	sadd.s32 $0x500, s22;
	s23 =	sadd.s32 s3, s23;
	s25 =	spop (v2sf);
	(v2sf) =	vpush v2, $0xC  }
0x94: {  	[tilespmem:s29], [sflag:$0x1] =	stream.linear.gather [hbm4b:s23+s2], $0x80, $0x38;
	[tilespmem:$0xC180] =	vst v63  }
0x95: {  	s28 =	spop (v2sf);
	(v2sf) =	vpush v1, $0xC  }
0x96: {  	s23 =	sand.u32 $0x1FFFFFF0, s30  }
0x97: {  	s31 =	sadd.s32 $0x4500, s22;
	s23 =	sadd.s32 s4, s23;
	s30 =	spop (v2sf);
	(v2sf) =	vpush v0, $0xC  }
0x98: {  	[tilespmem:s31], [sflag:$0x1] =	stream.linear.gather [hbm4b:s23+s2], $0x80, $0x38;
	[tilespmem:$0xC180] =	vst v63  }
0x99: {  	s23 =	sand.u32 $0x1FFFFFF0, s25  }
0x9a: {  	s26 =	sadd.s32 $0x8500, s22;
	s23 =	sadd.s32 s4, s23;
	s25 =	spop (v2sf);
	(v2sf) =	vpush v2, $0xD  }
0x9b: {  	[tilespmem:s26], [sflag:$0x1] =	stream.linear.gather [hbm4b:s23+s2], $0x80, $0x38;
	[tilespmem:$0xC180] =	vst v63  }
0x9c: {  	s23 =	sand.u32 $0x1FFFFFF0, s28  }
0x9d: {  	s29 =	sadd.s32 $0x580, s22;
	s23 =	sadd.s32 s3, s23  }
0x9e: {  	[tilespmem:s29], [sflag:$0x1] =	stream.linear.gather [hbm4b:s23+s2], $0x80, $0x38;
	[tilespmem:$0xC180] =	vst v63  }
0x9f: {  	s23 =	sand.u32 $0x1FFFFFF0, s30  }
0xa0: {  	s31 =	sadd.s32 $0x4580, s22;
	s23 =	sadd.s32 s4, s23  }
0xa1: {  	[tilespmem:s31], [sflag:$0x1] =	stream.linear.gather [hbm4b:s23+s2], $0x80, $0x38;
	[tilespmem:$0xC180] =	vst v63  }
0xa2: {  	s28 =	spop (v2sf);
	(v2sf) =	vpush v1, $0xD  }
0xa3: {  	s23 =	sand.u32 $0x1FFFFFF0, s25  }
0xa4: {  	s26 =	sadd.s32 $0x8580, s22;
	s23 =	sadd.s32 s4, s23;
	s30 =	spop (v2sf);
	(v2sf) =	vpush v0, $0xD  }
0xa5: {  	[tilespmem:s26], [sflag:$0x1] =	stream.linear.gather [hbm4b:s23+s2], $0x80, $0x38;
	[tilespmem:$0xC180] =	vst v63  }
0xa6: {  	s23 =	sand.u32 $0x1FFFFFF0, s28;
	s25 =	spop (v2sf);
	(v2sf) =	vpush v2, $0xE  }
0xa7: {  	s29 =	sadd.s32 $0x600, s22;
	s23 =	sadd.s32 s3, s23  }
0xa8: {  	[tilespmem:s29], [sflag:$0x1] =	stream.linear.gather [hbm4b:s23+s2], $0x80, $0x38;
	[tilespmem:$0xC180] =	vst v63  }
0xa9: {  	s28 =	spop (v2sf);
	(v2sf) =	vpush v1, $0xE  }
0xaa: {  	s23 =	sand.u32 $0x1FFFFFF0, s30  }
0xab: {  	s31 =	sadd.s32 $0x4600, s22;
	s23 =	sadd.s32 s4, s23  }
0xac: {  	[tilespmem:s31], [sflag:$0x1] =	stream.linear.gather [hbm4b:s23+s2], $0x80, $0x38;
	[tilespmem:$0xC180] =	vst v63  }
0xad: {  	s23 =	sand.u32 $0x1FFFFFF0, s25  }
0xae: {  	s26 =	sadd.s32 $0x8600, s22;
	s23 =	sadd.s32 s4, s23  }
0xaf: {  	[tilespmem:s26], [sflag:$0x1] =	stream.linear.gather [hbm4b:s23+s2], $0x80, $0x38;
	[tilespmem:$0xC180] =	vst v63  }
0xb0: {  	s23 =	sand.u32 $0x1FFFFFF0, s28  }
0xb1: {  	s29 =	sadd.s32 $0x680, s22;
	s23 =	sadd.s32 s3, s23;
	s30 =	spop (v2sf);
	(v2sf) =	vpush v0, $0xE  }
0xb2: {  	[tilespmem:s29], [sflag:$0x1] =	stream.linear.gather [hbm4b:s23+s2], $0x80, $0x38;
	[tilespmem:$0xC180] =	vst v63  }
0xb3: {  	s25 =	spop (v2sf);
	(v2sf) =	vpush v2, $0xF  }
0xb4: {  	s23 =	sand.u32 $0x1FFFFFF0, s30  }
0xb5: {  	s31 =	sadd.s32 $0x4680, s22;
	s23 =	sadd.s32 s4, s23;
	s28 =	spop (v2sf)  }
0xb6: {  	(v2sf) =	vpush v1, $0xF;
	[tilespmem:s31], [sflag:$0x1] =	stream.linear.gather [hbm4b:s23+s2], $0x80, $0x38;
	[tilespmem:$0xC180] =	vst v63  }
0xb7: {  	s23 =	sand.u32 $0x1FFFFFF0, s25  }
0xb8: {  	s26 =	sadd.s32 $0x8680, s22;
	s30 =	spop (v2sf);
	s23 =	sadd.s32 s4, s23  }
0xb9: {  	(v2sf) =	vpush v0, $0xF;
	[tilespmem:s26], [sflag:$0x1] =	stream.linear.gather [hbm4b:s23+s2], $0x80, $0x38;
	[tilespmem:$0xC180] =	vst v63  }
0xba: {  	s23 =	sand.u32 $0x1FFFFFF0, s28  }
0xbb: {  	s29 =	sadd.s32 $0x700, s22;
	s23 =	sadd.s32 s3, s23  }
0xbc: {  	[tilespmem:s29], [sflag:$0x1] =	stream.linear.gather [hbm4b:s23+s2], $0x80, $0x38;
	[tilespmem:$0xC180] =	vst v63  }
0xbd: {  	s23 =	sand.u32 $0x1FFFFFF0, s30  }
0xbe: {  	s31 =	sadd.s32 $0x4700, s22;
	s23 =	sadd.s32 s4, s23  }
0xbf: {  	[tilespmem:s31], [sflag:$0x1] =	stream.linear.gather [hbm4b:s23+s2], $0x80, $0x38;
	[tilespmem:$0xC180] =	vst v63  }
0xc0: {  	s24 =	spop (v2sf)  }
0xc1: {  	s23 =	sand.u32 $0x1FFFFFF0, s24  }
0xc2: {  	s25 =	sadd.s32 $0x8700, s22;
	s26 =	spop (v2sf);
	s23 =	sadd.s32 s4, s23  }
0xc3: {  	[tilespmem:s25], [sflag:$0x1] =	stream.linear.gather [hbm4b:s23+s2], $0x80, $0x38;
	[tilespmem:$0xC180] =	vst v63  }
0xc4: {  	s23 =	sand.u32 $0x1FFFFFF0, s26  }
0xc5: {  	s28 =	sadd.s32 $0x780, s22;
	s29 =	spop (v2sf);
	s23 =	sadd.s32 s3, s23  }
0xc6: {  	[tilespmem:s28], [sflag:$0x1] =	stream.linear.gather [hbm4b:s23+s2], $0x80, $0x38;
	[tilespmem:$0xC180] =	vst v63  }
0xc7: {  	p0 =	slt.u32 s21, $0x2;
	s30 =	sadd.s32 $0x4780, s22;
	s23 =	sand.u32 $0x1FFFFFF0, s29  }
.Ltmp2:
0xc8: {  	s31 =	spop (v2sf);
	s23 =	sadd.s32 s4, s23;
	(pc) =	sbr.rel @p0 .LBB2_4-.Ltmp2, $4  }
0xc9: {  	[tilespmem:s30], [sflag:$0x1] =	stream.linear.gather [hbm4b:s23+s2], $0x80, $0x38;
	[tilespmem:$0xC180] =	vst v63  }
0xca: {  	s23 =	sand.u32 $0x1FFFFFF0, s31  }
0xcb: {  	s22 =	sadd.s32 $0x8780, s22;
	s23 =	sadd.s32 s4, s23  }
0xcc: {  	[tilespmem:s22], [sflag:$0x1] =	stream.linear.gather [hbm4b:s23+s2], $0x80, $0x38;
	[tilespmem:$0xC180] =	vst v63  }
0xcd: {  	_ =	swait.ge [sflag:s13], $0x80  }
0xce: {  	[sflag:s13] =	ssyncset.done $0x0  }
0xcf: {  	[sflag:s13] =	ssyncadd.s32 $0xFFFFFF80  }
0xd0: {  	_ =	swait.ge [sflag:s13], $0x80  }
0xd1: {  	[sflag:s13] =	ssyncset.done $0x0  }
0xd2: {  	[sflag:s13] =	ssyncadd.s32 $0xFFFFFF80  }
0xd3: {  	_ =	swait.ge [sflag:s13], $0x80  }
0xd4: {  	[sflag:s13] =	ssyncset.done $0x0  }
0xd5: {  	[sflag:s13] =	ssyncadd.s32 $0xFFFFFF80  }
0xd6: {  	_ =	swait.ge [sflag:s13], $0x80  }
0xd7: {  	[sflag:s13] =	ssyncset.done $0x0  }
0xd8: {  	[sflag:s13] =	ssyncadd.s32 $0xFFFFFF80  }
0xd9: {  	_ =	swait.ge [sflag:s13], $0x80  }
0xda: {  	[sflag:s13] =	ssyncset.done $0x0  }
0xdb: {  	[sflag:s13] =	ssyncadd.s32 $0xFFFFFF80  }
0xdc: {  	_ =	swait.ge [sflag:s13], $0x80  }
0xdd: {  	[sflag:s13] =	ssyncset.done $0x0  }
0xde: {  	[sflag:s13] =	ssyncadd.s32 $0xFFFFFF80  }
0xdf: {  	_ =	swait.ge [sflag:s13], $0x80  }
0xe0: {  	[sflag:s13] =	ssyncset.done $0x0  }
0xe1: {  	[sflag:s13] =	ssyncadd.s32 $0xFFFFFF80  }
0xe2: {  	_ =	swait.ge [sflag:s13], $0x80  }
0xe3: {  	[sflag:s13] =	ssyncset.done $0x0  }
0xe4: {  	[sflag:s13] =	ssyncadd.s32 $0xFFFFFF80  }
0xe5: {  	_ =	swait.ge [sflag:s13], $0x80  }
0xe6: {  	[sflag:s13] =	ssyncset.done $0x0  }
0xe7: {  	[sflag:s13] =	ssyncadd.s32 $0xFFFFFF80  }
0xe8: {  	_ =	swait.ge [sflag:s13], $0x80  }
0xe9: {  	[sflag:s13] =	ssyncset.done $0x0  }
0xea: {  	[sflag:s13] =	ssyncadd.s32 $0xFFFFFF80  }
0xeb: {  	_ =	swait.ge [sflag:s13], $0x80  }
0xec: {  	[sflag:s13] =	ssyncset.done $0x0  }
0xed: {  	[sflag:s13] =	ssyncadd.s32 $0xFFFFFF80  }
0xee: {  	_ =	swait.ge [sflag:s13], $0x80  }
0xef: {  	[sflag:s13] =	ssyncset.done $0x0  }
0xf0: {  	[sflag:s13] =	ssyncadd.s32 $0xFFFFFF80  }
0xf1: {  	_ =	swait.ge [sflag:s13], $0x80  }
0xf2: {  	[sflag:s13] =	ssyncset.done $0x0  }
0xf3: {  	[sflag:s13] =	ssyncadd.s32 $0xFFFFFF80  }
0xf4: {  	_ =	swait.ge [sflag:s13], $0x80  }
0xf5: {  	[sflag:s13] =	ssyncset.done $0x0  }
0xf6: {  	[sflag:s13] =	ssyncadd.s32 $0xFFFFFF80  }
0xf7: {  	_ =	swait.ge [sflag:s13], $0x80  }
0xf8: {  	[sflag:s13] =	ssyncset.done $0x0  }
0xf9: {  	[sflag:s13] =	ssyncadd.s32 $0xFFFFFF80  }
0xfa: {  	_ =	swait.ge [sflag:s13], $0x80  }
0xfb: {  	[sflag:s13] =	ssyncset.done $0x0  }
0xfc: {  	[sflag:s13] =	ssyncadd.s32 $0xFFFFFF80  }
0xfd: {  	_ =	swait.ge [sflag:s13], $0x80  }
0xfe: {  	[sflag:s13] =	ssyncset.done $0x0  }
0xff: {  	[sflag:s13] =	ssyncadd.s32 $0xFFFFFF80  }
0x100: {  	_ =	swait.ge [sflag:s13], $0x80  }
0x101: {  	[sflag:s13] =	ssyncset.done $0x0  }
0x102: {  	[sflag:s13] =	ssyncadd.s32 $0xFFFFFF80  }
0x103: {  	_ =	swait.ge [sflag:s13], $0x80  }
0x104: {  	[sflag:s13] =	ssyncset.done $0x0  }
0x105: {  	[sflag:s13] =	ssyncadd.s32 $0xFFFFFF80  }
0x106: {  	_ =	swait.ge [sflag:s13], $0x80  }
0x107: {  	[sflag:s13] =	ssyncset.done $0x0  }
0x108: {  	[sflag:s13] =	ssyncadd.s32 $0xFFFFFF80  }
0x109: {  	_ =	swait.ge [sflag:s13], $0x80  }
0x10a: {  	[sflag:s13] =	ssyncset.done $0x0  }
0x10b: {  	[sflag:s13] =	ssyncadd.s32 $0xFFFFFF80  }
0x10c: {  	_ =	swait.ge [sflag:s13], $0x80  }
0x10d: {  	[sflag:s13] =	ssyncset.done $0x0  }
0x10e: {  	[sflag:s13] =	ssyncadd.s32 $0xFFFFFF80  }
0x10f: {  	_ =	swait.ge [sflag:s13], $0x80  }
0x110: {  	[sflag:s13] =	ssyncset.done $0x0  }
0x111: {  	[sflag:s13] =	ssyncadd.s32 $0xFFFFFF80  }
0x112: {  	_ =	swait.ge [sflag:s13], $0x80  }
0x113: {  	[sflag:s13] =	ssyncset.done $0x0  }
0x114: {  	[sflag:s13] =	ssyncadd.s32 $0xFFFFFF80  }
0x115: {  	_ =	swait.ge [sflag:s13], $0x80  }
0x116: {  	[sflag:s13] =	ssyncset.done $0x0  }
0x117: {  	[sflag:s13] =	ssyncadd.s32 $0xFFFFFF80  }
0x118: {  	_ =	swait.ge [sflag:s13], $0x80  }
0x119: {  	[sflag:s13] =	ssyncset.done $0x0  }
0x11a: {  	[sflag:s13] =	ssyncadd.s32 $0xFFFFFF80  }
0x11b: {  	_ =	swait.ge [sflag:s13], $0x80  }
0x11c: {  	[sflag:s13] =	ssyncset.done $0x0  }
0x11d: {  	[sflag:s13] =	ssyncadd.s32 $0xFFFFFF80  }
0x11e: {  	_ =	swait.ge [sflag:s13], $0x80  }
0x11f: {  	[sflag:s13] =	ssyncset.done $0x0  }
0x120: {  	[sflag:s13] =	ssyncadd.s32 $0xFFFFFF80  }
0x121: {  	_ =	swait.ge [sflag:s13], $0x80  }
0x122: {  	[sflag:s13] =	ssyncset.done $0x0  }
0x123: {  	[sflag:s13] =	ssyncadd.s32 $0xFFFFFF80  }
0x124: {  	_ =	swait.ge [sflag:s13], $0x80  }
0x125: {  	[sflag:s13] =	ssyncset.done $0x0  }
0x126: {  	[sflag:s13] =	ssyncadd.s32 $0xFFFFFF80  }
0x127: {  	_ =	swait.ge [sflag:s13], $0x80  }
0x128: {  	[sflag:s13] =	ssyncset.done $0x0  }
0x129: {  	[sflag:s13] =	ssyncadd.s32 $0xFFFFFF80  }
0x12a: {  	_ =	swait.ge [sflag:s13], $0x80  }
0x12b: {  	[sflag:s13] =	ssyncset.done $0x0  }
0x12c: {  	[sflag:s13] =	ssyncadd.s32 $0xFFFFFF80  }
0x12d: {  	_ =	swait.ge [sflag:s13], $0x80  }
0x12e: {  	[sflag:s13] =	ssyncset.done $0x0  }
0x12f: {  	[sflag:s13] =	ssyncadd.s32 $0xFFFFFF80  }
0x130: {  	_ =	swait.ge [sflag:s13], $0x80  }
0x131: {  	[sflag:s13] =	ssyncset.done $0x0  }
0x132: {  	[sflag:s13] =	ssyncadd.s32 $0xFFFFFF80  }
0x133: {  	_ =	swait.ge [sflag:s13], $0x80  }
0x134: {  	[sflag:s13] =	ssyncset.done $0x0  }
0x135: {  	[sflag:s13] =	ssyncadd.s32 $0xFFFFFF80  }
0x136: {  	_ =	swait.ge [sflag:s13], $0x80  }
0x137: {  	[sflag:s13] =	ssyncset.done $0x0  }
0x138: {  	[sflag:s13] =	ssyncadd.s32 $0xFFFFFF80  }
0x139: {  	_ =	swait.ge [sflag:s13], $0x80  }
0x13a: {  	[sflag:s13] =	ssyncset.done $0x0  }
0x13b: {  	[sflag:s13] =	ssyncadd.s32 $0xFFFFFF80  }
0x13c: {  	_ =	swait.ge [sflag:s13], $0x80  }
0x13d: {  	[sflag:s13] =	ssyncset.done $0x0  }
0x13e: {  	[sflag:s13] =	ssyncadd.s32 $0xFFFFFF80  }
0x13f: {  	_ =	swait.ge [sflag:s13], $0x80  }
0x140: {  	[sflag:s13] =	ssyncset.done $0x0  }
0x141: {  	[sflag:s13] =	ssyncadd.s32 $0xFFFFFF80  }
0x142: {  	_ =	swait.ge [sflag:s13], $0x80  }
0x143: {  	[sflag:s13] =	ssyncset.done $0x0  }
0x144: {  	[sflag:s13] =	ssyncadd.s32 $0xFFFFFF80  }
0x145: {  	_ =	swait.ge [sflag:s13], $0x80  }
0x146: {  	[sflag:s13] =	ssyncset.done $0x0  }
0x147: {  	[sflag:s13] =	ssyncadd.s32 $0xFFFFFF80  }
0x148: {  	_ =	swait.ge [sflag:s13], $0x80  }
0x149: {  	[sflag:s13] =	ssyncset.done $0x0  }
0x14a: {  	[sflag:s13] =	ssyncadd.s32 $0xFFFFFF80  }
0x14b: {  	_ =	swait.ge [sflag:s13], $0x80  }
0x14c: {  	[sflag:s13] =	ssyncset.done $0x0  }
0x14d: {  	[sflag:s13] =	ssyncadd.s32 $0xFFFFFF80  }
0x14e: {  	_ =	swait.ge [sflag:s13], $0x80  }
0x14f: {  	[sflag:s13] =	ssyncset.done $0x0  }
0x150: {  	[sflag:s13] =	ssyncadd.s32 $0xFFFFFF80  }
0x151: {  	_ =	swait.ge [sflag:s13], $0x80  }
0x152: {  	[sflag:s13] =	ssyncset.done $0x0  }
0x153: {  	[sflag:s13] =	ssyncadd.s32 $0xFFFFFF80  }
0x154: {  	_ =	swait.ge [sflag:s13], $0x80  }
0x155: {  	[sflag:s13] =	ssyncset.done $0x0  }
0x156: {  	[sflag:s13] =	ssyncadd.s32 $0xFFFFFF80  }
0x157: {  	_ =	swait.ge [sflag:s13], $0x80  }
.Ltmp3:
0x158: {  	[sflag:s13] =	ssyncset.done $0x0;
	(pc) =	sbr.rel .LBB2_4-.Ltmp3, $4  }
0x159: {  	[sflag:s13] =	ssyncadd.s32 $0xFFFFFF80  }
0x15a: {  	_ =	swait.ge [sflag:s13], $0x80  }
0x15b: {  	[sflag:s13] =	ssyncset.done $0x0  }
0x15c: {  	[sflag:s13] =	ssyncadd.s32 $0xFFFFFF80  }
.LBB2_5:
0x15d: {  	p0 =	por $0x1, $0x1  }
.LBB2_6:
0x15e: {  	_ =	swait.ge [sflag:s13], $0x80  }
0x15f: {  	[sflag:s13] =	ssyncset.done $0x0  }
0x160: {  	[sflag:s13] =	ssyncadd.s32 $0xFFFFFF80  }
0x161: {  	_ =	swait.ge [sflag:s13], $0x80  }
0x162: {  	[sflag:s13] =	ssyncset.done $0x0  }
0x163: {  	[sflag:s13] =	ssyncadd.s32 $0xFFFFFF80  }
0x164: {  	_ =	swait.ge [sflag:s13], $0x80  }
0x165: {  	[sflag:s13] =	ssyncset.done $0x0  }
0x166: {  	[sflag:s13] =	ssyncadd.s32 $0xFFFFFF80  }
0x167: {  	_ =	swait.ge [sflag:s13], $0x80  }
0x168: {  	[sflag:s13] =	ssyncset.done $0x0  }
0x169: {  	[sflag:s13] =	ssyncadd.s32 $0xFFFFFF80  }
0x16a: {  	_ =	swait.ge [sflag:s13], $0x80  }
0x16b: {  	[sflag:s13] =	ssyncset.done $0x0  }
0x16c: {  	[sflag:s13] =	ssyncadd.s32 $0xFFFFFF80  }
0x16d: {  	_ =	swait.ge [sflag:s13], $0x80  }
0x16e: {  	[sflag:s13] =	ssyncset.done $0x0  }
0x16f: {  	[sflag:s13] =	ssyncadd.s32 $0xFFFFFF80  }
0x170: {  	_ =	swait.ge [sflag:s13], $0x80  }
0x171: {  	[sflag:s13] =	ssyncset.done $0x0  }
0x172: {  	[sflag:s13] =	ssyncadd.s32 $0xFFFFFF80  }
0x173: {  	_ =	swait.ge [sflag:s13], $0x80  }
0x174: {  	[sflag:s13] =	ssyncset.done $0x0  }
0x175: {  	[sflag:s13] =	ssyncadd.s32 $0xFFFFFF80  }
0x176: {  	_ =	swait.ge [sflag:s13], $0x80  }
0x177: {  	[sflag:s13] =	ssyncset.done $0x0  }
0x178: {  	[sflag:s13] =	ssyncadd.s32 $0xFFFFFF80  }
0x179: {  	_ =	swait.ge [sflag:s13], $0x80  }
0x17a: {  	[sflag:s13] =	ssyncset.done $0x0  }
0x17b: {  	[sflag:s13] =	ssyncadd.s32 $0xFFFFFF80  }
0x17c: {  	_ =	swait.ge [sflag:s13], $0x80  }
0x17d: {  	[sflag:s13] =	ssyncset.done $0x0  }
0x17e: {  	[sflag:s13] =	ssyncadd.s32 $0xFFFFFF80  }
0x17f: {  	_ =	swait.ge [sflag:s13], $0x80  }
0x180: {  	[sflag:s13] =	ssyncset.done $0x0  }
0x181: {  	[sflag:s13] =	ssyncadd.s32 $0xFFFFFF80  }
0x182: {  	_ =	swait.ge [sflag:s13], $0x80  }
0x183: {  	[sflag:s13] =	ssyncset.done $0x0  }
0x184: {  	[sflag:s13] =	ssyncadd.s32 $0xFFFFFF80  }
0x185: {  	_ =	swait.ge [sflag:s13], $0x80  }
0x186: {  	[sflag:s13] =	ssyncset.done $0x0  }
0x187: {  	[sflag:s13] =	ssyncadd.s32 $0xFFFFFF80  }
0x188: {  	_ =	swait.ge [sflag:s13], $0x80  }
0x189: {  	[sflag:s13] =	ssyncset.done $0x0  }
0x18a: {  	[sflag:s13] =	ssyncadd.s32 $0xFFFFFF80  }
0x18b: {  	_ =	swait.ge [sflag:s13], $0x80  }
0x18c: {  	[sflag:s13] =	ssyncset.done $0x0  }
0x18d: {  	[sflag:s13] =	ssyncadd.s32 $0xFFFFFF80  }
0x18e: {  	_ =	swait.ge [sflag:s13], $0x80  }
0x18f: {  	[sflag:s13] =	ssyncset.done $0x0  }
0x190: {  	[sflag:s13] =	ssyncadd.s32 $0xFFFFFF80  }
0x191: {  	_ =	swait.ge [sflag:s13], $0x80  }
0x192: {  	[sflag:s13] =	ssyncset.done $0x0  }
0x193: {  	[sflag:s13] =	ssyncadd.s32 $0xFFFFFF80  }
0x194: {  	_ =	swait.ge [sflag:s13], $0x80  }
0x195: {  	[sflag:s13] =	ssyncset.done $0x0  }
0x196: {  	[sflag:s13] =	ssyncadd.s32 $0xFFFFFF80  }
0x197: {  	_ =	swait.ge [sflag:s13], $0x80  }
0x198: {  	[sflag:s13] =	ssyncset.done $0x0  }
0x199: {  	[sflag:s13] =	ssyncadd.s32 $0xFFFFFF80  }
0x19a: {  	_ =	swait.ge [sflag:s13], $0x80  }
0x19b: {  	[sflag:s13] =	ssyncset.done $0x0  }
0x19c: {  	[sflag:s13] =	ssyncadd.s32 $0xFFFFFF80  }
0x19d: {  	_ =	swait.ge [sflag:s13], $0x80  }
0x19e: {  	[sflag:s13] =	ssyncset.done $0x0  }
0x19f: {  	[sflag:s13] =	ssyncadd.s32 $0xFFFFFF80  }
0x1a0: {  	_ =	swait.ge [sflag:s13], $0x80  }
0x1a1: {  	[sflag:s13] =	ssyncset.done $0x0  }
0x1a2: {  	[sflag:s13] =	ssyncadd.s32 $0xFFFFFF80  }
0x1a3: {  	_ =	swait.ge [sflag:s13], $0x80  }
0x1a4: {  	[sflag:s13] =	ssyncset.done $0x0  }
0x1a5: {  	[sflag:s13] =	ssyncadd.s32 $0xFFFFFF80  }
0x1a6: {  	_ =	swait.ge [sflag:s13], $0x80  }
0x1a7: {  	[sflag:s13] =	ssyncset.done $0x0  }
0x1a8: {  	[sflag:s13] =	ssyncadd.s32 $0xFFFFFF80  }
0x1a9: {  	_ =	swait.ge [sflag:s13], $0x80  }
0x1aa: {  	[sflag:s13] =	ssyncset.done $0x0  }
0x1ab: {  	[sflag:s13] =	ssyncadd.s32 $0xFFFFFF80  }
0x1ac: {  	_ =	swait.ge [sflag:s13], $0x80  }
0x1ad: {  	[sflag:s13] =	ssyncset.done $0x0  }
0x1ae: {  	[sflag:s13] =	ssyncadd.s32 $0xFFFFFF80  }
0x1af: {  	_ =	swait.ge [sflag:s13], $0x80  }
0x1b0: {  	[sflag:s13] =	ssyncset.done $0x0  }
0x1b1: {  	[sflag:s13] =	ssyncadd.s32 $0xFFFFFF80  }
0x1b2: {  	_ =	swait.ge [sflag:s13], $0x80  }
0x1b3: {  	[sflag:s13] =	ssyncset.done $0x0  }
0x1b4: {  	[sflag:s13] =	ssyncadd.s32 $0xFFFFFF80  }
0x1b5: {  	_ =	swait.ge [sflag:s13], $0x80  }
0x1b6: {  	[sflag:s13] =	ssyncset.done $0x0  }
0x1b7: {  	[sflag:s13] =	ssyncadd.s32 $0xFFFFFF80  }
0x1b8: {  	_ =	swait.ge [sflag:s13], $0x80  }
0x1b9: {  	[sflag:s13] =	ssyncset.done $0x0  }
0x1ba: {  	[sflag:s13] =	ssyncadd.s32 $0xFFFFFF80  }
0x1bb: {  	_ =	swait.ge [sflag:s13], $0x80  }
0x1bc: {  	[sflag:s13] =	ssyncset.done $0x0  }
0x1bd: {  	[sflag:s13] =	ssyncadd.s32 $0xFFFFFF80  }
0x1be: {  	_ =	swait.ge [sflag:s13], $0x80  }
0x1bf: {  	[sflag:s13] =	ssyncset.done $0x0  }
0x1c0: {  	[sflag:s13] =	ssyncadd.s32 $0xFFFFFF80  }
0x1c1: {  	_ =	swait.ge [sflag:s13], $0x80  }
0x1c2: {  	[sflag:s13] =	ssyncset.done $0x0  }
0x1c3: {  	[sflag:s13] =	ssyncadd.s32 $0xFFFFFF80  }
0x1c4: {  	_ =	swait.ge [sflag:s13], $0x80  }
0x1c5: {  	[sflag:s13] =	ssyncset.done $0x0  }
0x1c6: {  	[sflag:s13] =	ssyncadd.s32 $0xFFFFFF80  }
0x1c7: {  	_ =	swait.ge [sflag:s13], $0x80  }
0x1c8: {  	[sflag:s13] =	ssyncset.done $0x0  }
0x1c9: {  	[sflag:s13] =	ssyncadd.s32 $0xFFFFFF80  }
0x1ca: {  	_ =	swait.ge [sflag:s13], $0x80  }
0x1cb: {  	[sflag:s13] =	ssyncset.done $0x0  }
0x1cc: {  	[sflag:s13] =	ssyncadd.s32 $0xFFFFFF80  }
0x1cd: {  	_ =	swait.ge [sflag:s13], $0x80  }
0x1ce: {  	[sflag:s13] =	ssyncset.done $0x0  }
0x1cf: {  	[sflag:s13] =	ssyncadd.s32 $0xFFFFFF80  }
0x1d0: {  	_ =	swait.ge [sflag:s13], $0x80  }
0x1d1: {  	[sflag:s13] =	ssyncset.done $0x0  }
0x1d2: {  	[sflag:s13] =	ssyncadd.s32 $0xFFFFFF80  }
0x1d3: {  	_ =	swait.ge [sflag:s13], $0x80  }
0x1d4: {  	[sflag:s13] =	ssyncset.done $0x0  }
0x1d5: {  	[sflag:s13] =	ssyncadd.s32 $0xFFFFFF80  }
0x1d6: {  	_ =	swait.ge [sflag:s13], $0x80  }
0x1d7: {  	[sflag:s13] =	ssyncset.done $0x0  }
0x1d8: {  	[sflag:s13] =	ssyncadd.s32 $0xFFFFFF80  }
0x1d9: {  	_ =	swait.ge [sflag:s13], $0x80  }
0x1da: {  	[sflag:s13] =	ssyncset.done $0x0  }
0x1db: {  	[sflag:s13] =	ssyncadd.s32 $0xFFFFFF80  }
0x1dc: {  	_ =	swait.ge [sflag:s13], $0x80  }
0x1dd: {  	[sflag:s13] =	ssyncset.done $0x0  }
0x1de: {  	[sflag:s13] =	ssyncadd.s32 $0xFFFFFF80  }
0x1df: {  	_ =	swait.ge [sflag:s13], $0x80  }
0x1e0: {  	[sflag:s13] =	ssyncset.done $0x0  }
0x1e1: {  	[sflag:s13] =	ssyncadd.s32 $0xFFFFFF80  }
0x1e2: {  	_ =	swait.ge [sflag:s13], $0x80  }
0x1e3: {  	[sflag:s13] =	ssyncset.done $0x0  }
0x1e4: {  	[sflag:s13] =	ssyncadd.s32 $0xFFFFFF80  }
0x1e5: {  	_ =	swait.ge [sflag:s13], $0x80  }
0x1e6: {  	[sflag:s13] =	ssyncset.done $0x0  }
0x1e7: {  	[sflag:s13] =	ssyncadd.s32 $0xFFFFFF80  }
0x1e8: {  	p1 =	por p0, p0;
	_ =	swait.ge [sflag:s13], $0x80  }
.Ltmp4:
0x1e9: {  	[sflag:s13] =	ssyncset.done $0x0;
	(pc) =	sbr.rel @p1 .LBB2_6-.Ltmp4, $4  }
0x1ea: {  	[sflag:s13] =	ssyncadd.s32 $0xFFFFFF80  }
0x1eb: {  	_ =	swait.ge [sflag:s13], $0x80  }
0x1ec: {  	[sflag:s13] =	ssyncset.done $0x0  }
0x1ed: {  	p0 =	por $0x0, $0x0;
	[sflag:s13] =	ssyncadd.s32 $0xFFFFFF80  }
0x1ee: {  	[hbm4b:s8+s2] =	stream.linear.scatter [tilespmem:s2], [sflag:$0x2], $0x4000, $0x38;
	[tilespmem:$0xC180] =	vst v63  }
0x1ef: {  	_ =	swait.ge [sflag:s12], $0x4000  }
0x1f0: {  	[sflag:s12] =	ssyncset.done $0x0  }
0x1f1: {  	[sflag:s12] =	ssyncadd.s32 $0xFFFFC000  }
0x1f2: {  	[hbm4b:s9+s2] =	stream.linear.scatter [tilespmem:s14], [sflag:$0x2], $0x4000, $0x38;
	[tilespmem:$0xC180] =	vst v63  }
0x1f3: {  	s16 =	sadd.s32 $0x1, s16;
	_ =	swait.ge [sflag:s12], $0x4000  }
0x1f4: {  	p0 =	sne.s32 s16, s11;
	[sflag:s12] =	ssyncset.done $0x0  }
.Ltmp5:
0x1f5: {  	[sflag:s12] =	ssyncadd.s32 $0xFFFFC000;
	(pc) =	sbr.rel @p0 .LBB2_1-.Ltmp5, $4  }
0x1f6: {  	[hbm4b:s10+s2] =	stream.linear.scatter [tilespmem:s15], [sflag:$0x2], $0x4000, $0x38;
	[tilespmem:$0xC180] =	vst v63  }
0x1f7: {  	_ =	swait.ge [sflag:s12], $0x4000  }
0x1f8: {  	[sflag:s12] =	ssyncset.done $0x0  }
0x1f9: {  	[sflag:s12] =	ssyncadd.s32 $0xFFFFC000  }
0x1fa: {  	_ =	sfence.sel $0x180000  }
0x1fb: {  	[bflag:$0x0] =	sbarrier.arrive $0xFFFF  }
0x1fc: {  	p0 =	sne.s32 s1, $0x0;
	_ =	strace $0x90000047  }
0x1fd: {  	s0 =	sadd.s32 @!p0 $0x100000, s0;
	[bflag:$0x2] =	sbarrier.arrive $0xFFFF  }
0x1fe: {  	[sflag:s0] =	ssyncadd.tile.s32 @!p0 $0x1;
	_ =	shalt  }
.Lfunc_end2:
_tile_overlayer_lowered:
.L_overlay_start_2:
0x1ff: {  	(tag) =	ssettag $0x2  }
0x200: {  	s0 =	rddreg [dreg:$0x0];
	s2 =	stileid.u32  }
0x201: {  	s1 =	rddreg [dreg:$0x1];
	p0 =	sne.s32 s2, $0x0  }
0x202: {  	s3 =	rddreg [dreg:$0x2];
	[bflag:$0x3] =	sbarrier.arrive $0xFFFF;
	s2 =	simm.s32 @!p0 $0x1C02  }
0x203: {  	[timem:s3], [sflag:s2] =	dma.local @!p0 [hbm:s0], s1  }
0x204: {  	s0 =	simm.s32 @!p0 $0x2  }
0x205: {  	_ =	swait.ge @!p0 [sflag:s0], s1  }
0x206: {  	s1 =	ssub.s32 @!p0 $0x0, s1;
	[sflag:s0] =	ssyncset.done @!p0 $0x0  }
0x207: {  	[sflag:s0] =	ssyncadd.s32 @!p0 s1  }
0x208: {  	[bflag:$0x3] =	sbarrier.arrive $0xFFFF  }
0x209: {  	_ =	shalt  }

</sc_bundles>
